<compile_context>
chip_gen: v7x
topology: tpu7x:2x2x1
jax: 0.10.2.dev20260603
libtpu: 0.0.44.dev20260713+nightly
codegen_flags: <defaults>
</compile_context>

<pallas_src>
import functools

import jax
import jax.numpy as jnp
from jax import lax
from jax.experimental import pallas as pl
from jax.experimental.pallas import tpu as pltpu
from jax.experimental.pallas import tpu_sc as plsc

N_NODES = 10000
N_EDGES = 320000
D_FEAT = 128
D_EDGE = 16

NC = 2
NS = 16
NW = NC * NS
G = 128
N_CHUNKS = N_EDGES // G
NCW = N_CHUNKS // NW
N_EXTRA = N_CHUNKS % NW
CHUNK_F32 = G * D_EDGE
HALF = CHUNK_F32 // 2
BAND_F32 = N_CHUNKS * 8 * G
NSLOT = 3
NTRI = NCW // NSLOT


def _tc_tables(x_ref, w_ref, b_ref, p_ref, q_ref):
    res = jnp.dot(x_ref[...], w_ref[...], preferred_element_type=jnp.float32)
    p_ref[...] = res[:, :D_EDGE]
    q_ref[...] = res[:, D_EDGE:] + b_ref[...]


_mesh = plsc.VectorSubcoreMesh(core_axis_name="c", subcore_axis_name="s")


@functools.partial(
    pl.kernel,
    mesh=_mesh,
    compiler_params=pltpu.CompilerParams(use_tc_tiling_on_sc=False,
                                         needs_layout_passes=False),
    out_type=jax.ShapeDtypeStruct((N_EDGES * D_EDGE,), jnp.float32),
    scratch_types=[
        pltpu.VMEM((NCW, 2, G), jnp.int32),
        pltpu.VMEM((NSLOT, G, D_EDGE), jnp.float32),
        pltpu.VMEM((NSLOT, G, D_EDGE), jnp.float32),
    ] + [pltpu.VMEM((CHUNK_F32,), jnp.float32)] * NSLOT
      + [pltpu.SemaphoreType.DMA]
      + [pltpu.SemaphoreType.DMA] * (2 * NSLOT),
)
def _sc_gather_add(p_hbm, q_hbm, ei_hbm, out_hbm,
                   eibuf, pbuf, qbuf, *rest):
    obuf = rest[:NSLOT]
    sem_i = rest[NSLOT]
    sem_g = rest[NSLOT + 1:2 * NSLOT + 1]
    sem_o = rest[2 * NSLOT + 1:]
    wid = lax.axis_index("s") * NC + lax.axis_index("c")
    start_c = NCW * wid + jnp.minimum(wid, N_EXTRA)
    iot = lax.iota(jnp.int32, 16) * G

    pltpu.async_copy(ei_hbm.at[pl.ds(start_c, NCW)], eibuf, sem_i).wait()

    def fire_gathers(g, s):
        pltpu.async_copy(p_hbm.at[eibuf.at[g, 0]], pbuf.at[s], sem_g[s])
        pltpu.async_copy(q_hbm.at[eibuf.at[g, 1]], qbuf.at[s], sem_g[s])

    def wait_gathers(s):
        pltpu.make_async_copy(p_hbm.at[eibuf.at[0, 0]],
                              pbuf.at[s], sem_g[s]).wait()
        pltpu.make_async_copy(q_hbm.at[eibuf.at[0, 1]],
                              qbuf.at[s], sem_g[s]).wait()

    def add_rows(s):
        @plsc.parallel_loop(0, G, unroll=8)
        def row(i):
            val = pbuf[s, i, :] + qbuf[s, i, :]
            plsc.store_scatter(obuf[s], [iot + i], val)

    def fire_store_at(c, s, sem):
        pltpu.async_copy(obuf[s].at[pl.ds(0, HALF)],
                         out_hbm.at[pl.ds(c * HALF, HALF)], sem)
        pltpu.async_copy(obuf[s].at[pl.ds(HALF, HALF)],
                         out_hbm.at[pl.ds(BAND_F32 + c * HALF, HALF)], sem)

    def wait_store(s):
        pltpu.make_async_copy(obuf[s].at[pl.ds(0, HALF)],
                              out_hbm.at[pl.ds(0, HALF)], sem_o[s]).wait()
        pltpu.make_async_copy(obuf[s].at[pl.ds(0, HALF)],
                              out_hbm.at[pl.ds(0, HALF)], sem_o[s]).wait()

    def chunk(c, s, first, fire_next):
        wait_gathers(s)
        if not first:
            wait_store(s)
        add_rows(s)
        fire_store_at(start_c + c, s, sem_o[s])
        if fire_next:
            fire_gathers(c + NSLOT, s)

    for s in range(NSLOT):
        fire_gathers(s, s)
    for j in range(NSLOT):
        chunk(j, j, first=True, fire_next=True)

    def body(m, cy):
        for j in range(NSLOT):
            chunk(NSLOT * m + j, j, first=False, fire_next=True)
        return cy

    lax.fori_loop(1, NTRI - 1, body, 0)
    for j in range(NSLOT):
        chunk(NSLOT * (NTRI - 1) + j, j, first=False, fire_next=False)
    for s in range(NSLOT):
        wait_store(s)

    @pl.when(wid < N_EXTRA)
    def _extra():
        ec = start_c + NCW
        pltpu.sync_copy(ei_hbm.at[pl.ds(ec, 1)], eibuf.at[pl.ds(0, 1)])
        fire_gathers(0, 0)
        wait_gathers(0)
        add_rows(0)
        fire_store_at(ec, 0, sem_o[0])
        wait_store(0)


def kernel(x, edge_index, pos, W, b):
    wcat = jnp.concatenate([W[:D_FEAT, :], W[D_FEAT:, :]], axis=1)
    p, q = pl.pallas_call(
        _tc_tables,
        out_shape=[
            jax.ShapeDtypeStruct((N_NODES, D_EDGE), jnp.float32),
            jax.ShapeDtypeStruct((N_NODES, D_EDGE), jnp.float32),
        ],
    )(x, wcat, b.reshape(1, D_EDGE))
    ei3 = edge_index.reshape(2, N_CHUNKS, G).transpose(1, 0, 2)
    flat = _sc_gather_add(p, q, ei3)
    arr = flat.reshape(2, N_CHUNKS, 8, G)
    return arr.transpose(1, 3, 0, 2).reshape(N_EDGES, D_EDGE)

# --- scband reference (transcript-rebuilt; emitter-appended) ---
"""Pipeline reference for scband-edge-block-40827959116111 (READ-ONLY COPY).

The authoritative reference and input builder live on the scoring server;
editing this copy changes nothing except your own understanding.
"""

import jax, jax.numpy as jnp
import numpy as np

N_NODES = 10000
N_EDGES = 320000
D_FEAT = 128
D_EDGE = 16


def setup_inputs(seed: int = 0) -> dict:
    key = jax.random.key(seed)
    k1, k2, k3, k4, k5 = jax.random.split(key, 5)
    x = jax.random.normal(k1, (N_NODES, D_FEAT), dtype=jnp.float32)
    edge_index = jax.random.randint(k2, (2, N_EDGES), 0, N_NODES, dtype=jnp.int32)
    pos = jax.random.normal(k3, (N_NODES, 3), dtype=jnp.float32)
    # model_fn parameters: Linear(2*D_FEAT -> D_EDGE)
    W = jax.random.normal(k4, (2 * D_FEAT, D_EDGE), dtype=jnp.float32) * (1.0 / np.sqrt(2 * D_FEAT))
    b = jax.random.normal(k5, (D_EDGE,), dtype=jnp.float32) * 0.01
    return {"x": x, "edge_index": edge_index, "pos": pos, "W": W, "b": b}


def reference(x, edge_index, pos, W, b):
    # EdgeBlock.forward: gather sender/receiver node features, concat, apply model_fn
    src_feat = jnp.take(x, edge_index[0], axis=0)   # [E, D_FEAT]
    dst_feat = jnp.take(x, edge_index[1], axis=0)   # [E, D_FEAT]
    edge_inputs = jnp.concatenate([src_feat, dst_feat], axis=1)  # [E, 2*D_FEAT]
    edge_attr_ = edge_inputs @ W + b                # model_fn = Linear(256, 16)
    # returned Data(x=x, edge_attr=edge_attr_, edge_index=edge_index, pos=pos)
    return edge_attr_

if __name__ == "__main__":
    import jax
    _d = setup_inputs()
    print(jax.jit(kernel)(*tuple(_d.values())))

</pallas_src>

<mosaic_0001>
#map = affine_map<(d0, d1) -> (0, 0)>
#map1 = affine_map<(d0, d1) -> (0, 0, 0)>
#map2 = affine_map<(d0, d1) -> (0)>
module attributes {stable_mosaic.version = 14 : i64} {
  func.func @_sc_gather_add(%arg0: i32, %arg1: i32, %arg2: memref<10000x16xf32, #tpu.memory_space<hbm>>, %arg3: memref<10000x16xf32, #tpu.memory_space<hbm>>, %arg4: memref<2500x2x128xi32, #tpu.memory_space<hbm>>, %arg5: memref<5120000xf32, #tpu.memory_space<hbm>>, %arg6: memref<78x2x128xi32, #tpu.memory_space<vmem>>, %arg7: memref<3x128x16xf32, #tpu.memory_space<vmem>>, %arg8: memref<3x128x16xf32, #tpu.memory_space<vmem>>, %arg9: memref<2048xf32, #tpu.memory_space<vmem>>, %arg10: memref<2048xf32, #tpu.memory_space<vmem>>, %arg11: memref<2048xf32, #tpu.memory_space<vmem>>, %arg12: memref<!tpu.dma_semaphore, #tpu.memory_space<semaphore_mem>>, %arg13: memref<!tpu.dma_semaphore, #tpu.memory_space<semaphore_mem>>, %arg14: memref<!tpu.dma_semaphore, #tpu.memory_space<semaphore_mem>>, %arg15: memref<!tpu.dma_semaphore, #tpu.memory_space<semaphore_mem>>, %arg16: memref<!tpu.dma_semaphore, #tpu.memory_space<semaphore_mem>>, %arg17: memref<!tpu.dma_semaphore, #tpu.memory_space<semaphore_mem>>, %arg18: memref<!tpu.dma_semaphore, #tpu.memory_space<semaphore_mem>>) attributes {dimension_semantics = [#tpu.dimension_semantics<core_parallel>, #tpu.dimension_semantics<subcore_parallel>], iteration_bounds = array<i64: 2, 16>, scalar_prefetch = 0 : i64, scratch_operands = 13 : i64, tpu.core_type = #tpu.core_type<sc_vector_subcore>, window_params = [{transform_indices = #map}, {transform_indices = #map}, {transform_indices = #map1}, {transform_indices = #map2}]} {
    %mul3A = arith.constant 2 : i32
    %mul3A_0 = arith.muli %arg1, %mul3A : i32
    %add3A = arith.addi %mul3A_0, %arg0 : i32
    %mul3A_1 = arith.constant 78 : i32
    %mul3A_2 = arith.muli %mul3A_1, %add3A : i32
    %min3A = arith.constant 4 : i32
    %min3A_3 = arith.minsi %add3A, %min3A : i32
    %add3A_4 = arith.addi %mul3A_2, %min3A_3 : i32
    %iota3A = tpu.iota {dimensions = array<i32: 0>} : vector<16xi32>
    %mul3A_5 = arith.constant 128 : i32
    %mul3A_6 = vector.broadcast %mul3A_5 : i32 to vector<16xi32>
    %mul3A_7 = arith.muli %iota3A, %mul3A_6 : vector<16xi32>
    %dma_start3A = arith.constant 0 : i32
    %dma_start3A_8 = arith.constant 0 : i32
    %dma_start3A_9 = tpu.memref_slice %arg4[%add3A_4, %dma_start3A, %dma_start3A_8] : memref<2500x2x128xi32, #tpu.memory_space<hbm>> -> memref<78x2x128xi32, #tpu.memory_space<hbm>>
    %dma_start3A_10 = arith.constant 0 : i32
    %dma_start3A_11 = arith.constant 0 : i32
    %dma_start3A_12 = tpu.memref_slice %arg4[%add3A_4, %dma_start3A_10, %dma_start3A_11] : memref<2500x2x128xi32, #tpu.memory_space<hbm>> -> memref<78x2x128xi32, #tpu.memory_space<hbm>>
    tpu.enqueue_dma source(%dma_start3A_12 : memref<78x2x128xi32, #tpu.memory_space<hbm>>) target(%arg6 : memref<78x2x128xi32, #tpu.memory_space<vmem>>) target_semaphore(%arg12 : memref<!tpu.dma_semaphore, #tpu.memory_space<semaphore_mem>>)
    %dma_wait3A = arith.constant 0 : i32
    %dma_wait3A_13 = arith.constant 0 : i32
    %dma_wait3A_14 = tpu.memref_slice %arg4[%add3A_4, %dma_wait3A, %dma_wait3A_13] : memref<2500x2x128xi32, #tpu.memory_space<hbm>> -> memref<78x2x128xi32, #tpu.memory_space<hbm>>
    %dma_wait3A_15 = arith.constant 0 : i32
    %dma_wait3A_16 = arith.constant 0 : i32
    %dma_wait3A_17 = tpu.memref_slice %arg4[%add3A_4, %dma_wait3A_15, %dma_wait3A_16] : memref<2500x2x128xi32, #tpu.memory_space<hbm>> -> memref<78x2x128xi32, #tpu.memory_space<hbm>>
    tpu.wait_dma2 semaphore(%arg12 : memref<!tpu.dma_semaphore, #tpu.memory_space<semaphore_mem>>) src(%dma_wait3A_17 : memref<78x2x128xi32, #tpu.memory_space<hbm>>) dst(%arg6 : memref<78x2x128xi32, #tpu.memory_space<vmem>>)
    %dma_start3A_18 = arith.constant 0 : i32
    %dma_start3A_19 = arith.constant 0 : i32
    %dma_start3A_20 = arith.constant 0 : i32
    %dma_start3A_21 = arith.constant 0 : i32
    %dma_start3A_22 = arith.constant 0 : i32
    %dma_start3A_23 = tpu.memref_slice %arg7[%dma_start3A_20, %dma_start3A_21, %dma_start3A_22] : memref<3x128x16xf32, #tpu.memory_space<vmem>> -> memref<1x128x16xf32, #tpu.memory_space<vmem>>
    %dma_start3A_24 = tpu.memref_squeeze %dma_start3A_23 : memref<1x128x16xf32, #tpu.memory_space<vmem>> -> memref<128x16xf32, #tpu.memory_space<vmem>>
    %dma_start3A_25 = arith.constant 0 : i32
    %dma_start3A_26 = tpu.memref_slice %arg6[%dma_start3A_18, %dma_start3A_19, %dma_start3A_25] : memref<78x2x128xi32, #tpu.memory_space<vmem>> -> memref<1x1x128xi32, #tpu.memory_space<vmem>>
    %dma_start3A_27 = tpu.memref_squeeze %dma_start3A_26 : memref<1x1x128xi32, #tpu.memory_space<vmem>> -> memref<128xi32, #tpu.memory_space<vmem>>
    %dma_start3A_28 = arith.constant 0 : i32
    %dma_start3A_29 = arith.constant 0 : i32
    %dma_start3A_30 = tpu.memref_slice %arg2[%dma_start3A_28, %dma_start3A_29] : memref<10000x16xf32, #tpu.memory_space<hbm>> -> memref<10000x16xf32, #tpu.memory_space<hbm>>
    tpu.enqueue_indirect_dma source(%dma_start3A_30 : memref<10000x16xf32, #tpu.memory_space<hbm>>) target(%dma_start3A_24 : memref<128x16xf32, #tpu.memory_space<vmem>>) offsets(%dma_start3A_27 : memref<128xi32, #tpu.memory_space<vmem>>) semaphore(%arg13 : memref<!tpu.dma_semaphore, #tpu.memory_space<semaphore_mem>>)
    %dma_start3A_31 = arith.constant 0 : i32
    %dma_start3A_32 = arith.constant 1 : i32
    %dma_start3A_33 = arith.constant 0 : i32
    %dma_start3A_34 = arith.constant 0 : i32
    %dma_start3A_35 = arith.constant 0 : i32
    %dma_start3A_36 = tpu.memref_slice %arg8[%dma_start3A_33, %dma_start3A_34, %dma_start3A_35] : memref<3x128x16xf32, #tpu.memory_space<vmem>> -> memref<1x128x16xf32, #tpu.memory_space<vmem>>
    %dma_start3A_37 = tpu.memref_squeeze %dma_start3A_36 : memref<1x128x16xf32, #tpu.memory_space<vmem>> -> memref<128x16xf32, #tpu.memory_space<vmem>>
    %dma_start3A_38 = arith.constant 0 : i32
    %dma_start3A_39 = tpu.memref_slice %arg6[%dma_start3A_31, %dma_start3A_32, %dma_start3A_38] : memref<78x2x128xi32, #tpu.memory_space<vmem>> -> memref<1x1x128xi32, #tpu.memory_space<vmem>>
    %dma_start3A_40 = tpu.memref_squeeze %dma_start3A_39 : memref<1x1x128xi32, #tpu.memory_space<vmem>> -> memref<128xi32, #tpu.memory_space<vmem>>
    %dma_start3A_41 = arith.constant 0 : i32
    %dma_start3A_42 = arith.constant 0 : i32
    %dma_start3A_43 = tpu.memref_slice %arg3[%dma_start3A_41, %dma_start3A_42] : memref<10000x16xf32, #tpu.memory_space<hbm>> -> memref<10000x16xf32, #tpu.memory_space<hbm>>
    tpu.enqueue_indirect_dma source(%dma_start3A_43 : memref<10000x16xf32, #tpu.memory_space<hbm>>) target(%dma_start3A_37 : memref<128x16xf32, #tpu.memory_space<vmem>>) offsets(%dma_start3A_40 : memref<128xi32, #tpu.memory_space<vmem>>) semaphore(%arg13 : memref<!tpu.dma_semaphore, #tpu.memory_space<semaphore_mem>>)
    %dma_start3A_44 = arith.constant 1 : i32
    %dma_start3A_45 = arith.constant 0 : i32
    %dma_start3A_46 = arith.constant 1 : i32
    %dma_start3A_47 = arith.constant 0 : i32
    %dma_start3A_48 = arith.constant 0 : i32
    %dma_start3A_49 = tpu.memref_slice %arg7[%dma_start3A_46, %dma_start3A_47, %dma_start3A_48] : memref<3x128x16xf32, #tpu.memory_space<vmem>> -> memref<1x128x16xf32, #tpu.memory_space<vmem>>
    %dma_start3A_50 = tpu.memref_squeeze %dma_start3A_49 : memref<1x128x16xf32, #tpu.memory_space<vmem>> -> memref<128x16xf32, #tpu.memory_space<vmem>>
    %dma_start3A_51 = arith.constant 0 : i32
    %dma_start3A_52 = tpu.memref_slice %arg6[%dma_start3A_44, %dma_start3A_45, %dma_start3A_51] : memref<78x2x128xi32, #tpu.memory_space<vmem>> -> memref<1x1x128xi32, #tpu.memory_space<vmem>>
    %dma_start3A_53 = tpu.memref_squeeze %dma_start3A_52 : memref<1x1x128xi32, #tpu.memory_space<vmem>> -> memref<128xi32, #tpu.memory_space<vmem>>
    %dma_start3A_54 = arith.constant 0 : i32
    %dma_start3A_55 = arith.constant 0 : i32
    %dma_start3A_56 = tpu.memref_slice %arg2[%dma_start3A_54, %dma_start3A_55] : memref<10000x16xf32, #tpu.memory_space<hbm>> -> memref<10000x16xf32, #tpu.memory_space<hbm>>
    tpu.enqueue_indirect_dma source(%dma_start3A_56 : memref<10000x16xf32, #tpu.memory_space<hbm>>) target(%dma_start3A_50 : memref<128x16xf32, #tpu.memory_space<vmem>>) offsets(%dma_start3A_53 : memref<128xi32, #tpu.memory_space<vmem>>) semaphore(%arg14 : memref<!tpu.dma_semaphore, #tpu.memory_space<semaphore_mem>>)
    %dma_start3A_57 = arith.constant 1 : i32
    %dma_start3A_58 = arith.constant 1 : i32
    %dma_start3A_59 = arith.constant 1 : i32
    %dma_start3A_60 = arith.constant 0 : i32
    %dma_start3A_61 = arith.constant 0 : i32
    %dma_start3A_62 = tpu.memref_slice %arg8[%dma_start3A_59, %dma_start3A_60, %dma_start3A_61] : memref<3x128x16xf32, #tpu.memory_space<vmem>> -> memref<1x128x16xf32, #tpu.memory_space<vmem>>
    %dma_start3A_63 = tpu.memref_squeeze %dma_start3A_62 : memref<1x128x16xf32, #tpu.memory_space<vmem>> -> memref<128x16xf32, #tpu.memory_space<vmem>>
    %dma_start3A_64 = arith.constant 0 : i32
    %dma_start3A_65 = tpu.memref_slice %arg6[%dma_start3A_57, %dma_start3A_58, %dma_start3A_64] : memref<78x2x128xi32, #tpu.memory_space<vmem>> -> memref<1x1x128xi32, #tpu.memory_space<vmem>>
    %dma_start3A_66 = tpu.memref_squeeze %dma_start3A_65 : memref<1x1x128xi32, #tpu.memory_space<vmem>> -> memref<128xi32, #tpu.memory_space<vmem>>
    %dma_start3A_67 = arith.constant 0 : i32
    %dma_start3A_68 = arith.constant 0 : i32
    %dma_start3A_69 = tpu.memref_slice %arg3[%dma_start3A_67, %dma_start3A_68] : memref<10000x16xf32, #tpu.memory_space<hbm>> -> memref<10000x16xf32, #tpu.memory_space<hbm>>
    tpu.enqueue_indirect_dma source(%dma_start3A_69 : memref<10000x16xf32, #tpu.memory_space<hbm>>) target(%dma_start3A_63 : memref<128x16xf32, #tpu.memory_space<vmem>>) offsets(%dma_start3A_66 : memref<128xi32, #tpu.memory_space<vmem>>) semaphore(%arg14 : memref<!tpu.dma_semaphore, #tpu.memory_space<semaphore_mem>>)
    %dma_start3A_70 = arith.constant 2 : i32
    %dma_start3A_71 = arith.constant 0 : i32
    %dma_start3A_72 = arith.constant 2 : i32
    %dma_start3A_73 = arith.constant 0 : i32
    %dma_start3A_74 = arith.constant 0 : i32
    %dma_start3A_75 = tpu.memref_slice %arg7[%dma_start3A_72, %dma_start3A_73, %dma_start3A_74] : memref<3x128x16xf32, #tpu.memory_space<vmem>> -> memref<1x128x16xf32, #tpu.memory_space<vmem>>
    %dma_start3A_76 = tpu.memref_squeeze %dma_start3A_75 : memref<1x128x16xf32, #tpu.memory_space<vmem>> -> memref<128x16xf32, #tpu.memory_space<vmem>>
    %dma_start3A_77 = arith.constant 0 : i32
    %dma_start3A_78 = tpu.memref_slice %arg6[%dma_start3A_70, %dma_start3A_71, %dma_start3A_77] : memref<78x2x128xi32, #tpu.memory_space<vmem>> -> memref<1x1x128xi32, #tpu.memory_space<vmem>>
    %dma_start3A_79 = tpu.memref_squeeze %dma_start3A_78 : memref<1x1x128xi32, #tpu.memory_space<vmem>> -> memref<128xi32, #tpu.memory_space<vmem>>
    %dma_start3A_80 = arith.constant 0 : i32
    %dma_start3A_81 = arith.constant 0 : i32
    %dma_start3A_82 = tpu.memref_slice %arg2[%dma_start3A_80, %dma_start3A_81] : memref<10000x16xf32, #tpu.memory_space<hbm>> -> memref<10000x16xf32, #tpu.memory_space<hbm>>
    tpu.enqueue_indirect_dma source(%dma_start3A_82 : memref<10000x16xf32, #tpu.memory_space<hbm>>) target(%dma_start3A_76 : memref<128x16xf32, #tpu.memory_space<vmem>>) offsets(%dma_start3A_79 : memref<128xi32, #tpu.memory_space<vmem>>) semaphore(%arg15 : memref<!tpu.dma_semaphore, #tpu.memory_space<semaphore_mem>>)
    %dma_start3A_83 = arith.constant 2 : i32
    %dma_start3A_84 = arith.constant 1 : i32
    %dma_start3A_85 = arith.constant 2 : i32
    %dma_start3A_86 = arith.constant 0 : i32
    %dma_start3A_87 = arith.constant 0 : i32
    %dma_start3A_88 = tpu.memref_slice %arg8[%dma_start3A_85, %dma_start3A_86, %dma_start3A_87] : memref<3x128x16xf32, #tpu.memory_space<vmem>> -> memref<1x128x16xf32, #tpu.memory_space<vmem>>
    %dma_start3A_89 = tpu.memref_squeeze %dma_start3A_88 : memref<1x128x16xf32, #tpu.memory_space<vmem>> -> memref<128x16xf32, #tpu.memory_space<vmem>>
    %dma_start3A_90 = arith.constant 0 : i32
    %dma_start3A_91 = tpu.memref_slice %arg6[%dma_start3A_83, %dma_start3A_84, %dma_start3A_90] : memref<78x2x128xi32, #tpu.memory_space<vmem>> -> memref<1x1x128xi32, #tpu.memory_space<vmem>>
    %dma_start3A_92 = tpu.memref_squeeze %dma_start3A_91 : memref<1x1x128xi32, #tpu.memory_space<vmem>> -> memref<128xi32, #tpu.memory_space<vmem>>
    %dma_start3A_93 = arith.constant 0 : i32
    %dma_start3A_94 = arith.constant 0 : i32
    %dma_start3A_95 = tpu.memref_slice %arg3[%dma_start3A_93, %dma_start3A_94] : memref<10000x16xf32, #tpu.memory_space<hbm>> -> memref<10000x16xf32, #tpu.memory_space<hbm>>
    tpu.enqueue_indirect_dma source(%dma_start3A_95 : memref<10000x16xf32, #tpu.memory_space<hbm>>) target(%dma_start3A_89 : memref<128x16xf32, #tpu.memory_space<vmem>>) offsets(%dma_start3A_92 : memref<128xi32, #tpu.memory_space<vmem>>) semaphore(%arg15 : memref<!tpu.dma_semaphore, #tpu.memory_space<semaphore_mem>>)
    %dma_wait3A_96 = arith.constant 0 : i32
    %dma_wait3A_97 = arith.constant 0 : i32
    %dma_wait3A_98 = arith.constant 0 : i32
    %dma_wait3A_99 = arith.constant 0 : i32
    %dma_wait3A_100 = arith.constant 0 : i32
    %dma_wait3A_101 = tpu.memref_slice %arg7[%dma_wait3A_98, %dma_wait3A_99, %dma_wait3A_100] : memref<3x128x16xf32, #tpu.memory_space<vmem>> -> memref<1x128x16xf32, #tpu.memory_space<vmem>>
    %dma_wait3A_102 = tpu.memref_squeeze %dma_wait3A_101 : memref<1x128x16xf32, #tpu.memory_space<vmem>> -> memref<128x16xf32, #tpu.memory_space<vmem>>
    %dma_wait3A_103 = arith.constant 0 : i32
    %dma_wait3A_104 = tpu.memref_slice %arg6[%dma_wait3A_96, %dma_wait3A_97, %dma_wait3A_103] : memref<78x2x128xi32, #tpu.memory_space<vmem>> -> memref<1x1x128xi32, #tpu.memory_space<vmem>>
    %dma_wait3A_105 = tpu.memref_squeeze %dma_wait3A_104 : memref<1x1x128xi32, #tpu.memory_space<vmem>> -> memref<128xi32, #tpu.memory_space<vmem>>
    %dma_wait3A_106 = arith.constant 0 : i32
    %dma_wait3A_107 = arith.constant 0 : i32
    %dma_wait3A_108 = tpu.memref_slice %arg2[%dma_wait3A_106, %dma_wait3A_107] : memref<10000x16xf32, #tpu.memory_space<hbm>> -> memref<10000x16xf32, #tpu.memory_space<hbm>>
    tpu.wait_indirect_dma semaphore(%arg13 : memref<!tpu.dma_semaphore, #tpu.memory_space<semaphore_mem>>) src(%dma_wait3A_108 : memref<10000x16xf32, #tpu.memory_space<hbm>>) dst(%dma_wait3A_102 : memref<128x16xf32, #tpu.memory_space<vmem>>)
    %dma_wait3A_109 = arith.constant 0 : i32
    %dma_wait3A_110 = arith.constant 1 : i32
    %dma_wait3A_111 = arith.constant 0 : i32
    %dma_wait3A_112 = arith.constant 0 : i32
    %dma_wait3A_113 = arith.constant 0 : i32
    %dma_wait3A_114 = tpu.memref_slice %arg8[%dma_wait3A_111, %dma_wait3A_112, %dma_wait3A_113] : memref<3x128x16xf32, #tpu.memory_space<vmem>> -> memref<1x128x16xf32, #tpu.memory_space<vmem>>
    %dma_wait3A_115 = tpu.memref_squeeze %dma_wait3A_114 : memref<1x128x16xf32, #tpu.memory_space<vmem>> -> memref<128x16xf32, #tpu.memory_space<vmem>>
    %dma_wait3A_116 = arith.constant 0 : i32
    %dma_wait3A_117 = tpu.memref_slice %arg6[%dma_wait3A_109, %dma_wait3A_110, %dma_wait3A_116] : memref<78x2x128xi32, #tpu.memory_space<vmem>> -> memref<1x1x128xi32, #tpu.memory_space<vmem>>
    %dma_wait3A_118 = tpu.memref_squeeze %dma_wait3A_117 : memref<1x1x128xi32, #tpu.memory_space<vmem>> -> memref<128xi32, #tpu.memory_space<vmem>>
    %dma_wait3A_119 = arith.constant 0 : i32
    %dma_wait3A_120 = arith.constant 0 : i32
    %dma_wait3A_121 = tpu.memref_slice %arg3[%dma_wait3A_119, %dma_wait3A_120] : memref<10000x16xf32, #tpu.memory_space<hbm>> -> memref<10000x16xf32, #tpu.memory_space<hbm>>
    tpu.wait_indirect_dma semaphore(%arg13 : memref<!tpu.dma_semaphore, #tpu.memory_space<semaphore_mem>>) src(%dma_wait3A_121 : memref<10000x16xf32, #tpu.memory_space<hbm>>) dst(%dma_wait3A_115 : memref<128x16xf32, #tpu.memory_space<vmem>>)
    %parallel_loop3A = arith.constant 0 : i32
    %parallel_loop3A_122 = arith.constant 128 : i32
    %parallel_loop3A_123 = arith.constant 1 : i32
    scf.for %parallel_loop3A_570 = %parallel_loop3A to %parallel_loop3A_122 step %parallel_loop3A_123  : i32 {
      %parallel_loop3A_571 = arith.constant 0 : i32
      %parallel_loop3A_572 = arith.index_cast %parallel_loop3A_571 : i32 to index
      %parallel_loop3A_573 = arith.index_cast %parallel_loop3A_570 : i32 to index
      %parallel_loop3A_574 = arith.constant 0 : index
      %parallel_loop3A_575 = tpu.vector_load %arg7[%parallel_loop3A_572, %parallel_loop3A_573, %parallel_loop3A_574] {strides = array<i32>} : memref<3x128x16xf32, #tpu.memory_space<vmem>>, vector<16xf32>,
      %parallel_loop3A_576 = arith.constant 0 : i32
      %parallel_loop3A_577 = arith.index_cast %parallel_loop3A_576 : i32 to index
      %parallel_loop3A_578 = arith.index_cast %parallel_loop3A_570 : i32 to index
      %parallel_loop3A_579 = arith.constant 0 : index
      %parallel_loop3A_580 = tpu.vector_load %arg8[%parallel_loop3A_577, %parallel_loop3A_578, %parallel_loop3A_579] {strides = array<i32>} : memref<3x128x16xf32, #tpu.memory_space<vmem>>, vector<16xf32>,
      %parallel_loop3A_581 = arith.addf %parallel_loop3A_575, %parallel_loop3A_580 : vector<16xf32>
      %parallel_loop3A_582 = vector.broadcast %parallel_loop3A_570 : i32 to vector<16xi32>
      %parallel_loop3A_583 = arith.addi %mul3A_7, %parallel_loop3A_582 : vector<16xi32>
      tpu.vector_store_idx %arg9[%parallel_loop3A_583], %parallel_loop3A_581 : memref<2048xf32, #tpu.memory_space<vmem>>[vector<16xi32>], vector<16xf32>,
    } {sc.loop_unroll_factor = 8 : i64, sc.parallel_access}
    %add3A_124 = arith.constant 0 : i32
    %add3A_125 = arith.addi %add3A_4, %add3A_124 : i32
    %mul3A_126 = arith.constant 1024 : i32
    %mul3A_127 = arith.muli %add3A_125, %mul3A_126 : i32
    %dma_start3A_128 = arith.constant 0 : i32
    %dma_start3A_129 = tpu.memref_slice %arg9[%dma_start3A_128] : memref<2048xf32, #tpu.memory_space<vmem>> -> memref<1024xf32, #tpu.memory_space<vmem>>
    %dma_start3A_130 = tpu.memref_slice %arg5[%mul3A_127] : memref<5120000xf32, #tpu.memory_space<hbm>> -> memref<1024xf32, #tpu.memory_space<hbm>>
    %dma_start3A_131 = tpu.memref_slice %arg5[%mul3A_127] : memref<5120000xf32, #tpu.memory_space<hbm>> -> memref<1024xf32, #tpu.memory_space<hbm>>
    %dma_start3A_132 = arith.constant 0 : i32
    %dma_start3A_133 = tpu.memref_slice %arg9[%dma_start3A_132] : memref<2048xf32, #tpu.memory_space<vmem>> -> memref<1024xf32, #tpu.memory_space<vmem>>
    tpu.enqueue_dma source(%dma_start3A_133 : memref<1024xf32, #tpu.memory_space<vmem>>) target(%dma_start3A_131 : memref<1024xf32, #tpu.memory_space<hbm>>) target_semaphore(%arg16 : memref<!tpu.dma_semaphore, #tpu.memory_space<semaphore_mem>>)
    %mul3A_134 = arith.constant 1024 : i32
    %mul3A_135 = arith.muli %add3A_125, %mul3A_134 : i32
    %add3A_136 = arith.constant 2560000 : i32
    %add3A_137 = arith.addi %add3A_136, %mul3A_135 : i32
    %dma_start3A_138 = arith.constant 1024 : i32
    %dma_start3A_139 = tpu.memref_slice %arg9[%dma_start3A_138] : memref<2048xf32, #tpu.memory_space<vmem>> -> memref<1024xf32, #tpu.memory_space<vmem>>
    %dma_start3A_140 = tpu.memref_slice %arg5[%add3A_137] : memref<5120000xf32, #tpu.memory_space<hbm>> -> memref<1024xf32, #tpu.memory_space<hbm>>
    %dma_start3A_141 = tpu.memref_slice %arg5[%add3A_137] : memref<5120000xf32, #tpu.memory_space<hbm>> -> memref<1024xf32, #tpu.memory_space<hbm>>
    %dma_start3A_142 = arith.constant 1024 : i32
    %dma_start3A_143 = tpu.memref_slice %arg9[%dma_start3A_142] : memref<2048xf32, #tpu.memory_space<vmem>> -> memref<1024xf32, #tpu.memory_space<vmem>>
    tpu.enqueue_dma source(%dma_start3A_143 : memref<1024xf32, #tpu.memory_space<vmem>>) target(%dma_start3A_141 : memref<1024xf32, #tpu.memory_space<hbm>>) target_semaphore(%arg16 : memref<!tpu.dma_semaphore, #tpu.memory_space<semaphore_mem>>)
    %dma_start3A_144 = arith.constant 3 : i32
    %dma_start3A_145 = arith.constant 0 : i32
    %dma_start3A_146 = arith.constant 0 : i32
    %dma_start3A_147 = arith.constant 0 : i32
    %dma_start3A_148 = arith.constant 0 : i32
    %dma_start3A_149 = tpu.memref_slice %arg7[%dma_start3A_146, %dma_start3A_147, %dma_start3A_148] : memref<3x128x16xf32, #tpu.memory_space<vmem>> -> memref<1x128x16xf32, #tpu.memory_space<vmem>>
    %dma_start3A_150 = tpu.memref_squeeze %dma_start3A_149 : memref<1x128x16xf32, #tpu.memory_space<vmem>> -> memref<128x16xf32, #tpu.memory_space<vmem>>
    %dma_start3A_151 = arith.constant 0 : i32
    %dma_start3A_152 = tpu.memref_slice %arg6[%dma_start3A_144, %dma_start3A_145, %dma_start3A_151] : memref<78x2x128xi32, #tpu.memory_space<vmem>> -> memref<1x1x128xi32, #tpu.memory_space<vmem>>
    %dma_start3A_153 = tpu.memref_squeeze %dma_start3A_152 : memref<1x1x128xi32, #tpu.memory_space<vmem>> -> memref<128xi32, #tpu.memory_space<vmem>>
    %dma_start3A_154 = arith.constant 0 : i32
    %dma_start3A_155 = arith.constant 0 : i32
    %dma_start3A_156 = tpu.memref_slice %arg2[%dma_start3A_154, %dma_start3A_155] : memref<10000x16xf32, #tpu.memory_space<hbm>> -> memref<10000x16xf32, #tpu.memory_space<hbm>>
    tpu.enqueue_indirect_dma source(%dma_start3A_156 : memref<10000x16xf32, #tpu.memory_space<hbm>>) target(%dma_start3A_150 : memref<128x16xf32, #tpu.memory_space<vmem>>) offsets(%dma_start3A_153 : memref<128xi32, #tpu.memory_space<vmem>>) semaphore(%arg13 : memref<!tpu.dma_semaphore, #tpu.memory_space<semaphore_mem>>)
    %dma_start3A_157 = arith.constant 3 : i32
    %dma_start3A_158 = arith.constant 1 : i32
    %dma_start3A_159 = arith.constant 0 : i32
    %dma_start3A_160 = arith.constant 0 : i32
    %dma_start3A_161 = arith.constant 0 : i32
    %dma_start3A_162 = tpu.memref_slice %arg8[%dma_start3A_159, %dma_start3A_160, %dma_start3A_161] : memref<3x128x16xf32, #tpu.memory_space<vmem>> -> memref<1x128x16xf32, #tpu.memory_space<vmem>>
    %dma_start3A_163 = tpu.memref_squeeze %dma_start3A_162 : memref<1x128x16xf32, #tpu.memory_space<vmem>> -> memref<128x16xf32, #tpu.memory_space<vmem>>
    %dma_start3A_164 = arith.constant 0 : i32
    %dma_start3A_165 = tpu.memref_slice %arg6[%dma_start3A_157, %dma_start3A_158, %dma_start3A_164] : memref<78x2x128xi32, #tpu.memory_space<vmem>> -> memref<1x1x128xi32, #tpu.memory_space<vmem>>
    %dma_start3A_166 = tpu.memref_squeeze %dma_start3A_165 : memref<1x1x128xi32, #tpu.memory_space<vmem>> -> memref<128xi32, #tpu.memory_space<vmem>>
    %dma_start3A_167 = arith.constant 0 : i32
    %dma_start3A_168 = arith.constant 0 : i32
    %dma_start3A_169 = tpu.memref_slice %arg3[%dma_start3A_167, %dma_start3A_168] : memref<10000x16xf32, #tpu.memory_space<hbm>> -> memref<10000x16xf32, #tpu.memory_space<hbm>>
    tpu.enqueue_indirect_dma source(%dma_start3A_169 : memref<10000x16xf32, #tpu.memory_space<hbm>>) target(%dma_start3A_163 : memref<128x16xf32, #tpu.memory_space<vmem>>) offsets(%dma_start3A_166 : memref<128xi32, #tpu.memory_space<vmem>>) semaphore(%arg13 : memref<!tpu.dma_semaphore, #tpu.memory_space<semaphore_mem>>)
    %dma_wait3A_170 = arith.constant 0 : i32
    %dma_wait3A_171 = arith.constant 0 : i32
    %dma_wait3A_172 = arith.constant 1 : i32
    %dma_wait3A_173 = arith.constant 0 : i32
    %dma_wait3A_174 = arith.constant 0 : i32
    %dma_wait3A_175 = tpu.memref_slice %arg7[%dma_wait3A_172, %dma_wait3A_173, %dma_wait3A_174] : memref<3x128x16xf32, #tpu.memory_space<vmem>> -> memref<1x128x16xf32, #tpu.memory_space<vmem>>
    %dma_wait3A_176 = tpu.memref_squeeze %dma_wait3A_175 : memref<1x128x16xf32, #tpu.memory_space<vmem>> -> memref<128x16xf32, #tpu.memory_space<vmem>>
    %dma_wait3A_177 = arith.constant 0 : i32
    %dma_wait3A_178 = tpu.memref_slice %arg6[%dma_wait3A_170, %dma_wait3A_171, %dma_wait3A_177] : memref<78x2x128xi32, #tpu.memory_space<vmem>> -> memref<1x1x128xi32, #tpu.memory_space<vmem>>
    %dma_wait3A_179 = tpu.memref_squeeze %dma_wait3A_178 : memref<1x1x128xi32, #tpu.memory_space<vmem>> -> memref<128xi32, #tpu.memory_space<vmem>>
    %dma_wait3A_180 = arith.constant 0 : i32
    %dma_wait3A_181 = arith.constant 0 : i32
    %dma_wait3A_182 = tpu.memref_slice %arg2[%dma_wait3A_180, %dma_wait3A_181] : memref<10000x16xf32, #tpu.memory_space<hbm>> -> memref<10000x16xf32, #tpu.memory_space<hbm>>
    tpu.wait_indirect_dma semaphore(%arg14 : memref<!tpu.dma_semaphore, #tpu.memory_space<semaphore_mem>>) src(%dma_wait3A_182 : memref<10000x16xf32, #tpu.memory_space<hbm>>) dst(%dma_wait3A_176 : memref<128x16xf32, #tpu.memory_space<vmem>>)
    %dma_wait3A_183 = arith.constant 0 : i32
    %dma_wait3A_184 = arith.constant 1 : i32
    %dma_wait3A_185 = arith.constant 1 : i32
    %dma_wait3A_186 = arith.constant 0 : i32
    %dma_wait3A_187 = arith.constant 0 : i32
    %dma_wait3A_188 = tpu.memref_slice %arg8[%dma_wait3A_185, %dma_wait3A_186, %dma_wait3A_187] : memref<3x128x16xf32, #tpu.memory_space<vmem>> -> memref<1x128x16xf32, #tpu.memory_space<vmem>>
    %dma_wait3A_189 = tpu.memref_squeeze %dma_wait3A_188 : memref<1x128x16xf32, #tpu.memory_space<vmem>> -> memref<128x16xf32, #tpu.memory_space<vmem>>
    %dma_wait3A_190 = arith.constant 0 : i32
    %dma_wait3A_191 = tpu.memref_slice %arg6[%dma_wait3A_183, %dma_wait3A_184, %dma_wait3A_190] : memref<78x2x128xi32, #tpu.memory_space<vmem>> -> memref<1x1x128xi32, #tpu.memory_space<vmem>>
    %dma_wait3A_192 = tpu.memref_squeeze %dma_wait3A_191 : memref<1x1x128xi32, #tpu.memory_space<vmem>> -> memref<128xi32, #tpu.memory_space<vmem>>
    %dma_wait3A_193 = arith.constant 0 : i32
    %dma_wait3A_194 = arith.constant 0 : i32
    %dma_wait3A_195 = tpu.memref_slice %arg3[%dma_wait3A_193, %dma_wait3A_194] : memref<10000x16xf32, #tpu.memory_space<hbm>> -> memref<10000x16xf32, #tpu.memory_space<hbm>>
    tpu.wait_indirect_dma semaphore(%arg14 : memref<!tpu.dma_semaphore, #tpu.memory_space<semaphore_mem>>) src(%dma_wait3A_195 : memref<10000x16xf32, #tpu.memory_space<hbm>>) dst(%dma_wait3A_189 : memref<128x16xf32, #tpu.memory_space<vmem>>)
    %parallel_loop3A_196 = arith.constant 0 : i32
    %parallel_loop3A_197 = arith.constant 128 : i32
    %parallel_loop3A_198 = arith.constant 1 : i32
    scf.for %parallel_loop3A_570 = %parallel_loop3A_196 to %parallel_loop3A_197 step %parallel_loop3A_198  : i32 {
      %parallel_loop3A_571 = arith.constant 1 : i32
      %parallel_loop3A_572 = arith.index_cast %parallel_loop3A_571 : i32 to index
      %parallel_loop3A_573 = arith.index_cast %parallel_loop3A_570 : i32 to index
      %parallel_loop3A_574 = arith.constant 0 : index
      %parallel_loop3A_575 = tpu.vector_load %arg7[%parallel_loop3A_572, %parallel_loop3A_573, %parallel_loop3A_574] {strides = array<i32>} : memref<3x128x16xf32, #tpu.memory_space<vmem>>, vector<16xf32>,
      %parallel_loop3A_576 = arith.constant 1 : i32
      %parallel_loop3A_577 = arith.index_cast %parallel_loop3A_576 : i32 to index
      %parallel_loop3A_578 = arith.index_cast %parallel_loop3A_570 : i32 to index
      %parallel_loop3A_579 = arith.constant 0 : index
      %parallel_loop3A_580 = tpu.vector_load %arg8[%parallel_loop3A_577, %parallel_loop3A_578, %parallel_loop3A_579] {strides = array<i32>} : memref<3x128x16xf32, #tpu.memory_space<vmem>>, vector<16xf32>,
      %parallel_loop3A_581 = arith.addf %parallel_loop3A_575, %parallel_loop3A_580 : vector<16xf32>
      %parallel_loop3A_582 = vector.broadcast %parallel_loop3A_570 : i32 to vector<16xi32>
      %parallel_loop3A_583 = arith.addi %mul3A_7, %parallel_loop3A_582 : vector<16xi32>
      tpu.vector_store_idx %arg10[%parallel_loop3A_583], %parallel_loop3A_581 : memref<2048xf32, #tpu.memory_space<vmem>>[vector<16xi32>], vector<16xf32>,
    } {sc.loop_unroll_factor = 8 : i64, sc.parallel_access}
    %add3A_199 = arith.constant 1 : i32
    %add3A_200 = arith.addi %add3A_4, %add3A_199 : i32
    %mul3A_201 = arith.constant 1024 : i32
    %mul3A_202 = arith.muli %add3A_200, %mul3A_201 : i32
    %dma_start3A_203 = arith.constant 0 : i32
    %dma_start3A_204 = tpu.memref_slice %arg10[%dma_start3A_203] : memref<2048xf32, #tpu.memory_space<vmem>> -> memref<1024xf32, #tpu.memory_space<vmem>>
    %dma_start3A_205 = tpu.memref_slice %arg5[%mul3A_202] : memref<5120000xf32, #tpu.memory_space<hbm>> -> memref<1024xf32, #tpu.memory_space<hbm>>
    %dma_start3A_206 = tpu.memref_slice %arg5[%mul3A_202] : memref<5120000xf32, #tpu.memory_space<hbm>> -> memref<1024xf32, #tpu.memory_space<hbm>>
    %dma_start3A_207 = arith.constant 0 : i32
    %dma_start3A_208 = tpu.memref_slice %arg10[%dma_start3A_207] : memref<2048xf32, #tpu.memory_space<vmem>> -> memref<1024xf32, #tpu.memory_space<vmem>>
    tpu.enqueue_dma source(%dma_start3A_208 : memref<1024xf32, #tpu.memory_space<vmem>>) target(%dma_start3A_206 : memref<1024xf32, #tpu.memory_space<hbm>>) target_semaphore(%arg17 : memref<!tpu.dma_semaphore, #tpu.memory_space<semaphore_mem>>)
    %mul3A_209 = arith.constant 1024 : i32
    %mul3A_210 = arith.muli %add3A_200, %mul3A_209 : i32
    %add3A_211 = arith.constant 2560000 : i32
    %add3A_212 = arith.addi %add3A_211, %mul3A_210 : i32
    %dma_start3A_213 = arith.constant 1024 : i32
    %dma_start3A_214 = tpu.memref_slice %arg10[%dma_start3A_213] : memref<2048xf32, #tpu.memory_space<vmem>> -> memref<1024xf32, #tpu.memory_space<vmem>>
    %dma_start3A_215 = tpu.memref_slice %arg5[%add3A_212] : memref<5120000xf32, #tpu.memory_space<hbm>> -> memref<1024xf32, #tpu.memory_space<hbm>>
    %dma_start3A_216 = tpu.memref_slice %arg5[%add3A_212] : memref<5120000xf32, #tpu.memory_space<hbm>> -> memref<1024xf32, #tpu.memory_space<hbm>>
    %dma_start3A_217 = arith.constant 1024 : i32
    %dma_start3A_218 = tpu.memref_slice %arg10[%dma_start3A_217] : memref<2048xf32, #tpu.memory_space<vmem>> -> memref<1024xf32, #tpu.memory_space<vmem>>
    tpu.enqueue_dma source(%dma_start3A_218 : memref<1024xf32, #tpu.memory_space<vmem>>) target(%dma_start3A_216 : memref<1024xf32, #tpu.memory_space<hbm>>) target_semaphore(%arg17 : memref<!tpu.dma_semaphore, #tpu.memory_space<semaphore_mem>>)
    %dma_start3A_219 = arith.constant 4 : i32
    %dma_start3A_220 = arith.constant 0 : i32
    %dma_start3A_221 = arith.constant 1 : i32
    %dma_start3A_222 = arith.constant 0 : i32
    %dma_start3A_223 = arith.constant 0 : i32
    %dma_start3A_224 = tpu.memref_slice %arg7[%dma_start3A_221, %dma_start3A_222, %dma_start3A_223] : memref<3x128x16xf32, #tpu.memory_space<vmem>> -> memref<1x128x16xf32, #tpu.memory_space<vmem>>
    %dma_start3A_225 = tpu.memref_squeeze %dma_start3A_224 : memref<1x128x16xf32, #tpu.memory_space<vmem>> -> memref<128x16xf32, #tpu.memory_space<vmem>>
    %dma_start3A_226 = arith.constant 0 : i32
    %dma_start3A_227 = tpu.memref_slice %arg6[%dma_start3A_219, %dma_start3A_220, %dma_start3A_226] : memref<78x2x128xi32, #tpu.memory_space<vmem>> -> memref<1x1x128xi32, #tpu.memory_space<vmem>>
    %dma_start3A_228 = tpu.memref_squeeze %dma_start3A_227 : memref<1x1x128xi32, #tpu.memory_space<vmem>> -> memref<128xi32, #tpu.memory_space<vmem>>
    %dma_start3A_229 = arith.constant 0 : i32
    %dma_start3A_230 = arith.constant 0 : i32
    %dma_start3A_231 = tpu.memref_slice %arg2[%dma_start3A_229, %dma_start3A_230] : memref<10000x16xf32, #tpu.memory_space<hbm>> -> memref<10000x16xf32, #tpu.memory_space<hbm>>
    tpu.enqueue_indirect_dma source(%dma_start3A_231 : memref<10000x16xf32, #tpu.memory_space<hbm>>) target(%dma_start3A_225 : memref<128x16xf32, #tpu.memory_space<vmem>>) offsets(%dma_start3A_228 : memref<128xi32, #tpu.memory_space<vmem>>) semaphore(%arg14 : memref<!tpu.dma_semaphore, #tpu.memory_space<semaphore_mem>>)
    %dma_start3A_232 = arith.constant 4 : i32
    %dma_start3A_233 = arith.constant 1 : i32
    %dma_start3A_234 = arith.constant 1 : i32
    %dma_start3A_235 = arith.constant 0 : i32
    %dma_start3A_236 = arith.constant 0 : i32
    %dma_start3A_237 = tpu.memref_slice %arg8[%dma_start3A_234, %dma_start3A_235, %dma_start3A_236] : memref<3x128x16xf32, #tpu.memory_space<vmem>> -> memref<1x128x16xf32, #tpu.memory_space<vmem>>
    %dma_start3A_238 = tpu.memref_squeeze %dma_start3A_237 : memref<1x128x16xf32, #tpu.memory_space<vmem>> -> memref<128x16xf32, #tpu.memory_space<vmem>>
    %dma_start3A_239 = arith.constant 0 : i32
    %dma_start3A_240 = tpu.memref_slice %arg6[%dma_start3A_232, %dma_start3A_233, %dma_start3A_239] : memref<78x2x128xi32, #tpu.memory_space<vmem>> -> memref<1x1x128xi32, #tpu.memory_space<vmem>>
    %dma_start3A_241 = tpu.memref_squeeze %dma_start3A_240 : memref<1x1x128xi32, #tpu.memory_space<vmem>> -> memref<128xi32, #tpu.memory_space<vmem>>
    %dma_start3A_242 = arith.constant 0 : i32
    %dma_start3A_243 = arith.constant 0 : i32
    %dma_start3A_244 = tpu.memref_slice %arg3[%dma_start3A_242, %dma_start3A_243] : memref<10000x16xf32, #tpu.memory_space<hbm>> -> memref<10000x16xf32, #tpu.memory_space<hbm>>
    tpu.enqueue_indirect_dma source(%dma_start3A_244 : memref<10000x16xf32, #tpu.memory_space<hbm>>) target(%dma_start3A_238 : memref<128x16xf32, #tpu.memory_space<vmem>>) offsets(%dma_start3A_241 : memref<128xi32, #tpu.memory_space<vmem>>) semaphore(%arg14 : memref<!tpu.dma_semaphore, #tpu.memory_space<semaphore_mem>>)
    %dma_wait3A_245 = arith.constant 0 : i32
    %dma_wait3A_246 = arith.constant 0 : i32
    %dma_wait3A_247 = arith.constant 2 : i32
    %dma_wait3A_248 = arith.constant 0 : i32
    %dma_wait3A_249 = arith.constant 0 : i32
    %dma_wait3A_250 = tpu.memref_slice %arg7[%dma_wait3A_247, %dma_wait3A_248, %dma_wait3A_249] : memref<3x128x16xf32, #tpu.memory_space<vmem>> -> memref<1x128x16xf32, #tpu.memory_space<vmem>>
    %dma_wait3A_251 = tpu.memref_squeeze %dma_wait3A_250 : memref<1x128x16xf32, #tpu.memory_space<vmem>> -> memref<128x16xf32, #tpu.memory_space<vmem>>
    %dma_wait3A_252 = arith.constant 0 : i32
    %dma_wait3A_253 = tpu.memref_slice %arg6[%dma_wait3A_245, %dma_wait3A_246, %dma_wait3A_252] : memref<78x2x128xi32, #tpu.memory_space<vmem>> -> memref<1x1x128xi32, #tpu.memory_space<vmem>>
    %dma_wait3A_254 = tpu.memref_squeeze %dma_wait3A_253 : memref<1x1x128xi32, #tpu.memory_space<vmem>> -> memref<128xi32, #tpu.memory_space<vmem>>
    %dma_wait3A_255 = arith.constant 0 : i32
    %dma_wait3A_256 = arith.constant 0 : i32
    %dma_wait3A_257 = tpu.memref_slice %arg2[%dma_wait3A_255, %dma_wait3A_256] : memref<10000x16xf32, #tpu.memory_space<hbm>> -> memref<10000x16xf32, #tpu.memory_space<hbm>>
    tpu.wait_indirect_dma semaphore(%arg15 : memref<!tpu.dma_semaphore, #tpu.memory_space<semaphore_mem>>) src(%dma_wait3A_257 : memref<10000x16xf32, #tpu.memory_space<hbm>>) dst(%dma_wait3A_251 : memref<128x16xf32, #tpu.memory_space<vmem>>)
    %dma_wait3A_258 = arith.constant 0 : i32
    %dma_wait3A_259 = arith.constant 1 : i32
    %dma_wait3A_260 = arith.constant 2 : i32
    %dma_wait3A_261 = arith.constant 0 : i32
    %dma_wait3A_262 = arith.constant 0 : i32
    %dma_wait3A_263 = tpu.memref_slice %arg8[%dma_wait3A_260, %dma_wait3A_261, %dma_wait3A_262] : memref<3x128x16xf32, #tpu.memory_space<vmem>> -> memref<1x128x16xf32, #tpu.memory_space<vmem>>
    %dma_wait3A_264 = tpu.memref_squeeze %dma_wait3A_263 : memref<1x128x16xf32, #tpu.memory_space<vmem>> -> memref<128x16xf32, #tpu.memory_space<vmem>>
    %dma_wait3A_265 = arith.constant 0 : i32
    %dma_wait3A_266 = tpu.memref_slice %arg6[%dma_wait3A_258, %dma_wait3A_259, %dma_wait3A_265] : memref<78x2x128xi32, #tpu.memory_space<vmem>> -> memref<1x1x128xi32, #tpu.memory_space<vmem>>
    %dma_wait3A_267 = tpu.memref_squeeze %dma_wait3A_266 : memref<1x1x128xi32, #tpu.memory_space<vmem>> -> memref<128xi32, #tpu.memory_space<vmem>>
    %dma_wait3A_268 = arith.constant 0 : i32
    %dma_wait3A_269 = arith.constant 0 : i32
    %dma_wait3A_270 = tpu.memref_slice %arg3[%dma_wait3A_268, %dma_wait3A_269] : memref<10000x16xf32, #tpu.memory_space<hbm>> -> memref<10000x16xf32, #tpu.memory_space<hbm>>
    tpu.wait_indirect_dma semaphore(%arg15 : memref<!tpu.dma_semaphore, #tpu.memory_space<semaphore_mem>>) src(%dma_wait3A_270 : memref<10000x16xf32, #tpu.memory_space<hbm>>) dst(%dma_wait3A_264 : memref<128x16xf32, #tpu.memory_space<vmem>>)
    %parallel_loop3A_271 = arith.constant 0 : i32
    %parallel_loop3A_272 = arith.constant 128 : i32
    %parallel_loop3A_273 = arith.constant 1 : i32
    scf.for %parallel_loop3A_570 = %parallel_loop3A_271 to %parallel_loop3A_272 step %parallel_loop3A_273  : i32 {
      %parallel_loop3A_571 = arith.constant 2 : i32
      %parallel_loop3A_572 = arith.index_cast %parallel_loop3A_571 : i32 to index
      %parallel_loop3A_573 = arith.index_cast %parallel_loop3A_570 : i32 to index
      %parallel_loop3A_574 = arith.constant 0 : index
      %parallel_loop3A_575 = tpu.vector_load %arg7[%parallel_loop3A_572, %parallel_loop3A_573, %parallel_loop3A_574] {strides = array<i32>} : memref<3x128x16xf32, #tpu.memory_space<vmem>>, vector<16xf32>,
      %parallel_loop3A_576 = arith.constant 2 : i32
      %parallel_loop3A_577 = arith.index_cast %parallel_loop3A_576 : i32 to index
      %parallel_loop3A_578 = arith.index_cast %parallel_loop3A_570 : i32 to index
      %parallel_loop3A_579 = arith.constant 0 : index
      %parallel_loop3A_580 = tpu.vector_load %arg8[%parallel_loop3A_577, %parallel_loop3A_578, %parallel_loop3A_579] {strides = array<i32>} : memref<3x128x16xf32, #tpu.memory_space<vmem>>, vector<16xf32>,
      %parallel_loop3A_581 = arith.addf %parallel_loop3A_575, %parallel_loop3A_580 : vector<16xf32>
      %parallel_loop3A_582 = vector.broadcast %parallel_loop3A_570 : i32 to vector<16xi32>
      %parallel_loop3A_583 = arith.addi %mul3A_7, %parallel_loop3A_582 : vector<16xi32>
      tpu.vector_store_idx %arg11[%parallel_loop3A_583], %parallel_loop3A_581 : memref<2048xf32, #tpu.memory_space<vmem>>[vector<16xi32>], vector<16xf32>,
    } {sc.loop_unroll_factor = 8 : i64, sc.parallel_access}
    %add3A_274 = arith.constant 2 : i32
    %add3A_275 = arith.addi %add3A_4, %add3A_274 : i32
    %mul3A_276 = arith.constant 1024 : i32
    %mul3A_277 = arith.muli %add3A_275, %mul3A_276 : i32
    %dma_start3A_278 = arith.constant 0 : i32
    %dma_start3A_279 = tpu.memref_slice %arg11[%dma_start3A_278] : memref<2048xf32, #tpu.memory_space<vmem>> -> memref<1024xf32, #tpu.memory_space<vmem>>
    %dma_start3A_280 = tpu.memref_slice %arg5[%mul3A_277] : memref<5120000xf32, #tpu.memory_space<hbm>> -> memref<1024xf32, #tpu.memory_space<hbm>>
    %dma_start3A_281 = tpu.memref_slice %arg5[%mul3A_277] : memref<5120000xf32, #tpu.memory_space<hbm>> -> memref<1024xf32, #tpu.memory_space<hbm>>
    %dma_start3A_282 = arith.constant 0 : i32
    %dma_start3A_283 = tpu.memref_slice %arg11[%dma_start3A_282] : memref<2048xf32, #tpu.memory_space<vmem>> -> memref<1024xf32, #tpu.memory_space<vmem>>
    tpu.enqueue_dma source(%dma_start3A_283 : memref<1024xf32, #tpu.memory_space<vmem>>) target(%dma_start3A_281 : memref<1024xf32, #tpu.memory_space<hbm>>) target_semaphore(%arg18 : memref<!tpu.dma_semaphore, #tpu.memory_space<semaphore_mem>>)
    %mul3A_284 = arith.constant 1024 : i32
    %mul3A_285 = arith.muli %add3A_275, %mul3A_284 : i32
    %add3A_286 = arith.constant 2560000 : i32
    %add3A_287 = arith.addi %add3A_286, %mul3A_285 : i32
    %dma_start3A_288 = arith.constant 1024 : i32
    %dma_start3A_289 = tpu.memref_slice %arg11[%dma_start3A_288] : memref<2048xf32, #tpu.memory_space<vmem>> -> memref<1024xf32, #tpu.memory_space<vmem>>
    %dma_start3A_290 = tpu.memref_slice %arg5[%add3A_287] : memref<5120000xf32, #tpu.memory_space<hbm>> -> memref<1024xf32, #tpu.memory_space<hbm>>
    %dma_start3A_291 = tpu.memref_slice %arg5[%add3A_287] : memref<5120000xf32, #tpu.memory_space<hbm>> -> memref<1024xf32, #tpu.memory_space<hbm>>
    %dma_start3A_292 = arith.constant 1024 : i32
    %dma_start3A_293 = tpu.memref_slice %arg11[%dma_start3A_292] : memref<2048xf32, #tpu.memory_space<vmem>> -> memref<1024xf32, #tpu.memory_space<vmem>>
    tpu.enqueue_dma source(%dma_start3A_293 : memref<1024xf32, #tpu.memory_space<vmem>>) target(%dma_start3A_291 : memref<1024xf32, #tpu.memory_space<hbm>>) target_semaphore(%arg18 : memref<!tpu.dma_semaphore, #tpu.memory_space<semaphore_mem>>)
    %dma_start3A_294 = arith.constant 5 : i32
    %dma_start3A_295 = arith.constant 0 : i32
    %dma_start3A_296 = arith.constant 2 : i32
    %dma_start3A_297 = arith.constant 0 : i32
    %dma_start3A_298 = arith.constant 0 : i32
    %dma_start3A_299 = tpu.memref_slice %arg7[%dma_start3A_296, %dma_start3A_297, %dma_start3A_298] : memref<3x128x16xf32, #tpu.memory_space<vmem>> -> memref<1x128x16xf32, #tpu.memory_space<vmem>>
    %dma_start3A_300 = tpu.memref_squeeze %dma_start3A_299 : memref<1x128x16xf32, #tpu.memory_space<vmem>> -> memref<128x16xf32, #tpu.memory_space<vmem>>
    %dma_start3A_301 = arith.constant 0 : i32
    %dma_start3A_302 = tpu.memref_slice %arg6[%dma_start3A_294, %dma_start3A_295, %dma_start3A_301] : memref<78x2x128xi32, #tpu.memory_space<vmem>> -> memref<1x1x128xi32, #tpu.memory_space<vmem>>
    %dma_start3A_303 = tpu.memref_squeeze %dma_start3A_302 : memref<1x1x128xi32, #tpu.memory_space<vmem>> -> memref<128xi32, #tpu.memory_space<vmem>>
    %dma_start3A_304 = arith.constant 0 : i32
    %dma_start3A_305 = arith.constant 0 : i32
    %dma_start3A_306 = tpu.memref_slice %arg2[%dma_start3A_304, %dma_start3A_305] : memref<10000x16xf32, #tpu.memory_space<hbm>> -> memref<10000x16xf32, #tpu.memory_space<hbm>>
    tpu.enqueue_indirect_dma source(%dma_start3A_306 : memref<10000x16xf32, #tpu.memory_space<hbm>>) target(%dma_start3A_300 : memref<128x16xf32, #tpu.memory_space<vmem>>) offsets(%dma_start3A_303 : memref<128xi32, #tpu.memory_space<vmem>>) semaphore(%arg15 : memref<!tpu.dma_semaphore, #tpu.memory_space<semaphore_mem>>)
    %dma_start3A_307 = arith.constant 5 : i32
    %dma_start3A_308 = arith.constant 1 : i32
    %dma_start3A_309 = arith.constant 2 : i32
    %dma_start3A_310 = arith.constant 0 : i32
    %dma_start3A_311 = arith.constant 0 : i32
    %dma_start3A_312 = tpu.memref_slice %arg8[%dma_start3A_309, %dma_start3A_310, %dma_start3A_311] : memref<3x128x16xf32, #tpu.memory_space<vmem>> -> memref<1x128x16xf32, #tpu.memory_space<vmem>>
    %dma_start3A_313 = tpu.memref_squeeze %dma_start3A_312 : memref<1x128x16xf32, #tpu.memory_space<vmem>> -> memref<128x16xf32, #tpu.memory_space<vmem>>
    %dma_start3A_314 = arith.constant 0 : i32
    %dma_start3A_315 = tpu.memref_slice %arg6[%dma_start3A_307, %dma_start3A_308, %dma_start3A_314] : memref<78x2x128xi32, #tpu.memory_space<vmem>> -> memref<1x1x128xi32, #tpu.memory_space<vmem>>
    %dma_start3A_316 = tpu.memref_squeeze %dma_start3A_315 : memref<1x1x128xi32, #tpu.memory_space<vmem>> -> memref<128xi32, #tpu.memory_space<vmem>>
    %dma_start3A_317 = arith.constant 0 : i32
    %dma_start3A_318 = arith.constant 0 : i32
    %dma_start3A_319 = tpu.memref_slice %arg3[%dma_start3A_317, %dma_start3A_318] : memref<10000x16xf32, #tpu.memory_space<hbm>> -> memref<10000x16xf32, #tpu.memory_space<hbm>>
    tpu.enqueue_indirect_dma source(%dma_start3A_319 : memref<10000x16xf32, #tpu.memory_space<hbm>>) target(%dma_start3A_313 : memref<128x16xf32, #tpu.memory_space<vmem>>) offsets(%dma_start3A_316 : memref<128xi32, #tpu.memory_space<vmem>>) semaphore(%arg15 : memref<!tpu.dma_semaphore, #tpu.memory_space<semaphore_mem>>)
    %scan3A = arith.constant 0 : i32
    %scan3A_320 = arith.constant 1 : i32
    %scan3A_321 = arith.constant 24 : i32
    %scan3A_322 = arith.addi %scan3A_320, %scan3A_321 : i32
    %scan3A_323 = arith.constant 1 : i32
    scf.for %scan3A_570 = %scan3A_320 to %scan3A_322 step %scan3A_323  : i32 {
      %mul3A_571 = arith.constant 3 : i32
      %mul3A_572 = arith.muli %mul3A_571, %scan3A_570 : i32
      %add3A_573 = arith.constant 0 : i32
      %add3A_574 = arith.addi %mul3A_572, %add3A_573 : i32
      %dma_wait3A_575 = arith.constant 0 : i32
      %dma_wait3A_576 = arith.constant 0 : i32
      %dma_wait3A_577 = arith.constant 0 : i32
      %dma_wait3A_578 = arith.constant 0 : i32
      %dma_wait3A_579 = arith.constant 0 : i32
      %dma_wait3A_580 = tpu.memref_slice %arg7[%dma_wait3A_577, %dma_wait3A_578, %dma_wait3A_579] : memref<3x128x16xf32, #tpu.memory_space<vmem>> -> memref<1x128x16xf32, #tpu.memory_space<vmem>>
      %dma_wait3A_581 = tpu.memref_squeeze %dma_wait3A_580 : memref<1x128x16xf32, #tpu.memory_space<vmem>> -> memref<128x16xf32, #tpu.memory_space<vmem>>
      %dma_wait3A_582 = arith.constant 0 : i32
      %dma_wait3A_583 = tpu.memref_slice %arg6[%dma_wait3A_575, %dma_wait3A_576, %dma_wait3A_582] : memref<78x2x128xi32, #tpu.memory_space<vmem>> -> memref<1x1x128xi32, #tpu.memory_space<vmem>>
      %dma_wait3A_584 = tpu.memref_squeeze %dma_wait3A_583 : memref<1x1x128xi32, #tpu.memory_space<vmem>> -> memref<128xi32, #tpu.memory_space<vmem>>
      %dma_wait3A_585 = arith.constant 0 : i32
      %dma_wait3A_586 = arith.constant 0 : i32
      %dma_wait3A_587 = tpu.memref_slice %arg2[%dma_wait3A_585, %dma_wait3A_586] : memref<10000x16xf32, #tpu.memory_space<hbm>> -> memref<10000x16xf32, #tpu.memory_space<hbm>>
      tpu.wait_indirect_dma semaphore(%arg13 : memref<!tpu.dma_semaphore, #tpu.memory_space<semaphore_mem>>) src(%dma_wait3A_587 : memref<10000x16xf32, #tpu.memory_space<hbm>>) dst(%dma_wait3A_581 : memref<128x16xf32, #tpu.memory_space<vmem>>)
      %dma_wait3A_588 = arith.constant 0 : i32
      %dma_wait3A_589 = arith.constant 1 : i32
      %dma_wait3A_590 = arith.constant 0 : i32
      %dma_wait3A_591 = arith.constant 0 : i32
      %dma_wait3A_592 = arith.constant 0 : i32
      %dma_wait3A_593 = tpu.memref_slice %arg8[%dma_wait3A_590, %dma_wait3A_591, %dma_wait3A_592] : memref<3x128x16xf32, #tpu.memory_space<vmem>> -> memref<1x128x16xf32, #tpu.memory_space<vmem>>
      %dma_wait3A_594 = tpu.memref_squeeze %dma_wait3A_593 : memref<1x128x16xf32, #tpu.memory_space<vmem>> -> memref<128x16xf32, #tpu.memory_space<vmem>>
      %dma_wait3A_595 = arith.constant 0 : i32
      %dma_wait3A_596 = tpu.memref_slice %arg6[%dma_wait3A_588, %dma_wait3A_589, %dma_wait3A_595] : memref<78x2x128xi32, #tpu.memory_space<vmem>> -> memref<1x1x128xi32, #tpu.memory_space<vmem>>
      %dma_wait3A_597 = tpu.memref_squeeze %dma_wait3A_596 : memref<1x1x128xi32, #tpu.memory_space<vmem>> -> memref<128xi32, #tpu.memory_space<vmem>>
      %dma_wait3A_598 = arith.constant 0 : i32
      %dma_wait3A_599 = arith.constant 0 : i32
      %dma_wait3A_600 = tpu.memref_slice %arg3[%dma_wait3A_598, %dma_wait3A_599] : memref<10000x16xf32, #tpu.memory_space<hbm>> -> memref<10000x16xf32, #tpu.memory_space<hbm>>
      tpu.wait_indirect_dma semaphore(%arg13 : memref<!tpu.dma_semaphore, #tpu.memory_space<semaphore_mem>>) src(%dma_wait3A_600 : memref<10000x16xf32, #tpu.memory_space<hbm>>) dst(%dma_wait3A_594 : memref<128x16xf32, #tpu.memory_space<vmem>>)
      %dma_wait3A_601 = arith.constant 0 : i32
      %dma_wait3A_602 = tpu.memref_slice %arg9[%dma_wait3A_601] : memref<2048xf32, #tpu.memory_space<vmem>> -> memref<1024xf32, #tpu.memory_space<vmem>>
      %dma_wait3A_603 = arith.constant 0 : i32
      %dma_wait3A_604 = tpu.memref_slice %arg5[%dma_wait3A_603] : memref<5120000xf32, #tpu.memory_space<hbm>> -> memref<1024xf32, #tpu.memory_space<hbm>>
      %dma_wait3A_605 = arith.constant 0 : i32
      %dma_wait3A_606 = tpu.memref_slice %arg5[%dma_wait3A_605] : memref<5120000xf32, #tpu.memory_space<hbm>> -> memref<1024xf32, #tpu.memory_space<hbm>>
      %dma_wait3A_607 = arith.constant 0 : i32
      %dma_wait3A_608 = tpu.memref_slice %arg9[%dma_wait3A_607] : memref<2048xf32, #tpu.memory_space<vmem>> -> memref<1024xf32, #tpu.memory_space<vmem>>
      tpu.wait_dma2 semaphore(%arg16 : memref<!tpu.dma_semaphore, #tpu.memory_space<semaphore_mem>>) src(%dma_wait3A_608 : memref<1024xf32, #tpu.memory_space<vmem>>) dst(%dma_wait3A_606 : memref<1024xf32, #tpu.memory_space<hbm>>)
      %dma_wait3A_609 = arith.constant 0 : i32
      %dma_wait3A_610 = tpu.memref_slice %arg9[%dma_wait3A_609] : memref<2048xf32, #tpu.memory_space<vmem>> -> memref<1024xf32, #tpu.memory_space<vmem>>
      %dma_wait3A_611 = arith.constant 0 : i32
      %dma_wait3A_612 = tpu.memref_slice %arg5[%dma_wait3A_611] : memref<5120000xf32, #tpu.memory_space<hbm>> -> memref<1024xf32, #tpu.memory_space<hbm>>
      %dma_wait3A_613 = arith.constant 0 : i32
      %dma_wait3A_614 = tpu.memref_slice %arg5[%dma_wait3A_613] : memref<5120000xf32, #tpu.memory_space<hbm>> -> memref<1024xf32, #tpu.memory_space<hbm>>
      %dma_wait3A_615 = arith.constant 0 : i32
      %dma_wait3A_616 = tpu.memref_slice %arg9[%dma_wait3A_615] : memref<2048xf32, #tpu.memory_space<vmem>> -> memref<1024xf32, #tpu.memory_space<vmem>>
      tpu.wait_dma2 semaphore(%arg16 : memref<!tpu.dma_semaphore, #tpu.memory_space<semaphore_mem>>) src(%dma_wait3A_616 : memref<1024xf32, #tpu.memory_space<vmem>>) dst(%dma_wait3A_614 : memref<1024xf32, #tpu.memory_space<hbm>>)
      %parallel_loop3A_617 = arith.constant 0 : i32
      %parallel_loop3A_618 = arith.constant 128 : i32
      %parallel_loop3A_619 = arith.constant 1 : i32
      scf.for %parallel_loop3A_853 = %parallel_loop3A_617 to %parallel_loop3A_618 step %parallel_loop3A_619  : i32 {
        %parallel_loop3A_854 = arith.constant 0 : i32
        %parallel_loop3A_855 = arith.index_cast %parallel_loop3A_854 : i32 to index
        %parallel_loop3A_856 = arith.index_cast %parallel_loop3A_853 : i32 to index
        %parallel_loop3A_857 = arith.constant 0 : index
        %parallel_loop3A_858 = tpu.vector_load %arg7[%parallel_loop3A_855, %parallel_loop3A_856, %parallel_loop3A_857] {strides = array<i32>} : memref<3x128x16xf32, #tpu.memory_space<vmem>>, vector<16xf32>,
        %parallel_loop3A_859 = arith.constant 0 : i32
        %parallel_loop3A_860 = arith.index_cast %parallel_loop3A_859 : i32 to index
        %parallel_loop3A_861 = arith.index_cast %parallel_loop3A_853 : i32 to index
        %parallel_loop3A_862 = arith.constant 0 : index
        %parallel_loop3A_863 = tpu.vector_load %arg8[%parallel_loop3A_860, %parallel_loop3A_861, %parallel_loop3A_862] {strides = array<i32>} : memref<3x128x16xf32, #tpu.memory_space<vmem>>, vector<16xf32>,
        %parallel_loop3A_864 = arith.addf %parallel_loop3A_858, %parallel_loop3A_863 : vector<16xf32>
        %parallel_loop3A_865 = vector.broadcast %parallel_loop3A_853 : i32 to vector<16xi32>
        %parallel_loop3A_866 = arith.addi %mul3A_7, %parallel_loop3A_865 : vector<16xi32>
        tpu.vector_store_idx %arg9[%parallel_loop3A_866], %parallel_loop3A_864 : memref<2048xf32, #tpu.memory_space<vmem>>[vector<16xi32>], vector<16xf32>,
      } {sc.loop_unroll_factor = 8 : i64, sc.parallel_access}
      %add3A_620 = arith.addi %add3A_4, %add3A_574 : i32
      %mul3A_621 = arith.constant 1024 : i32
      %mul3A_622 = arith.muli %add3A_620, %mul3A_621 : i32
      %dma_start3A_623 = arith.constant 0 : i32
      %dma_start3A_624 = tpu.memref_slice %arg9[%dma_start3A_623] : memref<2048xf32, #tpu.memory_space<vmem>> -> memref<1024xf32, #tpu.memory_space<vmem>>
      %dma_start3A_625 = tpu.memref_slice %arg5[%mul3A_622] : memref<5120000xf32, #tpu.memory_space<hbm>> -> memref<1024xf32, #tpu.memory_space<hbm>>
      %dma_start3A_626 = tpu.memref_slice %arg5[%mul3A_622] : memref<5120000xf32, #tpu.memory_space<hbm>> -> memref<1024xf32, #tpu.memory_space<hbm>>
      %dma_start3A_627 = arith.constant 0 : i32
      %dma_start3A_628 = tpu.memref_slice %arg9[%dma_start3A_627] : memref<2048xf32, #tpu.memory_space<vmem>> -> memref<1024xf32, #tpu.memory_space<vmem>>
      tpu.enqueue_dma source(%dma_start3A_628 : memref<1024xf32, #tpu.memory_space<vmem>>) target(%dma_start3A_626 : memref<1024xf32, #tpu.memory_space<hbm>>) target_semaphore(%arg16 : memref<!tpu.dma_semaphore, #tpu.memory_space<semaphore_mem>>)
      %mul3A_629 = arith.constant 1024 : i32
      %mul3A_630 = arith.muli %add3A_620, %mul3A_629 : i32
      %add3A_631 = arith.constant 2560000 : i32
      %add3A_632 = arith.addi %add3A_631, %mul3A_630 : i32
      %dma_start3A_633 = arith.constant 1024 : i32
      %dma_start3A_634 = tpu.memref_slice %arg9[%dma_start3A_633] : memref<2048xf32, #tpu.memory_space<vmem>> -> memref<1024xf32, #tpu.memory_space<vmem>>
      %dma_start3A_635 = tpu.memref_slice %arg5[%add3A_632] : memref<5120000xf32, #tpu.memory_space<hbm>> -> memref<1024xf32, #tpu.memory_space<hbm>>
      %dma_start3A_636 = tpu.memref_slice %arg5[%add3A_632] : memref<5120000xf32, #tpu.memory_space<hbm>> -> memref<1024xf32, #tpu.memory_space<hbm>>
      %dma_start3A_637 = arith.constant 1024 : i32
      %dma_start3A_638 = tpu.memref_slice %arg9[%dma_start3A_637] : memref<2048xf32, #tpu.memory_space<vmem>> -> memref<1024xf32, #tpu.memory_space<vmem>>
      tpu.enqueue_dma source(%dma_start3A_638 : memref<1024xf32, #tpu.memory_space<vmem>>) target(%dma_start3A_636 : memref<1024xf32, #tpu.memory_space<hbm>>) target_semaphore(%arg16 : memref<!tpu.dma_semaphore, #tpu.memory_space<semaphore_mem>>)
      %add3A_639 = arith.constant 3 : i32
      %add3A_640 = arith.addi %add3A_574, %add3A_639 : i32
      %dma_start3A_641 = arith.constant 0 : i32
      %dma_start3A_642 = arith.constant 0 : i32
      %dma_start3A_643 = arith.constant 0 : i32
      %dma_start3A_644 = arith.constant 0 : i32
      %dma_start3A_645 = tpu.memref_slice %arg7[%dma_start3A_642, %dma_start3A_643, %dma_start3A_644] : memref<3x128x16xf32, #tpu.memory_space<vmem>> -> memref<1x128x16xf32, #tpu.memory_space<vmem>>
      %dma_start3A_646 = tpu.memref_squeeze %dma_start3A_645 : memref<1x128x16xf32, #tpu.memory_space<vmem>> -> memref<128x16xf32, #tpu.memory_space<vmem>>
      %dma_start3A_647 = arith.constant 0 : i32
      %dma_start3A_648 = tpu.memref_slice %arg6[%add3A_640, %dma_start3A_641, %dma_start3A_647] : memref<78x2x128xi32, #tpu.memory_space<vmem>> -> memref<1x1x128xi32, #tpu.memory_space<vmem>>
      %dma_start3A_649 = tpu.memref_squeeze %dma_start3A_648 : memref<1x1x128xi32, #tpu.memory_space<vmem>> -> memref<128xi32, #tpu.memory_space<vmem>>
      %dma_start3A_650 = arith.constant 0 : i32
      %dma_start3A_651 = arith.constant 0 : i32
      %dma_start3A_652 = tpu.memref_slice %arg2[%dma_start3A_650, %dma_start3A_651] : memref<10000x16xf32, #tpu.memory_space<hbm>> -> memref<10000x16xf32, #tpu.memory_space<hbm>>
      tpu.enqueue_indirect_dma source(%dma_start3A_652 : memref<10000x16xf32, #tpu.memory_space<hbm>>) target(%dma_start3A_646 : memref<128x16xf32, #tpu.memory_space<vmem>>) offsets(%dma_start3A_649 : memref<128xi32, #tpu.memory_space<vmem>>) semaphore(%arg13 : memref<!tpu.dma_semaphore, #tpu.memory_space<semaphore_mem>>)
      %dma_start3A_653 = arith.constant 1 : i32
      %dma_start3A_654 = arith.constant 0 : i32
      %dma_start3A_655 = arith.constant 0 : i32
      %dma_start3A_656 = arith.constant 0 : i32
      %dma_start3A_657 = tpu.memref_slice %arg8[%dma_start3A_654, %dma_start3A_655, %dma_start3A_656] : memref<3x128x16xf32, #tpu.memory_space<vmem>> -> memref<1x128x16xf32, #tpu.memory_space<vmem>>
      %dma_start3A_658 = tpu.memref_squeeze %dma_start3A_657 : memref<1x128x16xf32, #tpu.memory_space<vmem>> -> memref<128x16xf32, #tpu.memory_space<vmem>>
      %dma_start3A_659 = arith.constant 0 : i32
      %dma_start3A_660 = tpu.memref_slice %arg6[%add3A_640, %dma_start3A_653, %dma_start3A_659] : memref<78x2x128xi32, #tpu.memory_space<vmem>> -> memref<1x1x128xi32, #tpu.memory_space<vmem>>
      %dma_start3A_661 = tpu.memref_squeeze %dma_start3A_660 : memref<1x1x128xi32, #tpu.memory_space<vmem>> -> memref<128xi32, #tpu.memory_space<vmem>>
      %dma_start3A_662 = arith.constant 0 : i32
      %dma_start3A_663 = arith.constant 0 : i32
      %dma_start3A_664 = tpu.memref_slice %arg3[%dma_start3A_662, %dma_start3A_663] : memref<10000x16xf32, #tpu.memory_space<hbm>> -> memref<10000x16xf32, #tpu.memory_space<hbm>>
      tpu.enqueue_indirect_dma source(%dma_start3A_664 : memref<10000x16xf32, #tpu.memory_space<hbm>>) target(%dma_start3A_658 : memref<128x16xf32, #tpu.memory_space<vmem>>) offsets(%dma_start3A_661 : memref<128xi32, #tpu.memory_space<vmem>>) semaphore(%arg13 : memref<!tpu.dma_semaphore, #tpu.memory_space<semaphore_mem>>)
      %mul3A_665 = arith.constant 3 : i32
      %mul3A_666 = arith.muli %mul3A_665, %scan3A_570 : i32
      %add3A_667 = arith.constant 1 : i32
      %add3A_668 = arith.addi %mul3A_666, %add3A_667 : i32
      %dma_wait3A_669 = arith.constant 0 : i32
      %dma_wait3A_670 = arith.constant 0 : i32
      %dma_wait3A_671 = arith.constant 1 : i32
      %dma_wait3A_672 = arith.constant 0 : i32
      %dma_wait3A_673 = arith.constant 0 : i32
      %dma_wait3A_674 = tpu.memref_slice %arg7[%dma_wait3A_671, %dma_wait3A_672, %dma_wait3A_673] : memref<3x128x16xf32, #tpu.memory_space<vmem>> -> memref<1x128x16xf32, #tpu.memory_space<vmem>>
      %dma_wait3A_675 = tpu.memref_squeeze %dma_wait3A_674 : memref<1x128x16xf32, #tpu.memory_space<vmem>> -> memref<128x16xf32, #tpu.memory_space<vmem>>
      %dma_wait3A_676 = arith.constant 0 : i32
      %dma_wait3A_677 = tpu.memref_slice %arg6[%dma_wait3A_669, %dma_wait3A_670, %dma_wait3A_676] : memref<78x2x128xi32, #tpu.memory_space<vmem>> -> memref<1x1x128xi32, #tpu.memory_space<vmem>>
      %dma_wait3A_678 = tpu.memref_squeeze %dma_wait3A_677 : memref<1x1x128xi32, #tpu.memory_space<vmem>> -> memref<128xi32, #tpu.memory_space<vmem>>
      %dma_wait3A_679 = arith.constant 0 : i32
      %dma_wait3A_680 = arith.constant 0 : i32
      %dma_wait3A_681 = tpu.memref_slice %arg2[%dma_wait3A_679, %dma_wait3A_680] : memref<10000x16xf32, #tpu.memory_space<hbm>> -> memref<10000x16xf32, #tpu.memory_space<hbm>>
      tpu.wait_indirect_dma semaphore(%arg14 : memref<!tpu.dma_semaphore, #tpu.memory_space<semaphore_mem>>) src(%dma_wait3A_681 : memref<10000x16xf32, #tpu.memory_space<hbm>>) dst(%dma_wait3A_675 : memref<128x16xf32, #tpu.memory_space<vmem>>)
      %dma_wait3A_682 = arith.constant 0 : i32
      %dma_wait3A_683 = arith.constant 1 : i32
      %dma_wait3A_684 = arith.constant 1 : i32
      %dma_wait3A_685 = arith.constant 0 : i32
      %dma_wait3A_686 = arith.constant 0 : i32
      %dma_wait3A_687 = tpu.memref_slice %arg8[%dma_wait3A_684, %dma_wait3A_685, %dma_wait3A_686] : memref<3x128x16xf32, #tpu.memory_space<vmem>> -> memref<1x128x16xf32, #tpu.memory_space<vmem>>
      %dma_wait3A_688 = tpu.memref_squeeze %dma_wait3A_687 : memref<1x128x16xf32, #tpu.memory_space<vmem>> -> memref<128x16xf32, #tpu.memory_space<vmem>>
      %dma_wait3A_689 = arith.constant 0 : i32
      %dma_wait3A_690 = tpu.memref_slice %arg6[%dma_wait3A_682, %dma_wait3A_683, %dma_wait3A_689] : memref<78x2x128xi32, #tpu.memory_space<vmem>> -> memref<1x1x128xi32, #tpu.memory_space<vmem>>
      %dma_wait3A_691 = tpu.memref_squeeze %dma_wait3A_690 : memref<1x1x128xi32, #tpu.memory_space<vmem>> -> memref<128xi32, #tpu.memory_space<vmem>>
      %dma_wait3A_692 = arith.constant 0 : i32
      %dma_wait3A_693 = arith.constant 0 : i32
      %dma_wait3A_694 = tpu.memref_slice %arg3[%dma_wait3A_692, %dma_wait3A_693] : memref<10000x16xf32, #tpu.memory_space<hbm>> -> memref<10000x16xf32, #tpu.memory_space<hbm>>
      tpu.wait_indirect_dma semaphore(%arg14 : memref<!tpu.dma_semaphore, #tpu.memory_space<semaphore_mem>>) src(%dma_wait3A_694 : memref<10000x16xf32, #tpu.memory_space<hbm>>) dst(%dma_wait3A_688 : memref<128x16xf32, #tpu.memory_space<vmem>>)
      %dma_wait3A_695 = arith.constant 0 : i32
      %dma_wait3A_696 = tpu.memref_slice %arg10[%dma_wait3A_695] : memref<2048xf32, #tpu.memory_space<vmem>> -> memref<1024xf32, #tpu.memory_space<vmem>>
      %dma_wait3A_697 = arith.constant 0 : i32
      %dma_wait3A_698 = tpu.memref_slice %arg5[%dma_wait3A_697] : memref<5120000xf32, #tpu.memory_space<hbm>> -> memref<1024xf32, #tpu.memory_space<hbm>>
      %dma_wait3A_699 = arith.constant 0 : i32
      %dma_wait3A_700 = tpu.memref_slice %arg5[%dma_wait3A_699] : memref<5120000xf32, #tpu.memory_space<hbm>> -> memref<1024xf32, #tpu.memory_space<hbm>>
      %dma_wait3A_701 = arith.constant 0 : i32
      %dma_wait3A_702 = tpu.memref_slice %arg10[%dma_wait3A_701] : memref<2048xf32, #tpu.memory_space<vmem>> -> memref<1024xf32, #tpu.memory_space<vmem>>
      tpu.wait_dma2 semaphore(%arg17 : memref<!tpu.dma_semaphore, #tpu.memory_space<semaphore_mem>>) src(%dma_wait3A_702 : memref<1024xf32, #tpu.memory_space<vmem>>) dst(%dma_wait3A_700 : memref<1024xf32, #tpu.memory_space<hbm>>)
      %dma_wait3A_703 = arith.constant 0 : i32
      %dma_wait3A_704 = tpu.memref_slice %arg10[%dma_wait3A_703] : memref<2048xf32, #tpu.memory_space<vmem>> -> memref<1024xf32, #tpu.memory_space<vmem>>
      %dma_wait3A_705 = arith.constant 0 : i32
      %dma_wait3A_706 = tpu.memref_slice %arg5[%dma_wait3A_705] : memref<5120000xf32, #tpu.memory_space<hbm>> -> memref<1024xf32, #tpu.memory_space<hbm>>
      %dma_wait3A_707 = arith.constant 0 : i32
      %dma_wait3A_708 = tpu.memref_slice %arg5[%dma_wait3A_707] : memref<5120000xf32, #tpu.memory_space<hbm>> -> memref<1024xf32, #tpu.memory_space<hbm>>
      %dma_wait3A_709 = arith.constant 0 : i32
      %dma_wait3A_710 = tpu.memref_slice %arg10[%dma_wait3A_709] : memref<2048xf32, #tpu.memory_space<vmem>> -> memref<1024xf32, #tpu.memory_space<vmem>>
      tpu.wait_dma2 semaphore(%arg17 : memref<!tpu.dma_semaphore, #tpu.memory_space<semaphore_mem>>) src(%dma_wait3A_710 : memref<1024xf32, #tpu.memory_space<vmem>>) dst(%dma_wait3A_708 : memref<1024xf32, #tpu.memory_space<hbm>>)
      %parallel_loop3A_711 = arith.constant 0 : i32
      %parallel_loop3A_712 = arith.constant 128 : i32
      %parallel_loop3A_713 = arith.constant 1 : i32
      scf.for %parallel_loop3A_853 = %parallel_loop3A_711 to %parallel_loop3A_712 step %parallel_loop3A_713  : i32 {
        %parallel_loop3A_854 = arith.constant 1 : i32
        %parallel_loop3A_855 = arith.index_cast %parallel_loop3A_854 : i32 to index
        %parallel_loop3A_856 = arith.index_cast %parallel_loop3A_853 : i32 to index
        %parallel_loop3A_857 = arith.constant 0 : index
        %parallel_loop3A_858 = tpu.vector_load %arg7[%parallel_loop3A_855, %parallel_loop3A_856, %parallel_loop3A_857] {strides = array<i32>} : memref<3x128x16xf32, #tpu.memory_space<vmem>>, vector<16xf32>,
        %parallel_loop3A_859 = arith.constant 1 : i32
        %parallel_loop3A_860 = arith.index_cast %parallel_loop3A_859 : i32 to index
        %parallel_loop3A_861 = arith.index_cast %parallel_loop3A_853 : i32 to index
        %parallel_loop3A_862 = arith.constant 0 : index
        %parallel_loop3A_863 = tpu.vector_load %arg8[%parallel_loop3A_860, %parallel_loop3A_861, %parallel_loop3A_862] {strides = array<i32>} : memref<3x128x16xf32, #tpu.memory_space<vmem>>, vector<16xf32>,
        %parallel_loop3A_864 = arith.addf %parallel_loop3A_858, %parallel_loop3A_863 : vector<16xf32>
        %parallel_loop3A_865 = vector.broadcast %parallel_loop3A_853 : i32 to vector<16xi32>
        %parallel_loop3A_866 = arith.addi %mul3A_7, %parallel_loop3A_865 : vector<16xi32>
        tpu.vector_store_idx %arg10[%parallel_loop3A_866], %parallel_loop3A_864 : memref<2048xf32, #tpu.memory_space<vmem>>[vector<16xi32>], vector<16xf32>,
      } {sc.loop_unroll_factor = 8 : i64, sc.parallel_access}
      %add3A_714 = arith.addi %add3A_4, %add3A_668 : i32
      %mul3A_715 = arith.constant 1024 : i32
      %mul3A_716 = arith.muli %add3A_714, %mul3A_715 : i32
      %dma_start3A_717 = arith.constant 0 : i32
      %dma_start3A_718 = tpu.memref_slice %arg10[%dma_start3A_717] : memref<2048xf32, #tpu.memory_space<vmem>> -> memref<1024xf32, #tpu.memory_space<vmem>>
      %dma_start3A_719 = tpu.memref_slice %arg5[%mul3A_716] : memref<5120000xf32, #tpu.memory_space<hbm>> -> memref<1024xf32, #tpu.memory_space<hbm>>
      %dma_start3A_720 = tpu.memref_slice %arg5[%mul3A_716] : memref<5120000xf32, #tpu.memory_space<hbm>> -> memref<1024xf32, #tpu.memory_space<hbm>>
      %dma_start3A_721 = arith.constant 0 : i32
      %dma_start3A_722 = tpu.memref_slice %arg10[%dma_start3A_721] : memref<2048xf32, #tpu.memory_space<vmem>> -> memref<1024xf32, #tpu.memory_space<vmem>>
      tpu.enqueue_dma source(%dma_start3A_722 : memref<1024xf32, #tpu.memory_space<vmem>>) target(%dma_start3A_720 : memref<1024xf32, #tpu.memory_space<hbm>>) target_semaphore(%arg17 : memref<!tpu.dma_semaphore, #tpu.memory_space<semaphore_mem>>)
      %mul3A_723 = arith.constant 1024 : i32
      %mul3A_724 = arith.muli %add3A_714, %mul3A_723 : i32
      %add3A_725 = arith.constant 2560000 : i32
      %add3A_726 = arith.addi %add3A_725, %mul3A_724 : i32
      %dma_start3A_727 = arith.constant 1024 : i32
      %dma_start3A_728 = tpu.memref_slice %arg10[%dma_start3A_727] : memref<2048xf32, #tpu.memory_space<vmem>> -> memref<1024xf32, #tpu.memory_space<vmem>>
      %dma_start3A_729 = tpu.memref_slice %arg5[%add3A_726] : memref<5120000xf32, #tpu.memory_space<hbm>> -> memref<1024xf32, #tpu.memory_space<hbm>>
      %dma_start3A_730 = tpu.memref_slice %arg5[%add3A_726] : memref<5120000xf32, #tpu.memory_space<hbm>> -> memref<1024xf32, #tpu.memory_space<hbm>>
      %dma_start3A_731 = arith.constant 1024 : i32
      %dma_start3A_732 = tpu.memref_slice %arg10[%dma_start3A_731] : memref<2048xf32, #tpu.memory_space<vmem>> -> memref<1024xf32, #tpu.memory_space<vmem>>
      tpu.enqueue_dma source(%dma_start3A_732 : memref<1024xf32, #tpu.memory_space<vmem>>) target(%dma_start3A_730 : memref<1024xf32, #tpu.memory_space<hbm>>) target_semaphore(%arg17 : memref<!tpu.dma_semaphore, #tpu.memory_space<semaphore_mem>>)
      %add3A_733 = arith.constant 3 : i32
      %add3A_734 = arith.addi %add3A_668, %add3A_733 : i32
      %dma_start3A_735 = arith.constant 0 : i32
      %dma_start3A_736 = arith.constant 1 : i32
      %dma_start3A_737 = arith.constant 0 : i32
      %dma_start3A_738 = arith.constant 0 : i32
      %dma_start3A_739 = tpu.memref_slice %arg7[%dma_start3A_736, %dma_start3A_737, %dma_start3A_738] : memref<3x128x16xf32, #tpu.memory_space<vmem>> -> memref<1x128x16xf32, #tpu.memory_space<vmem>>
      %dma_start3A_740 = tpu.memref_squeeze %dma_start3A_739 : memref<1x128x16xf32, #tpu.memory_space<vmem>> -> memref<128x16xf32, #tpu.memory_space<vmem>>
      %dma_start3A_741 = arith.constant 0 : i32
      %dma_start3A_742 = tpu.memref_slice %arg6[%add3A_734, %dma_start3A_735, %dma_start3A_741] : memref<78x2x128xi32, #tpu.memory_space<vmem>> -> memref<1x1x128xi32, #tpu.memory_space<vmem>>
      %dma_start3A_743 = tpu.memref_squeeze %dma_start3A_742 : memref<1x1x128xi32, #tpu.memory_space<vmem>> -> memref<128xi32, #tpu.memory_space<vmem>>
      %dma_start3A_744 = arith.constant 0 : i32
      %dma_start3A_745 = arith.constant 0 : i32
      %dma_start3A_746 = tpu.memref_slice %arg2[%dma_start3A_744, %dma_start3A_745] : memref<10000x16xf32, #tpu.memory_space<hbm>> -> memref<10000x16xf32, #tpu.memory_space<hbm>>
      tpu.enqueue_indirect_dma source(%dma_start3A_746 : memref<10000x16xf32, #tpu.memory_space<hbm>>) target(%dma_start3A_740 : memref<128x16xf32, #tpu.memory_space<vmem>>) offsets(%dma_start3A_743 : memref<128xi32, #tpu.memory_space<vmem>>) semaphore(%arg14 : memref<!tpu.dma_semaphore, #tpu.memory_space<semaphore_mem>>)
      %dma_start3A_747 = arith.constant 1 : i32
      %dma_start3A_748 = arith.constant 1 : i32
      %dma_start3A_749 = arith.constant 0 : i32
      %dma_start3A_750 = arith.constant 0 : i32
      %dma_start3A_751 = tpu.memref_slice %arg8[%dma_start3A_748, %dma_start3A_749, %dma_start3A_750] : memref<3x128x16xf32, #tpu.memory_space<vmem>> -> memref<1x128x16xf32, #tpu.memory_space<vmem>>
      %dma_start3A_752 = tpu.memref_squeeze %dma_start3A_751 : memref<1x128x16xf32, #tpu.memory_space<vmem>> -> memref<128x16xf32, #tpu.memory_space<vmem>>
      %dma_start3A_753 = arith.constant 0 : i32
      %dma_start3A_754 = tpu.memref_slice %arg6[%add3A_734, %dma_start3A_747, %dma_start3A_753] : memref<78x2x128xi32, #tpu.memory_space<vmem>> -> memref<1x1x128xi32, #tpu.memory_space<vmem>>
      %dma_start3A_755 = tpu.memref_squeeze %dma_start3A_754 : memref<1x1x128xi32, #tpu.memory_space<vmem>> -> memref<128xi32, #tpu.memory_space<vmem>>
      %dma_start3A_756 = arith.constant 0 : i32
      %dma_start3A_757 = arith.constant 0 : i32
      %dma_start3A_758 = tpu.memref_slice %arg3[%dma_start3A_756, %dma_start3A_757] : memref<10000x16xf32, #tpu.memory_space<hbm>> -> memref<10000x16xf32, #tpu.memory_space<hbm>>
      tpu.enqueue_indirect_dma source(%dma_start3A_758 : memref<10000x16xf32, #tpu.memory_space<hbm>>) target(%dma_start3A_752 : memref<128x16xf32, #tpu.memory_space<vmem>>) offsets(%dma_start3A_755 : memref<128xi32, #tpu.memory_space<vmem>>) semaphore(%arg14 : memref<!tpu.dma_semaphore, #tpu.memory_space<semaphore_mem>>)
      %mul3A_759 = arith.constant 3 : i32
      %mul3A_760 = arith.muli %mul3A_759, %scan3A_570 : i32
      %add3A_761 = arith.constant 2 : i32
      %add3A_762 = arith.addi %mul3A_760, %add3A_761 : i32
      %dma_wait3A_763 = arith.constant 0 : i32
      %dma_wait3A_764 = arith.constant 0 : i32
      %dma_wait3A_765 = arith.constant 2 : i32
      %dma_wait3A_766 = arith.constant 0 : i32
      %dma_wait3A_767 = arith.constant 0 : i32
      %dma_wait3A_768 = tpu.memref_slice %arg7[%dma_wait3A_765, %dma_wait3A_766, %dma_wait3A_767] : memref<3x128x16xf32, #tpu.memory_space<vmem>> -> memref<1x128x16xf32, #tpu.memory_space<vmem>>
      %dma_wait3A_769 = tpu.memref_squeeze %dma_wait3A_768 : memref<1x128x16xf32, #tpu.memory_space<vmem>> -> memref<128x16xf32, #tpu.memory_space<vmem>>
      %dma_wait3A_770 = arith.constant 0 : i32
      %dma_wait3A_771 = tpu.memref_slice %arg6[%dma_wait3A_763, %dma_wait3A_764, %dma_wait3A_770] : memref<78x2x128xi32, #tpu.memory_space<vmem>> -> memref<1x1x128xi32, #tpu.memory_space<vmem>>
      %dma_wait3A_772 = tpu.memref_squeeze %dma_wait3A_771 : memref<1x1x128xi32, #tpu.memory_space<vmem>> -> memref<128xi32, #tpu.memory_space<vmem>>
      %dma_wait3A_773 = arith.constant 0 : i32
      %dma_wait3A_774 = arith.constant 0 : i32
      %dma_wait3A_775 = tpu.memref_slice %arg2[%dma_wait3A_773, %dma_wait3A_774] : memref<10000x16xf32, #tpu.memory_space<hbm>> -> memref<10000x16xf32, #tpu.memory_space<hbm>>
      tpu.wait_indirect_dma semaphore(%arg15 : memref<!tpu.dma_semaphore, #tpu.memory_space<semaphore_mem>>) src(%dma_wait3A_775 : memref<10000x16xf32, #tpu.memory_space<hbm>>) dst(%dma_wait3A_769 : memref<128x16xf32, #tpu.memory_space<vmem>>)
      %dma_wait3A_776 = arith.constant 0 : i32
      %dma_wait3A_777 = arith.constant 1 : i32
      %dma_wait3A_778 = arith.constant 2 : i32
      %dma_wait3A_779 = arith.constant 0 : i32
      %dma_wait3A_780 = arith.constant 0 : i32
      %dma_wait3A_781 = tpu.memref_slice %arg8[%dma_wait3A_778, %dma_wait3A_779, %dma_wait3A_780] : memref<3x128x16xf32, #tpu.memory_space<vmem>> -> memref<1x128x16xf32, #tpu.memory_space<vmem>>
      %dma_wait3A_782 = tpu.memref_squeeze %dma_wait3A_781 : memref<1x128x16xf32, #tpu.memory_space<vmem>> -> memref<128x16xf32, #tpu.memory_space<vmem>>
      %dma_wait3A_783 = arith.constant 0 : i32
      %dma_wait3A_784 = tpu.memref_slice %arg6[%dma_wait3A_776, %dma_wait3A_777, %dma_wait3A_783] : memref<78x2x128xi32, #tpu.memory_space<vmem>> -> memref<1x1x128xi32, #tpu.memory_space<vmem>>
      %dma_wait3A_785 = tpu.memref_squeeze %dma_wait3A_784 : memref<1x1x128xi32, #tpu.memory_space<vmem>> -> memref<128xi32, #tpu.memory_space<vmem>>
      %dma_wait3A_786 = arith.constant 0 : i32
      %dma_wait3A_787 = arith.constant 0 : i32
      %dma_wait3A_788 = tpu.memref_slice %arg3[%dma_wait3A_786, %dma_wait3A_787] : memref<10000x16xf32, #tpu.memory_space<hbm>> -> memref<10000x16xf32, #tpu.memory_space<hbm>>
      tpu.wait_indirect_dma semaphore(%arg15 : memref<!tpu.dma_semaphore, #tpu.memory_space<semaphore_mem>>) src(%dma_wait3A_788 : memref<10000x16xf32, #tpu.memory_space<hbm>>) dst(%dma_wait3A_782 : memref<128x16xf32, #tpu.memory_space<vmem>>)
      %dma_wait3A_789 = arith.constant 0 : i32
      %dma_wait3A_790 = tpu.memref_slice %arg11[%dma_wait3A_789] : memref<2048xf32, #tpu.memory_space<vmem>> -> memref<1024xf32, #tpu.memory_space<vmem>>
      %dma_wait3A_791 = arith.constant 0 : i32
      %dma_wait3A_792 = tpu.memref_slice %arg5[%dma_wait3A_791] : memref<5120000xf32, #tpu.memory_space<hbm>> -> memref<1024xf32, #tpu.memory_space<hbm>>
      %dma_wait3A_793 = arith.constant 0 : i32
      %dma_wait3A_794 = tpu.memref_slice %arg5[%dma_wait3A_793] : memref<5120000xf32, #tpu.memory_space<hbm>> -> memref<1024xf32, #tpu.memory_space<hbm>>
      %dma_wait3A_795 = arith.constant 0 : i32
      %dma_wait3A_796 = tpu.memref_slice %arg11[%dma_wait3A_795] : memref<2048xf32, #tpu.memory_space<vmem>> -> memref<1024xf32, #tpu.memory_space<vmem>>
      tpu.wait_dma2 semaphore(%arg18 : memref<!tpu.dma_semaphore, #tpu.memory_space<semaphore_mem>>) src(%dma_wait3A_796 : memref<1024xf32, #tpu.memory_space<vmem>>) dst(%dma_wait3A_794 : memref<1024xf32, #tpu.memory_space<hbm>>)
      %dma_wait3A_797 = arith.constant 0 : i32
      %dma_wait3A_798 = tpu.memref_slice %arg11[%dma_wait3A_797] : memref<2048xf32, #tpu.memory_space<vmem>> -> memref<1024xf32, #tpu.memory_space<vmem>>
      %dma_wait3A_799 = arith.constant 0 : i32
      %dma_wait3A_800 = tpu.memref_slice %arg5[%dma_wait3A_799] : memref<5120000xf32, #tpu.memory_space<hbm>> -> memref<1024xf32, #tpu.memory_space<hbm>>
      %dma_wait3A_801 = arith.constant 0 : i32
      %dma_wait3A_802 = tpu.memref_slice %arg5[%dma_wait3A_801] : memref<5120000xf32, #tpu.memory_space<hbm>> -> memref<1024xf32, #tpu.memory_space<hbm>>
      %dma_wait3A_803 = arith.constant 0 : i32
      %dma_wait3A_804 = tpu.memref_slice %arg11[%dma_wait3A_803] : memref<2048xf32, #tpu.memory_space<vmem>> -> memref<1024xf32, #tpu.memory_space<vmem>>
      tpu.wait_dma2 semaphore(%arg18 : memref<!tpu.dma_semaphore, #tpu.memory_space<semaphore_mem>>) src(%dma_wait3A_804 : memref<1024xf32, #tpu.memory_space<vmem>>) dst(%dma_wait3A_802 : memref<1024xf32, #tpu.memory_space<hbm>>)
      %parallel_loop3A_805 = arith.constant 0 : i32
      %parallel_loop3A_806 = arith.constant 128 : i32
      %parallel_loop3A_807 = arith.constant 1 : i32
      scf.for %parallel_loop3A_853 = %parallel_loop3A_805 to %parallel_loop3A_806 step %parallel_loop3A_807  : i32 {
        %parallel_loop3A_854 = arith.constant 2 : i32
        %parallel_loop3A_855 = arith.index_cast %parallel_loop3A_854 : i32 to index
        %parallel_loop3A_856 = arith.index_cast %parallel_loop3A_853 : i32 to index
        %parallel_loop3A_857 = arith.constant 0 : index
        %parallel_loop3A_858 = tpu.vector_load %arg7[%parallel_loop3A_855, %parallel_loop3A_856, %parallel_loop3A_857] {strides = array<i32>} : memref<3x128x16xf32, #tpu.memory_space<vmem>>, vector<16xf32>,
        %parallel_loop3A_859 = arith.constant 2 : i32
        %parallel_loop3A_860 = arith.index_cast %parallel_loop3A_859 : i32 to index
        %parallel_loop3A_861 = arith.index_cast %parallel_loop3A_853 : i32 to index
        %parallel_loop3A_862 = arith.constant 0 : index
        %parallel_loop3A_863 = tpu.vector_load %arg8[%parallel_loop3A_860, %parallel_loop3A_861, %parallel_loop3A_862] {strides = array<i32>} : memref<3x128x16xf32, #tpu.memory_space<vmem>>, vector<16xf32>,
        %parallel_loop3A_864 = arith.addf %parallel_loop3A_858, %parallel_loop3A_863 : vector<16xf32>
        %parallel_loop3A_865 = vector.broadcast %parallel_loop3A_853 : i32 to vector<16xi32>
        %parallel_loop3A_866 = arith.addi %mul3A_7, %parallel_loop3A_865 : vector<16xi32>
        tpu.vector_store_idx %arg11[%parallel_loop3A_866], %parallel_loop3A_864 : memref<2048xf32, #tpu.memory_space<vmem>>[vector<16xi32>], vector<16xf32>,
      } {sc.loop_unroll_factor = 8 : i64, sc.parallel_access}
      %add3A_808 = arith.addi %add3A_4, %add3A_762 : i32
      %mul3A_809 = arith.constant 1024 : i32
      %mul3A_810 = arith.muli %add3A_808, %mul3A_809 : i32
      %dma_start3A_811 = arith.constant 0 : i32
      %dma_start3A_812 = tpu.memref_slice %arg11[%dma_start3A_811] : memref<2048xf32, #tpu.memory_space<vmem>> -> memref<1024xf32, #tpu.memory_space<vmem>>
      %dma_start3A_813 = tpu.memref_slice %arg5[%mul3A_810] : memref<5120000xf32, #tpu.memory_space<hbm>> -> memref<1024xf32, #tpu.memory_space<hbm>>
      %dma_start3A_814 = tpu.memref_slice %arg5[%mul3A_810] : memref<5120000xf32, #tpu.memory_space<hbm>> -> memref<1024xf32, #tpu.memory_space<hbm>>
      %dma_start3A_815 = arith.constant 0 : i32
      %dma_start3A_816 = tpu.memref_slice %arg11[%dma_start3A_815] : memref<2048xf32, #tpu.memory_space<vmem>> -> memref<1024xf32, #tpu.memory_space<vmem>>
      tpu.enqueue_dma source(%dma_start3A_816 : memref<1024xf32, #tpu.memory_space<vmem>>) target(%dma_start3A_814 : memref<1024xf32, #tpu.memory_space<hbm>>) target_semaphore(%arg18 : memref<!tpu.dma_semaphore, #tpu.memory_space<semaphore_mem>>)
      %mul3A_817 = arith.constant 1024 : i32
      %mul3A_818 = arith.muli %add3A_808, %mul3A_817 : i32
      %add3A_819 = arith.constant 2560000 : i32
      %add3A_820 = arith.addi %add3A_819, %mul3A_818 : i32
      %dma_start3A_821 = arith.constant 1024 : i32
      %dma_start3A_822 = tpu.memref_slice %arg11[%dma_start3A_821] : memref<2048xf32, #tpu.memory_space<vmem>> -> memref<1024xf32, #tpu.memory_space<vmem>>
      %dma_start3A_823 = tpu.memref_slice %arg5[%add3A_820] : memref<5120000xf32, #tpu.memory_space<hbm>> -> memref<1024xf32, #tpu.memory_space<hbm>>
      %dma_start3A_824 = tpu.memref_slice %arg5[%add3A_820] : memref<5120000xf32, #tpu.memory_space<hbm>> -> memref<1024xf32, #tpu.memory_space<hbm>>
      %dma_start3A_825 = arith.constant 1024 : i32
      %dma_start3A_826 = tpu.memref_slice %arg11[%dma_start3A_825] : memref<2048xf32, #tpu.memory_space<vmem>> -> memref<1024xf32, #tpu.memory_space<vmem>>
      tpu.enqueue_dma source(%dma_start3A_826 : memref<1024xf32, #tpu.memory_space<vmem>>) target(%dma_start3A_824 : memref<1024xf32, #tpu.memory_space<hbm>>) target_semaphore(%arg18 : memref<!tpu.dma_semaphore, #tpu.memory_space<semaphore_mem>>)
      %add3A_827 = arith.constant 3 : i32
      %add3A_828 = arith.addi %add3A_762, %add3A_827 : i32
      %dma_start3A_829 = arith.constant 0 : i32
      %dma_start3A_830 = arith.constant 2 : i32
      %dma_start3A_831 = arith.constant 0 : i32
      %dma_start3A_832 = arith.constant 0 : i32
      %dma_start3A_833 = tpu.memref_slice %arg7[%dma_start3A_830, %dma_start3A_831, %dma_start3A_832] : memref<3x128x16xf32, #tpu.memory_space<vmem>> -> memref<1x128x16xf32, #tpu.memory_space<vmem>>
      %dma_start3A_834 = tpu.memref_squeeze %dma_start3A_833 : memref<1x128x16xf32, #tpu.memory_space<vmem>> -> memref<128x16xf32, #tpu.memory_space<vmem>>
      %dma_start3A_835 = arith.constant 0 : i32
      %dma_start3A_836 = tpu.memref_slice %arg6[%add3A_828, %dma_start3A_829, %dma_start3A_835] : memref<78x2x128xi32, #tpu.memory_space<vmem>> -> memref<1x1x128xi32, #tpu.memory_space<vmem>>
      %dma_start3A_837 = tpu.memref_squeeze %dma_start3A_836 : memref<1x1x128xi32, #tpu.memory_space<vmem>> -> memref<128xi32, #tpu.memory_space<vmem>>
      %dma_start3A_838 = arith.constant 0 : i32
      %dma_start3A_839 = arith.constant 0 : i32
      %dma_start3A_840 = tpu.memref_slice %arg2[%dma_start3A_838, %dma_start3A_839] : memref<10000x16xf32, #tpu.memory_space<hbm>> -> memref<10000x16xf32, #tpu.memory_space<hbm>>
      tpu.enqueue_indirect_dma source(%dma_start3A_840 : memref<10000x16xf32, #tpu.memory_space<hbm>>) target(%dma_start3A_834 : memref<128x16xf32, #tpu.memory_space<vmem>>) offsets(%dma_start3A_837 : memref<128xi32, #tpu.memory_space<vmem>>) semaphore(%arg15 : memref<!tpu.dma_semaphore, #tpu.memory_space<semaphore_mem>>)
      %dma_start3A_841 = arith.constant 1 : i32
      %dma_start3A_842 = arith.constant 2 : i32
      %dma_start3A_843 = arith.constant 0 : i32
      %dma_start3A_844 = arith.constant 0 : i32
      %dma_start3A_845 = tpu.memref_slice %arg8[%dma_start3A_842, %dma_start3A_843, %dma_start3A_844] : memref<3x128x16xf32, #tpu.memory_space<vmem>> -> memref<1x128x16xf32, #tpu.memory_space<vmem>>
      %dma_start3A_846 = tpu.memref_squeeze %dma_start3A_845 : memref<1x128x16xf32, #tpu.memory_space<vmem>> -> memref<128x16xf32, #tpu.memory_space<vmem>>
      %dma_start3A_847 = arith.constant 0 : i32
      %dma_start3A_848 = tpu.memref_slice %arg6[%add3A_828, %dma_start3A_841, %dma_start3A_847] : memref<78x2x128xi32, #tpu.memory_space<vmem>> -> memref<1x1x128xi32, #tpu.memory_space<vmem>>
      %dma_start3A_849 = tpu.memref_squeeze %dma_start3A_848 : memref<1x1x128xi32, #tpu.memory_space<vmem>> -> memref<128xi32, #tpu.memory_space<vmem>>
      %dma_start3A_850 = arith.constant 0 : i32
      %dma_start3A_851 = arith.constant 0 : i32
      %dma_start3A_852 = tpu.memref_slice %arg3[%dma_start3A_850, %dma_start3A_851] : memref<10000x16xf32, #tpu.memory_space<hbm>> -> memref<10000x16xf32, #tpu.memory_space<hbm>>
      tpu.enqueue_indirect_dma source(%dma_start3A_852 : memref<10000x16xf32, #tpu.memory_space<hbm>>) target(%dma_start3A_846 : memref<128x16xf32, #tpu.memory_space<vmem>>) offsets(%dma_start3A_849 : memref<128xi32, #tpu.memory_space<vmem>>) semaphore(%arg15 : memref<!tpu.dma_semaphore, #tpu.memory_space<semaphore_mem>>)
    }
    %scan3A_324 = arith.constant 24 : i32
    %dma_wait3A_325 = arith.constant 0 : i32
    %dma_wait3A_326 = arith.constant 0 : i32
    %dma_wait3A_327 = arith.constant 0 : i32
    %dma_wait3A_328 = arith.constant 0 : i32
    %dma_wait3A_329 = arith.constant 0 : i32
    %dma_wait3A_330 = tpu.memref_slice %arg7[%dma_wait3A_327, %dma_wait3A_328, %dma_wait3A_329] : memref<3x128x16xf32, #tpu.memory_space<vmem>> -> memref<1x128x16xf32, #tpu.memory_space<vmem>>
    %dma_wait3A_331 = tpu.memref_squeeze %dma_wait3A_330 : memref<1x128x16xf32, #tpu.memory_space<vmem>> -> memref<128x16xf32, #tpu.memory_space<vmem>>
    %dma_wait3A_332 = arith.constant 0 : i32
    %dma_wait3A_333 = tpu.memref_slice %arg6[%dma_wait3A_325, %dma_wait3A_326, %dma_wait3A_332] : memref<78x2x128xi32, #tpu.memory_space<vmem>> -> memref<1x1x128xi32, #tpu.memory_space<vmem>>
    %dma_wait3A_334 = tpu.memref_squeeze %dma_wait3A_333 : memref<1x1x128xi32, #tpu.memory_space<vmem>> -> memref<128xi32, #tpu.memory_space<vmem>>
    %dma_wait3A_335 = arith.constant 0 : i32
    %dma_wait3A_336 = arith.constant 0 : i32
    %dma_wait3A_337 = tpu.memref_slice %arg2[%dma_wait3A_335, %dma_wait3A_336] : memref<10000x16xf32, #tpu.memory_space<hbm>> -> memref<10000x16xf32, #tpu.memory_space<hbm>>
    tpu.wait_indirect_dma semaphore(%arg13 : memref<!tpu.dma_semaphore, #tpu.memory_space<semaphore_mem>>) src(%dma_wait3A_337 : memref<10000x16xf32, #tpu.memory_space<hbm>>) dst(%dma_wait3A_331 : memref<128x16xf32, #tpu.memory_space<vmem>>)
    %dma_wait3A_338 = arith.constant 0 : i32
    %dma_wait3A_339 = arith.constant 1 : i32
    %dma_wait3A_340 = arith.constant 0 : i32
    %dma_wait3A_341 = arith.constant 0 : i32
    %dma_wait3A_342 = arith.constant 0 : i32
    %dma_wait3A_343 = tpu.memref_slice %arg8[%dma_wait3A_340, %dma_wait3A_341, %dma_wait3A_342] : memref<3x128x16xf32, #tpu.memory_space<vmem>> -> memref<1x128x16xf32, #tpu.memory_space<vmem>>
    %dma_wait3A_344 = tpu.memref_squeeze %dma_wait3A_343 : memref<1x128x16xf32, #tpu.memory_space<vmem>> -> memref<128x16xf32, #tpu.memory_space<vmem>>
    %dma_wait3A_345 = arith.constant 0 : i32
    %dma_wait3A_346 = tpu.memref_slice %arg6[%dma_wait3A_338, %dma_wait3A_339, %dma_wait3A_345] : memref<78x2x128xi32, #tpu.memory_space<vmem>> -> memref<1x1x128xi32, #tpu.memory_space<vmem>>
    %dma_wait3A_347 = tpu.memref_squeeze %dma_wait3A_346 : memref<1x1x128xi32, #tpu.memory_space<vmem>> -> memref<128xi32, #tpu.memory_space<vmem>>
    %dma_wait3A_348 = arith.constant 0 : i32
    %dma_wait3A_349 = arith.constant 0 : i32
    %dma_wait3A_350 = tpu.memref_slice %arg3[%dma_wait3A_348, %dma_wait3A_349] : memref<10000x16xf32, #tpu.memory_space<hbm>> -> memref<10000x16xf32, #tpu.memory_space<hbm>>
    tpu.wait_indirect_dma semaphore(%arg13 : memref<!tpu.dma_semaphore, #tpu.memory_space<semaphore_mem>>) src(%dma_wait3A_350 : memref<10000x16xf32, #tpu.memory_space<hbm>>) dst(%dma_wait3A_344 : memref<128x16xf32, #tpu.memory_space<vmem>>)
    %dma_wait3A_351 = arith.constant 0 : i32
    %dma_wait3A_352 = tpu.memref_slice %arg9[%dma_wait3A_351] : memref<2048xf32, #tpu.memory_space<vmem>> -> memref<1024xf32, #tpu.memory_space<vmem>>
    %dma_wait3A_353 = arith.constant 0 : i32
    %dma_wait3A_354 = tpu.memref_slice %arg5[%dma_wait3A_353] : memref<5120000xf32, #tpu.memory_space<hbm>> -> memref<1024xf32, #tpu.memory_space<hbm>>
    %dma_wait3A_355 = arith.constant 0 : i32
    %dma_wait3A_356 = tpu.memref_slice %arg5[%dma_wait3A_355] : memref<5120000xf32, #tpu.memory_space<hbm>> -> memref<1024xf32, #tpu.memory_space<hbm>>
    %dma_wait3A_357 = arith.constant 0 : i32
    %dma_wait3A_358 = tpu.memref_slice %arg9[%dma_wait3A_357] : memref<2048xf32, #tpu.memory_space<vmem>> -> memref<1024xf32, #tpu.memory_space<vmem>>
    tpu.wait_dma2 semaphore(%arg16 : memref<!tpu.dma_semaphore, #tpu.memory_space<semaphore_mem>>) src(%dma_wait3A_358 : memref<1024xf32, #tpu.memory_space<vmem>>) dst(%dma_wait3A_356 : memref<1024xf32, #tpu.memory_space<hbm>>)
    %dma_wait3A_359 = arith.constant 0 : i32
    %dma_wait3A_360 = tpu.memref_slice %arg9[%dma_wait3A_359] : memref<2048xf32, #tpu.memory_space<vmem>> -> memref<1024xf32, #tpu.memory_space<vmem>>
    %dma_wait3A_361 = arith.constant 0 : i32
    %dma_wait3A_362 = tpu.memref_slice %arg5[%dma_wait3A_361] : memref<5120000xf32, #tpu.memory_space<hbm>> -> memref<1024xf32, #tpu.memory_space<hbm>>
    %dma_wait3A_363 = arith.constant 0 : i32
    %dma_wait3A_364 = tpu.memref_slice %arg5[%dma_wait3A_363] : memref<5120000xf32, #tpu.memory_space<hbm>> -> memref<1024xf32, #tpu.memory_space<hbm>>
    %dma_wait3A_365 = arith.constant 0 : i32
    %dma_wait3A_366 = tpu.memref_slice %arg9[%dma_wait3A_365] : memref<2048xf32, #tpu.memory_space<vmem>> -> memref<1024xf32, #tpu.memory_space<vmem>>
    tpu.wait_dma2 semaphore(%arg16 : memref<!tpu.dma_semaphore, #tpu.memory_space<semaphore_mem>>) src(%dma_wait3A_366 : memref<1024xf32, #tpu.memory_space<vmem>>) dst(%dma_wait3A_364 : memref<1024xf32, #tpu.memory_space<hbm>>)
    %parallel_loop3A_367 = arith.constant 0 : i32
    %parallel_loop3A_368 = arith.constant 128 : i32
    %parallel_loop3A_369 = arith.constant 1 : i32
    scf.for %parallel_loop3A_570 = %parallel_loop3A_367 to %parallel_loop3A_368 step %parallel_loop3A_369  : i32 {
      %parallel_loop3A_571 = arith.constant 0 : i32
      %parallel_loop3A_572 = arith.index_cast %parallel_loop3A_571 : i32 to index
      %parallel_loop3A_573 = arith.index_cast %parallel_loop3A_570 : i32 to index
      %parallel_loop3A_574 = arith.constant 0 : index
      %parallel_loop3A_575 = tpu.vector_load %arg7[%parallel_loop3A_572, %parallel_loop3A_573, %parallel_loop3A_574] {strides = array<i32>} : memref<3x128x16xf32, #tpu.memory_space<vmem>>, vector<16xf32>,
      %parallel_loop3A_576 = arith.constant 0 : i32
      %parallel_loop3A_577 = arith.index_cast %parallel_loop3A_576 : i32 to index
      %parallel_loop3A_578 = arith.index_cast %parallel_loop3A_570 : i32 to index
      %parallel_loop3A_579 = arith.constant 0 : index
      %parallel_loop3A_580 = tpu.vector_load %arg8[%parallel_loop3A_577, %parallel_loop3A_578, %parallel_loop3A_579] {strides = array<i32>} : memref<3x128x16xf32, #tpu.memory_space<vmem>>, vector<16xf32>,
      %parallel_loop3A_581 = arith.addf %parallel_loop3A_575, %parallel_loop3A_580 : vector<16xf32>
      %parallel_loop3A_582 = vector.broadcast %parallel_loop3A_570 : i32 to vector<16xi32>
      %parallel_loop3A_583 = arith.addi %mul3A_7, %parallel_loop3A_582 : vector<16xi32>
      tpu.vector_store_idx %arg9[%parallel_loop3A_583], %parallel_loop3A_581 : memref<2048xf32, #tpu.memory_space<vmem>>[vector<16xi32>], vector<16xf32>,
    } {sc.loop_unroll_factor = 8 : i64, sc.parallel_access}
    %add3A_370 = arith.constant 75 : i32
    %add3A_371 = arith.addi %add3A_4, %add3A_370 : i32
    %mul3A_372 = arith.constant 1024 : i32
    %mul3A_373 = arith.muli %add3A_371, %mul3A_372 : i32
    %dma_start3A_374 = arith.constant 0 : i32
    %dma_start3A_375 = tpu.memref_slice %arg9[%dma_start3A_374] : memref<2048xf32, #tpu.memory_space<vmem>> -> memref<1024xf32, #tpu.memory_space<vmem>>
    %dma_start3A_376 = tpu.memref_slice %arg5[%mul3A_373] : memref<5120000xf32, #tpu.memory_space<hbm>> -> memref<1024xf32, #tpu.memory_space<hbm>>
    %dma_start3A_377 = tpu.memref_slice %arg5[%mul3A_373] : memref<5120000xf32, #tpu.memory_space<hbm>> -> memref<1024xf32, #tpu.memory_space<hbm>>
    %dma_start3A_378 = arith.constant 0 : i32
    %dma_start3A_379 = tpu.memref_slice %arg9[%dma_start3A_378] : memref<2048xf32, #tpu.memory_space<vmem>> -> memref<1024xf32, #tpu.memory_space<vmem>>
    tpu.enqueue_dma source(%dma_start3A_379 : memref<1024xf32, #tpu.memory_space<vmem>>) target(%dma_start3A_377 : memref<1024xf32, #tpu.memory_space<hbm>>) target_semaphore(%arg16 : memref<!tpu.dma_semaphore, #tpu.memory_space<semaphore_mem>>)
    %mul3A_380 = arith.constant 1024 : i32
    %mul3A_381 = arith.muli %add3A_371, %mul3A_380 : i32
    %add3A_382 = arith.constant 2560000 : i32
    %add3A_383 = arith.addi %add3A_382, %mul3A_381 : i32
    %dma_start3A_384 = arith.constant 1024 : i32
    %dma_start3A_385 = tpu.memref_slice %arg9[%dma_start3A_384] : memref<2048xf32, #tpu.memory_space<vmem>> -> memref<1024xf32, #tpu.memory_space<vmem>>
    %dma_start3A_386 = tpu.memref_slice %arg5[%add3A_383] : memref<5120000xf32, #tpu.memory_space<hbm>> -> memref<1024xf32, #tpu.memory_space<hbm>>
    %dma_start3A_387 = tpu.memref_slice %arg5[%add3A_383] : memref<5120000xf32, #tpu.memory_space<hbm>> -> memref<1024xf32, #tpu.memory_space<hbm>>
    %dma_start3A_388 = arith.constant 1024 : i32
    %dma_start3A_389 = tpu.memref_slice %arg9[%dma_start3A_388] : memref<2048xf32, #tpu.memory_space<vmem>> -> memref<1024xf32, #tpu.memory_space<vmem>>
    tpu.enqueue_dma source(%dma_start3A_389 : memref<1024xf32, #tpu.memory_space<vmem>>) target(%dma_start3A_387 : memref<1024xf32, #tpu.memory_space<hbm>>) target_semaphore(%arg16 : memref<!tpu.dma_semaphore, #tpu.memory_space<semaphore_mem>>)
    %dma_wait3A_390 = arith.constant 0 : i32
    %dma_wait3A_391 = arith.constant 0 : i32
    %dma_wait3A_392 = arith.constant 1 : i32
    %dma_wait3A_393 = arith.constant 0 : i32
    %dma_wait3A_394 = arith.constant 0 : i32
    %dma_wait3A_395 = tpu.memref_slice %arg7[%dma_wait3A_392, %dma_wait3A_393, %dma_wait3A_394] : memref<3x128x16xf32, #tpu.memory_space<vmem>> -> memref<1x128x16xf32, #tpu.memory_space<vmem>>
    %dma_wait3A_396 = tpu.memref_squeeze %dma_wait3A_395 : memref<1x128x16xf32, #tpu.memory_space<vmem>> -> memref<128x16xf32, #tpu.memory_space<vmem>>
    %dma_wait3A_397 = arith.constant 0 : i32
    %dma_wait3A_398 = tpu.memref_slice %arg6[%dma_wait3A_390, %dma_wait3A_391, %dma_wait3A_397] : memref<78x2x128xi32, #tpu.memory_space<vmem>> -> memref<1x1x128xi32, #tpu.memory_space<vmem>>
    %dma_wait3A_399 = tpu.memref_squeeze %dma_wait3A_398 : memref<1x1x128xi32, #tpu.memory_space<vmem>> -> memref<128xi32, #tpu.memory_space<vmem>>
    %dma_wait3A_400 = arith.constant 0 : i32
    %dma_wait3A_401 = arith.constant 0 : i32
    %dma_wait3A_402 = tpu.memref_slice %arg2[%dma_wait3A_400, %dma_wait3A_401] : memref<10000x16xf32, #tpu.memory_space<hbm>> -> memref<10000x16xf32, #tpu.memory_space<hbm>>
    tpu.wait_indirect_dma semaphore(%arg14 : memref<!tpu.dma_semaphore, #tpu.memory_space<semaphore_mem>>) src(%dma_wait3A_402 : memref<10000x16xf32, #tpu.memory_space<hbm>>) dst(%dma_wait3A_396 : memref<128x16xf32, #tpu.memory_space<vmem>>)
    %dma_wait3A_403 = arith.constant 0 : i32
    %dma_wait3A_404 = arith.constant 1 : i32
    %dma_wait3A_405 = arith.constant 1 : i32
    %dma_wait3A_406 = arith.constant 0 : i32
    %dma_wait3A_407 = arith.constant 0 : i32
    %dma_wait3A_408 = tpu.memref_slice %arg8[%dma_wait3A_405, %dma_wait3A_406, %dma_wait3A_407] : memref<3x128x16xf32, #tpu.memory_space<vmem>> -> memref<1x128x16xf32, #tpu.memory_space<vmem>>
    %dma_wait3A_409 = tpu.memref_squeeze %dma_wait3A_408 : memref<1x128x16xf32, #tpu.memory_space<vmem>> -> memref<128x16xf32, #tpu.memory_space<vmem>>
    %dma_wait3A_410 = arith.constant 0 : i32
    %dma_wait3A_411 = tpu.memref_slice %arg6[%dma_wait3A_403, %dma_wait3A_404, %dma_wait3A_410] : memref<78x2x128xi32, #tpu.memory_space<vmem>> -> memref<1x1x128xi32, #tpu.memory_space<vmem>>
    %dma_wait3A_412 = tpu.memref_squeeze %dma_wait3A_411 : memref<1x1x128xi32, #tpu.memory_space<vmem>> -> memref<128xi32, #tpu.memory_space<vmem>>
    %dma_wait3A_413 = arith.constant 0 : i32
    %dma_wait3A_414 = arith.constant 0 : i32
    %dma_wait3A_415 = tpu.memref_slice %arg3[%dma_wait3A_413, %dma_wait3A_414] : memref<10000x16xf32, #tpu.memory_space<hbm>> -> memref<10000x16xf32, #tpu.memory_space<hbm>>
    tpu.wait_indirect_dma semaphore(%arg14 : memref<!tpu.dma_semaphore, #tpu.memory_space<semaphore_mem>>) src(%dma_wait3A_415 : memref<10000x16xf32, #tpu.memory_space<hbm>>) dst(%dma_wait3A_409 : memref<128x16xf32, #tpu.memory_space<vmem>>)
    %dma_wait3A_416 = arith.constant 0 : i32
    %dma_wait3A_417 = tpu.memref_slice %arg10[%dma_wait3A_416] : memref<2048xf32, #tpu.memory_space<vmem>> -> memref<1024xf32, #tpu.memory_space<vmem>>
    %dma_wait3A_418 = arith.constant 0 : i32
    %dma_wait3A_419 = tpu.memref_slice %arg5[%dma_wait3A_418] : memref<5120000xf32, #tpu.memory_space<hbm>> -> memref<1024xf32, #tpu.memory_space<hbm>>
    %dma_wait3A_420 = arith.constant 0 : i32
    %dma_wait3A_421 = tpu.memref_slice %arg5[%dma_wait3A_420] : memref<5120000xf32, #tpu.memory_space<hbm>> -> memref<1024xf32, #tpu.memory_space<hbm>>
    %dma_wait3A_422 = arith.constant 0 : i32
    %dma_wait3A_423 = tpu.memref_slice %arg10[%dma_wait3A_422] : memref<2048xf32, #tpu.memory_space<vmem>> -> memref<1024xf32, #tpu.memory_space<vmem>>
    tpu.wait_dma2 semaphore(%arg17 : memref<!tpu.dma_semaphore, #tpu.memory_space<semaphore_mem>>) src(%dma_wait3A_423 : memref<1024xf32, #tpu.memory_space<vmem>>) dst(%dma_wait3A_421 : memref<1024xf32, #tpu.memory_space<hbm>>)
    %dma_wait3A_424 = arith.constant 0 : i32
    %dma_wait3A_425 = tpu.memref_slice %arg10[%dma_wait3A_424] : memref<2048xf32, #tpu.memory_space<vmem>> -> memref<1024xf32, #tpu.memory_space<vmem>>
    %dma_wait3A_426 = arith.constant 0 : i32
    %dma_wait3A_427 = tpu.memref_slice %arg5[%dma_wait3A_426] : memref<5120000xf32, #tpu.memory_space<hbm>> -> memref<1024xf32, #tpu.memory_space<hbm>>
    %dma_wait3A_428 = arith.constant 0 : i32
    %dma_wait3A_429 = tpu.memref_slice %arg5[%dma_wait3A_428] : memref<5120000xf32, #tpu.memory_space<hbm>> -> memref<1024xf32, #tpu.memory_space<hbm>>
    %dma_wait3A_430 = arith.constant 0 : i32
    %dma_wait3A_431 = tpu.memref_slice %arg10[%dma_wait3A_430] : memref<2048xf32, #tpu.memory_space<vmem>> -> memref<1024xf32, #tpu.memory_space<vmem>>
    tpu.wait_dma2 semaphore(%arg17 : memref<!tpu.dma_semaphore, #tpu.memory_space<semaphore_mem>>) src(%dma_wait3A_431 : memref<1024xf32, #tpu.memory_space<vmem>>) dst(%dma_wait3A_429 : memref<1024xf32, #tpu.memory_space<hbm>>)
    %parallel_loop3A_432 = arith.constant 0 : i32
    %parallel_loop3A_433 = arith.constant 128 : i32
    %parallel_loop3A_434 = arith.constant 1 : i32
    scf.for %parallel_loop3A_570 = %parallel_loop3A_432 to %parallel_loop3A_433 step %parallel_loop3A_434  : i32 {
      %parallel_loop3A_571 = arith.constant 1 : i32
      %parallel_loop3A_572 = arith.index_cast %parallel_loop3A_571 : i32 to index
      %parallel_loop3A_573 = arith.index_cast %parallel_loop3A_570 : i32 to index
      %parallel_loop3A_574 = arith.constant 0 : index
      %parallel_loop3A_575 = tpu.vector_load %arg7[%parallel_loop3A_572, %parallel_loop3A_573, %parallel_loop3A_574] {strides = array<i32>} : memref<3x128x16xf32, #tpu.memory_space<vmem>>, vector<16xf32>,
      %parallel_loop3A_576 = arith.constant 1 : i32
      %parallel_loop3A_577 = arith.index_cast %parallel_loop3A_576 : i32 to index
      %parallel_loop3A_578 = arith.index_cast %parallel_loop3A_570 : i32 to index
      %parallel_loop3A_579 = arith.constant 0 : index
      %parallel_loop3A_580 = tpu.vector_load %arg8[%parallel_loop3A_577, %parallel_loop3A_578, %parallel_loop3A_579] {strides = array<i32>} : memref<3x128x16xf32, #tpu.memory_space<vmem>>, vector<16xf32>,
      %parallel_loop3A_581 = arith.addf %parallel_loop3A_575, %parallel_loop3A_580 : vector<16xf32>
      %parallel_loop3A_582 = vector.broadcast %parallel_loop3A_570 : i32 to vector<16xi32>
      %parallel_loop3A_583 = arith.addi %mul3A_7, %parallel_loop3A_582 : vector<16xi32>
      tpu.vector_store_idx %arg10[%parallel_loop3A_583], %parallel_loop3A_581 : memref<2048xf32, #tpu.memory_space<vmem>>[vector<16xi32>], vector<16xf32>,
    } {sc.loop_unroll_factor = 8 : i64, sc.parallel_access}
    %add3A_435 = arith.constant 76 : i32
    %add3A_436 = arith.addi %add3A_4, %add3A_435 : i32
    %mul3A_437 = arith.constant 1024 : i32
    %mul3A_438 = arith.muli %add3A_436, %mul3A_437 : i32
    %dma_start3A_439 = arith.constant 0 : i32
    %dma_start3A_440 = tpu.memref_slice %arg10[%dma_start3A_439] : memref<2048xf32, #tpu.memory_space<vmem>> -> memref<1024xf32, #tpu.memory_space<vmem>>
    %dma_start3A_441 = tpu.memref_slice %arg5[%mul3A_438] : memref<5120000xf32, #tpu.memory_space<hbm>> -> memref<1024xf32, #tpu.memory_space<hbm>>
    %dma_start3A_442 = tpu.memref_slice %arg5[%mul3A_438] : memref<5120000xf32, #tpu.memory_space<hbm>> -> memref<1024xf32, #tpu.memory_space<hbm>>
    %dma_start3A_443 = arith.constant 0 : i32
    %dma_start3A_444 = tpu.memref_slice %arg10[%dma_start3A_443] : memref<2048xf32, #tpu.memory_space<vmem>> -> memref<1024xf32, #tpu.memory_space<vmem>>
    tpu.enqueue_dma source(%dma_start3A_444 : memref<1024xf32, #tpu.memory_space<vmem>>) target(%dma_start3A_442 : memref<1024xf32, #tpu.memory_space<hbm>>) target_semaphore(%arg17 : memref<!tpu.dma_semaphore, #tpu.memory_space<semaphore_mem>>)
    %mul3A_445 = arith.constant 1024 : i32
    %mul3A_446 = arith.muli %add3A_436, %mul3A_445 : i32
    %add3A_447 = arith.constant 2560000 : i32
    %add3A_448 = arith.addi %add3A_447, %mul3A_446 : i32
    %dma_start3A_449 = arith.constant 1024 : i32
    %dma_start3A_450 = tpu.memref_slice %arg10[%dma_start3A_449] : memref<2048xf32, #tpu.memory_space<vmem>> -> memref<1024xf32, #tpu.memory_space<vmem>>
    %dma_start3A_451 = tpu.memref_slice %arg5[%add3A_448] : memref<5120000xf32, #tpu.memory_space<hbm>> -> memref<1024xf32, #tpu.memory_space<hbm>>
    %dma_start3A_452 = tpu.memref_slice %arg5[%add3A_448] : memref<5120000xf32, #tpu.memory_space<hbm>> -> memref<1024xf32, #tpu.memory_space<hbm>>
    %dma_start3A_453 = arith.constant 1024 : i32
    %dma_start3A_454 = tpu.memref_slice %arg10[%dma_start3A_453] : memref<2048xf32, #tpu.memory_space<vmem>> -> memref<1024xf32, #tpu.memory_space<vmem>>
    tpu.enqueue_dma source(%dma_start3A_454 : memref<1024xf32, #tpu.memory_space<vmem>>) target(%dma_start3A_452 : memref<1024xf32, #tpu.memory_space<hbm>>) target_semaphore(%arg17 : memref<!tpu.dma_semaphore, #tpu.memory_space<semaphore_mem>>)
    %dma_wait3A_455 = arith.constant 0 : i32
    %dma_wait3A_456 = arith.constant 0 : i32
    %dma_wait3A_457 = arith.constant 2 : i32
    %dma_wait3A_458 = arith.constant 0 : i32
    %dma_wait3A_459 = arith.constant 0 : i32
    %dma_wait3A_460 = tpu.memref_slice %arg7[%dma_wait3A_457, %dma_wait3A_458, %dma_wait3A_459] : memref<3x128x16xf32, #tpu.memory_space<vmem>> -> memref<1x128x16xf32, #tpu.memory_space<vmem>>
    %dma_wait3A_461 = tpu.memref_squeeze %dma_wait3A_460 : memref<1x128x16xf32, #tpu.memory_space<vmem>> -> memref<128x16xf32, #tpu.memory_space<vmem>>
    %dma_wait3A_462 = arith.constant 0 : i32
    %dma_wait3A_463 = tpu.memref_slice %arg6[%dma_wait3A_455, %dma_wait3A_456, %dma_wait3A_462] : memref<78x2x128xi32, #tpu.memory_space<vmem>> -> memref<1x1x128xi32, #tpu.memory_space<vmem>>
    %dma_wait3A_464 = tpu.memref_squeeze %dma_wait3A_463 : memref<1x1x128xi32, #tpu.memory_space<vmem>> -> memref<128xi32, #tpu.memory_space<vmem>>
    %dma_wait3A_465 = arith.constant 0 : i32
    %dma_wait3A_466 = arith.constant 0 : i32
    %dma_wait3A_467 = tpu.memref_slice %arg2[%dma_wait3A_465, %dma_wait3A_466] : memref<10000x16xf32, #tpu.memory_space<hbm>> -> memref<10000x16xf32, #tpu.memory_space<hbm>>
    tpu.wait_indirect_dma semaphore(%arg15 : memref<!tpu.dma_semaphore, #tpu.memory_space<semaphore_mem>>) src(%dma_wait3A_467 : memref<10000x16xf32, #tpu.memory_space<hbm>>) dst(%dma_wait3A_461 : memref<128x16xf32, #tpu.memory_space<vmem>>)
    %dma_wait3A_468 = arith.constant 0 : i32
    %dma_wait3A_469 = arith.constant 1 : i32
    %dma_wait3A_470 = arith.constant 2 : i32
    %dma_wait3A_471 = arith.constant 0 : i32
    %dma_wait3A_472 = arith.constant 0 : i32
    %dma_wait3A_473 = tpu.memref_slice %arg8[%dma_wait3A_470, %dma_wait3A_471, %dma_wait3A_472] : memref<3x128x16xf32, #tpu.memory_space<vmem>> -> memref<1x128x16xf32, #tpu.memory_space<vmem>>
    %dma_wait3A_474 = tpu.memref_squeeze %dma_wait3A_473 : memref<1x128x16xf32, #tpu.memory_space<vmem>> -> memref<128x16xf32, #tpu.memory_space<vmem>>
    %dma_wait3A_475 = arith.constant 0 : i32
    %dma_wait3A_476 = tpu.memref_slice %arg6[%dma_wait3A_468, %dma_wait3A_469, %dma_wait3A_475] : memref<78x2x128xi32, #tpu.memory_space<vmem>> -> memref<1x1x128xi32, #tpu.memory_space<vmem>>
    %dma_wait3A_477 = tpu.memref_squeeze %dma_wait3A_476 : memref<1x1x128xi32, #tpu.memory_space<vmem>> -> memref<128xi32, #tpu.memory_space<vmem>>
    %dma_wait3A_478 = arith.constant 0 : i32
    %dma_wait3A_479 = arith.constant 0 : i32
    %dma_wait3A_480 = tpu.memref_slice %arg3[%dma_wait3A_478, %dma_wait3A_479] : memref<10000x16xf32, #tpu.memory_space<hbm>> -> memref<10000x16xf32, #tpu.memory_space<hbm>>
    tpu.wait_indirect_dma semaphore(%arg15 : memref<!tpu.dma_semaphore, #tpu.memory_space<semaphore_mem>>) src(%dma_wait3A_480 : memref<10000x16xf32, #tpu.memory_space<hbm>>) dst(%dma_wait3A_474 : memref<128x16xf32, #tpu.memory_space<vmem>>)
    %dma_wait3A_481 = arith.constant 0 : i32
    %dma_wait3A_482 = tpu.memref_slice %arg11[%dma_wait3A_481] : memref<2048xf32, #tpu.memory_space<vmem>> -> memref<1024xf32, #tpu.memory_space<vmem>>
    %dma_wait3A_483 = arith.constant 0 : i32
    %dma_wait3A_484 = tpu.memref_slice %arg5[%dma_wait3A_483] : memref<5120000xf32, #tpu.memory_space<hbm>> -> memref<1024xf32, #tpu.memory_space<hbm>>
    %dma_wait3A_485 = arith.constant 0 : i32
    %dma_wait3A_486 = tpu.memref_slice %arg5[%dma_wait3A_485] : memref<5120000xf32, #tpu.memory_space<hbm>> -> memref<1024xf32, #tpu.memory_space<hbm>>
    %dma_wait3A_487 = arith.constant 0 : i32
    %dma_wait3A_488 = tpu.memref_slice %arg11[%dma_wait3A_487] : memref<2048xf32, #tpu.memory_space<vmem>> -> memref<1024xf32, #tpu.memory_space<vmem>>
    tpu.wait_dma2 semaphore(%arg18 : memref<!tpu.dma_semaphore, #tpu.memory_space<semaphore_mem>>) src(%dma_wait3A_488 : memref<1024xf32, #tpu.memory_space<vmem>>) dst(%dma_wait3A_486 : memref<1024xf32, #tpu.memory_space<hbm>>)
    %dma_wait3A_489 = arith.constant 0 : i32
    %dma_wait3A_490 = tpu.memref_slice %arg11[%dma_wait3A_489] : memref<2048xf32, #tpu.memory_space<vmem>> -> memref<1024xf32, #tpu.memory_space<vmem>>
    %dma_wait3A_491 = arith.constant 0 : i32
    %dma_wait3A_492 = tpu.memref_slice %arg5[%dma_wait3A_491] : memref<5120000xf32, #tpu.memory_space<hbm>> -> memref<1024xf32, #tpu.memory_space<hbm>>
    %dma_wait3A_493 = arith.constant 0 : i32
    %dma_wait3A_494 = tpu.memref_slice %arg5[%dma_wait3A_493] : memref<5120000xf32, #tpu.memory_space<hbm>> -> memref<1024xf32, #tpu.memory_space<hbm>>
    %dma_wait3A_495 = arith.constant 0 : i32
    %dma_wait3A_496 = tpu.memref_slice %arg11[%dma_wait3A_495] : memref<2048xf32, #tpu.memory_space<vmem>> -> memref<1024xf32, #tpu.memory_space<vmem>>
    tpu.wait_dma2 semaphore(%arg18 : memref<!tpu.dma_semaphore, #tpu.memory_space<semaphore_mem>>) src(%dma_wait3A_496 : memref<1024xf32, #tpu.memory_space<vmem>>) dst(%dma_wait3A_494 : memref<1024xf32, #tpu.memory_space<hbm>>)
    %parallel_loop3A_497 = arith.constant 0 : i32
    %parallel_loop3A_498 = arith.constant 128 : i32
    %parallel_loop3A_499 = arith.constant 1 : i32
    scf.for %parallel_loop3A_570 = %parallel_loop3A_497 to %parallel_loop3A_498 step %parallel_loop3A_499  : i32 {
      %parallel_loop3A_571 = arith.constant 2 : i32
      %parallel_loop3A_572 = arith.index_cast %parallel_loop3A_571 : i32 to index
      %parallel_loop3A_573 = arith.index_cast %parallel_loop3A_570 : i32 to index
      %parallel_loop3A_574 = arith.constant 0 : index
      %parallel_loop3A_575 = tpu.vector_load %arg7[%parallel_loop3A_572, %parallel_loop3A_573, %parallel_loop3A_574] {strides = array<i32>} : memref<3x128x16xf32, #tpu.memory_space<vmem>>, vector<16xf32>,
      %parallel_loop3A_576 = arith.constant 2 : i32
      %parallel_loop3A_577 = arith.index_cast %parallel_loop3A_576 : i32 to index
      %parallel_loop3A_578 = arith.index_cast %parallel_loop3A_570 : i32 to index
      %parallel_loop3A_579 = arith.constant 0 : index
      %parallel_loop3A_580 = tpu.vector_load %arg8[%parallel_loop3A_577, %parallel_loop3A_578, %parallel_loop3A_579] {strides = array<i32>} : memref<3x128x16xf32, #tpu.memory_space<vmem>>, vector<16xf32>,
      %parallel_loop3A_581 = arith.addf %parallel_loop3A_575, %parallel_loop3A_580 : vector<16xf32>
      %parallel_loop3A_582 = vector.broadcast %parallel_loop3A_570 : i32 to vector<16xi32>
      %parallel_loop3A_583 = arith.addi %mul3A_7, %parallel_loop3A_582 : vector<16xi32>
      tpu.vector_store_idx %arg11[%parallel_loop3A_583], %parallel_loop3A_581 : memref<2048xf32, #tpu.memory_space<vmem>>[vector<16xi32>], vector<16xf32>,
    } {sc.loop_unroll_factor = 8 : i64, sc.parallel_access}
    %add3A_500 = arith.constant 77 : i32
    %add3A_501 = arith.addi %add3A_4, %add3A_500 : i32
    %mul3A_502 = arith.constant 1024 : i32
    %mul3A_503 = arith.muli %add3A_501, %mul3A_502 : i32
    %dma_start3A_504 = arith.constant 0 : i32
    %dma_start3A_505 = tpu.memref_slice %arg11[%dma_start3A_504] : memref<2048xf32, #tpu.memory_space<vmem>> -> memref<1024xf32, #tpu.memory_space<vmem>>
    %dma_start3A_506 = tpu.memref_slice %arg5[%mul3A_503] : memref<5120000xf32, #tpu.memory_space<hbm>> -> memref<1024xf32, #tpu.memory_space<hbm>>
    %dma_start3A_507 = tpu.memref_slice %arg5[%mul3A_503] : memref<5120000xf32, #tpu.memory_space<hbm>> -> memref<1024xf32, #tpu.memory_space<hbm>>
    %dma_start3A_508 = arith.constant 0 : i32
    %dma_start3A_509 = tpu.memref_slice %arg11[%dma_start3A_508] : memref<2048xf32, #tpu.memory_space<vmem>> -> memref<1024xf32, #tpu.memory_space<vmem>>
    tpu.enqueue_dma source(%dma_start3A_509 : memref<1024xf32, #tpu.memory_space<vmem>>) target(%dma_start3A_507 : memref<1024xf32, #tpu.memory_space<hbm>>) target_semaphore(%arg18 : memref<!tpu.dma_semaphore, #tpu.memory_space<semaphore_mem>>)
    %mul3A_510 = arith.constant 1024 : i32
    %mul3A_511 = arith.muli %add3A_501, %mul3A_510 : i32
    %add3A_512 = arith.constant 2560000 : i32
    %add3A_513 = arith.addi %add3A_512, %mul3A_511 : i32
    %dma_start3A_514 = arith.constant 1024 : i32
    %dma_start3A_515 = tpu.memref_slice %arg11[%dma_start3A_514] : memref<2048xf32, #tpu.memory_space<vmem>> -> memref<1024xf32, #tpu.memory_space<vmem>>
    %dma_start3A_516 = tpu.memref_slice %arg5[%add3A_513] : memref<5120000xf32, #tpu.memory_space<hbm>> -> memref<1024xf32, #tpu.memory_space<hbm>>
    %dma_start3A_517 = tpu.memref_slice %arg5[%add3A_513] : memref<5120000xf32, #tpu.memory_space<hbm>> -> memref<1024xf32, #tpu.memory_space<hbm>>
    %dma_start3A_518 = arith.constant 1024 : i32
    %dma_start3A_519 = tpu.memref_slice %arg11[%dma_start3A_518] : memref<2048xf32, #tpu.memory_space<vmem>> -> memref<1024xf32, #tpu.memory_space<vmem>>
    tpu.enqueue_dma source(%dma_start3A_519 : memref<1024xf32, #tpu.memory_space<vmem>>) target(%dma_start3A_517 : memref<1024xf32, #tpu.memory_space<hbm>>) target_semaphore(%arg18 : memref<!tpu.dma_semaphore, #tpu.memory_space<semaphore_mem>>)
    %dma_wait3A_520 = arith.constant 0 : i32
    %dma_wait3A_521 = tpu.memref_slice %arg9[%dma_wait3A_520] : memref<2048xf32, #tpu.memory_space<vmem>> -> memref<1024xf32, #tpu.memory_space<vmem>>
    %dma_wait3A_522 = arith.constant 0 : i32
    %dma_wait3A_523 = tpu.memref_slice %arg5[%dma_wait3A_522] : memref<5120000xf32, #tpu.memory_space<hbm>> -> memref<1024xf32, #tpu.memory_space<hbm>>
    %dma_wait3A_524 = arith.constant 0 : i32
    %dma_wait3A_525 = tpu.memref_slice %arg5[%dma_wait3A_524] : memref<5120000xf32, #tpu.memory_space<hbm>> -> memref<1024xf32, #tpu.memory_space<hbm>>
    %dma_wait3A_526 = arith.constant 0 : i32
    %dma_wait3A_527 = tpu.memref_slice %arg9[%dma_wait3A_526] : memref<2048xf32, #tpu.memory_space<vmem>> -> memref<1024xf32, #tpu.memory_space<vmem>>
    tpu.wait_dma2 semaphore(%arg16 : memref<!tpu.dma_semaphore, #tpu.memory_space<semaphore_mem>>) src(%dma_wait3A_527 : memref<1024xf32, #tpu.memory_space<vmem>>) dst(%dma_wait3A_525 : memref<1024xf32, #tpu.memory_space<hbm>>)
    %dma_wait3A_528 = arith.constant 0 : i32
    %dma_wait3A_529 = tpu.memref_slice %arg9[%dma_wait3A_528] : memref<2048xf32, #tpu.memory_space<vmem>> -> memref<1024xf32, #tpu.memory_space<vmem>>
    %dma_wait3A_530 = arith.constant 0 : i32
    %dma_wait3A_531 = tpu.memref_slice %arg5[%dma_wait3A_530] : memref<5120000xf32, #tpu.memory_space<hbm>> -> memref<1024xf32, #tpu.memory_space<hbm>>
    %dma_wait3A_532 = arith.constant 0 : i32
    %dma_wait3A_533 = tpu.memref_slice %arg5[%dma_wait3A_532] : memref<5120000xf32, #tpu.memory_space<hbm>> -> memref<1024xf32, #tpu.memory_space<hbm>>
    %dma_wait3A_534 = arith.constant 0 : i32
    %dma_wait3A_535 = tpu.memref_slice %arg9[%dma_wait3A_534] : memref<2048xf32, #tpu.memory_space<vmem>> -> memref<1024xf32, #tpu.memory_space<vmem>>
    tpu.wait_dma2 semaphore(%arg16 : memref<!tpu.dma_semaphore, #tpu.memory_space<semaphore_mem>>) src(%dma_wait3A_535 : memref<1024xf32, #tpu.memory_space<vmem>>) dst(%dma_wait3A_533 : memref<1024xf32, #tpu.memory_space<hbm>>)
    %dma_wait3A_536 = arith.constant 0 : i32
    %dma_wait3A_537 = tpu.memref_slice %arg10[%dma_wait3A_536] : memref<2048xf32, #tpu.memory_space<vmem>> -> memref<1024xf32, #tpu.memory_space<vmem>>
    %dma_wait3A_538 = arith.constant 0 : i32
    %dma_wait3A_539 = tpu.memref_slice %arg5[%dma_wait3A_538] : memref<5120000xf32, #tpu.memory_space<hbm>> -> memref<1024xf32, #tpu.memory_space<hbm>>
    %dma_wait3A_540 = arith.constant 0 : i32
    %dma_wait3A_541 = tpu.memref_slice %arg5[%dma_wait3A_540] : memref<5120000xf32, #tpu.memory_space<hbm>> -> memref<1024xf32, #tpu.memory_space<hbm>>
    %dma_wait3A_542 = arith.constant 0 : i32
    %dma_wait3A_543 = tpu.memref_slice %arg10[%dma_wait3A_542] : memref<2048xf32, #tpu.memory_space<vmem>> -> memref<1024xf32, #tpu.memory_space<vmem>>
    tpu.wait_dma2 semaphore(%arg17 : memref<!tpu.dma_semaphore, #tpu.memory_space<semaphore_mem>>) src(%dma_wait3A_543 : memref<1024xf32, #tpu.memory_space<vmem>>) dst(%dma_wait3A_541 : memref<1024xf32, #tpu.memory_space<hbm>>)
    %dma_wait3A_544 = arith.constant 0 : i32
    %dma_wait3A_545 = tpu.memref_slice %arg10[%dma_wait3A_544] : memref<2048xf32, #tpu.memory_space<vmem>> -> memref<1024xf32, #tpu.memory_space<vmem>>
    %dma_wait3A_546 = arith.constant 0 : i32
    %dma_wait3A_547 = tpu.memref_slice %arg5[%dma_wait3A_546] : memref<5120000xf32, #tpu.memory_space<hbm>> -> memref<1024xf32, #tpu.memory_space<hbm>>
    %dma_wait3A_548 = arith.constant 0 : i32
    %dma_wait3A_549 = tpu.memref_slice %arg5[%dma_wait3A_548] : memref<5120000xf32, #tpu.memory_space<hbm>> -> memref<1024xf32, #tpu.memory_space<hbm>>
    %dma_wait3A_550 = arith.constant 0 : i32
    %dma_wait3A_551 = tpu.memref_slice %arg10[%dma_wait3A_550] : memref<2048xf32, #tpu.memory_space<vmem>> -> memref<1024xf32, #tpu.memory_space<vmem>>
    tpu.wait_dma2 semaphore(%arg17 : memref<!tpu.dma_semaphore, #tpu.memory_space<semaphore_mem>>) src(%dma_wait3A_551 : memref<1024xf32, #tpu.memory_space<vmem>>) dst(%dma_wait3A_549 : memref<1024xf32, #tpu.memory_space<hbm>>)
    %dma_wait3A_552 = arith.constant 0 : i32
    %dma_wait3A_553 = tpu.memref_slice %arg11[%dma_wait3A_552] : memref<2048xf32, #tpu.memory_space<vmem>> -> memref<1024xf32, #tpu.memory_space<vmem>>
    %dma_wait3A_554 = arith.constant 0 : i32
    %dma_wait3A_555 = tpu.memref_slice %arg5[%dma_wait3A_554] : memref<5120000xf32, #tpu.memory_space<hbm>> -> memref<1024xf32, #tpu.memory_space<hbm>>
    %dma_wait3A_556 = arith.constant 0 : i32
    %dma_wait3A_557 = tpu.memref_slice %arg5[%dma_wait3A_556] : memref<5120000xf32, #tpu.memory_space<hbm>> -> memref<1024xf32, #tpu.memory_space<hbm>>
    %dma_wait3A_558 = arith.constant 0 : i32
    %dma_wait3A_559 = tpu.memref_slice %arg11[%dma_wait3A_558] : memref<2048xf32, #tpu.memory_space<vmem>> -> memref<1024xf32, #tpu.memory_space<vmem>>
    tpu.wait_dma2 semaphore(%arg18 : memref<!tpu.dma_semaphore, #tpu.memory_space<semaphore_mem>>) src(%dma_wait3A_559 : memref<1024xf32, #tpu.memory_space<vmem>>) dst(%dma_wait3A_557 : memref<1024xf32, #tpu.memory_space<hbm>>)
    %dma_wait3A_560 = arith.constant 0 : i32
    %dma_wait3A_561 = tpu.memref_slice %arg11[%dma_wait3A_560] : memref<2048xf32, #tpu.memory_space<vmem>> -> memref<1024xf32, #tpu.memory_space<vmem>>
    %dma_wait3A_562 = arith.constant 0 : i32
    %dma_wait3A_563 = tpu.memref_slice %arg5[%dma_wait3A_562] : memref<5120000xf32, #tpu.memory_space<hbm>> -> memref<1024xf32, #tpu.memory_space<hbm>>
    %dma_wait3A_564 = arith.constant 0 : i32
    %dma_wait3A_565 = tpu.memref_slice %arg5[%dma_wait3A_564] : memref<5120000xf32, #tpu.memory_space<hbm>> -> memref<1024xf32, #tpu.memory_space<hbm>>
    %dma_wait3A_566 = arith.constant 0 : i32
    %dma_wait3A_567 = tpu.memref_slice %arg11[%dma_wait3A_566] : memref<2048xf32, #tpu.memory_space<vmem>> -> memref<1024xf32, #tpu.memory_space<vmem>>
    tpu.wait_dma2 semaphore(%arg18 : memref<!tpu.dma_semaphore, #tpu.memory_space<semaphore_mem>>) src(%dma_wait3A_567 : memref<1024xf32, #tpu.memory_space<vmem>>) dst(%dma_wait3A_565 : memref<1024xf32, #tpu.memory_space<hbm>>)
    %lt3A = arith.constant 4 : i32
    %lt3A_568 = arith.cmpi slt, %add3A, %lt3A : i32
    %convert_element_type3A = arith.extui %lt3A_568 : i1 to i32
    %cond3A = arith.constant 0 : i32
    %cond3A_569 = arith.cmpi ne, %convert_element_type3A, %cond3A : i32
    scf.if %cond3A_569 {
      %add3A_570 = arith.constant 78 : i32
      %add3A_571 = arith.addi %add3A_4, %add3A_570 : i32
      "tpu.region"() ({
        %run_scoped3A = tpu.sem_alloc : memref<!tpu.dma_semaphore, #tpu.memory_space<semaphore_mem>>
        %dma_start3A_661 = arith.constant 0 : i32
        %dma_start3A_662 = arith.constant 0 : i32
        %dma_start3A_663 = arith.constant 0 : i32
        %dma_start3A_664 = tpu.memref_slice %arg6[%dma_start3A_661, %dma_start3A_662, %dma_start3A_663] : memref<78x2x128xi32, #tpu.memory_space<vmem>> -> memref<1x2x128xi32, #tpu.memory_space<vmem>>
        %dma_start3A_665 = arith.constant 0 : i32
        %dma_start3A_666 = arith.constant 0 : i32
        %dma_start3A_667 = tpu.memref_slice %arg4[%add3A_571, %dma_start3A_665, %dma_start3A_666] : memref<2500x2x128xi32, #tpu.memory_space<hbm>> -> memref<1x2x128xi32, #tpu.memory_space<hbm>>
        %dma_start3A_668 = arith.constant 0 : i32
        %dma_start3A_669 = arith.constant 0 : i32
        %dma_start3A_670 = arith.constant 0 : i32
        %dma_start3A_671 = tpu.memref_slice %arg6[%dma_start3A_668, %dma_start3A_669, %dma_start3A_670] : memref<78x2x128xi32, #tpu.memory_space<vmem>> -> memref<1x2x128xi32, #tpu.memory_space<vmem>>
        %dma_start3A_672 = arith.constant 0 : i32
        %dma_start3A_673 = arith.constant 0 : i32
        %dma_start3A_674 = tpu.memref_slice %arg4[%add3A_571, %dma_start3A_672, %dma_start3A_673] : memref<2500x2x128xi32, #tpu.memory_space<hbm>> -> memref<1x2x128xi32, #tpu.memory_space<hbm>>
        tpu.enqueue_dma source(%dma_start3A_674 : memref<1x2x128xi32, #tpu.memory_space<hbm>>) target(%dma_start3A_671 : memref<1x2x128xi32, #tpu.memory_space<vmem>>) target_semaphore(%run_scoped3A : memref<!tpu.dma_semaphore, #tpu.memory_space<semaphore_mem>>)
        %dma_wait3A_675 = arith.constant 0 : i32
        %dma_wait3A_676 = arith.constant 0 : i32
        %dma_wait3A_677 = arith.constant 0 : i32
        %dma_wait3A_678 = tpu.memref_slice %arg6[%dma_wait3A_675, %dma_wait3A_676, %dma_wait3A_677] : memref<78x2x128xi32, #tpu.memory_space<vmem>> -> memref<1x2x128xi32, #tpu.memory_space<vmem>>
        %dma_wait3A_679 = arith.constant 0 : i32
        %dma_wait3A_680 = arith.constant 0 : i32
        %dma_wait3A_681 = tpu.memref_slice %arg4[%add3A_571, %dma_wait3A_679, %dma_wait3A_680] : memref<2500x2x128xi32, #tpu.memory_space<hbm>> -> memref<1x2x128xi32, #tpu.memory_space<hbm>>
        %dma_wait3A_682 = arith.constant 0 : i32
        %dma_wait3A_683 = arith.constant 0 : i32
        %dma_wait3A_684 = arith.constant 0 : i32
        %dma_wait3A_685 = tpu.memref_slice %arg6[%dma_wait3A_682, %dma_wait3A_683, %dma_wait3A_684] : memref<78x2x128xi32, #tpu.memory_space<vmem>> -> memref<1x2x128xi32, #tpu.memory_space<vmem>>
        %dma_wait3A_686 = arith.constant 0 : i32
        %dma_wait3A_687 = arith.constant 0 : i32
        %dma_wait3A_688 = tpu.memref_slice %arg4[%add3A_571, %dma_wait3A_686, %dma_wait3A_687] : memref<2500x2x128xi32, #tpu.memory_space<hbm>> -> memref<1x2x128xi32, #tpu.memory_space<hbm>>
        tpu.wait_dma2 semaphore(%run_scoped3A : memref<!tpu.dma_semaphore, #tpu.memory_space<semaphore_mem>>) src(%dma_wait3A_688 : memref<1x2x128xi32, #tpu.memory_space<hbm>>) dst(%dma_wait3A_685 : memref<1x2x128xi32, #tpu.memory_space<vmem>>)
        tpu.yield
      }) : () -> ()
      %dma_start3A_572 = arith.constant 0 : i32
      %dma_start3A_573 = arith.constant 0 : i32
      %dma_start3A_574 = arith.constant 0 : i32
      %dma_start3A_575 = arith.constant 0 : i32
      %dma_start3A_576 = arith.constant 0 : i32
      %dma_start3A_577 = tpu.memref_slice %arg7[%dma_start3A_574, %dma_start3A_575, %dma_start3A_576] : memref<3x128x16xf32, #tpu.memory_space<vmem>> -> memref<1x128x16xf32, #tpu.memory_space<vmem>>
      %dma_start3A_578 = tpu.memref_squeeze %dma_start3A_577 : memref<1x128x16xf32, #tpu.memory_space<vmem>> -> memref<128x16xf32, #tpu.memory_space<vmem>>
      %dma_start3A_579 = arith.constant 0 : i32
      %dma_start3A_580 = tpu.memref_slice %arg6[%dma_start3A_572, %dma_start3A_573, %dma_start3A_579] : memref<78x2x128xi32, #tpu.memory_space<vmem>> -> memref<1x1x128xi32, #tpu.memory_space<vmem>>
      %dma_start3A_581 = tpu.memref_squeeze %dma_start3A_580 : memref<1x1x128xi32, #tpu.memory_space<vmem>> -> memref<128xi32, #tpu.memory_space<vmem>>
      %dma_start3A_582 = arith.constant 0 : i32
      %dma_start3A_583 = arith.constant 0 : i32
      %dma_start3A_584 = tpu.memref_slice %arg2[%dma_start3A_582, %dma_start3A_583] : memref<10000x16xf32, #tpu.memory_space<hbm>> -> memref<10000x16xf32, #tpu.memory_space<hbm>>
      tpu.enqueue_indirect_dma source(%dma_start3A_584 : memref<10000x16xf32, #tpu.memory_space<hbm>>) target(%dma_start3A_578 : memref<128x16xf32, #tpu.memory_space<vmem>>) offsets(%dma_start3A_581 : memref<128xi32, #tpu.memory_space<vmem>>) semaphore(%arg13 : memref<!tpu.dma_semaphore, #tpu.memory_space<semaphore_mem>>)
      %dma_start3A_585 = arith.constant 0 : i32
      %dma_start3A_586 = arith.constant 1 : i32
      %dma_start3A_587 = arith.constant 0 : i32
      %dma_start3A_588 = arith.constant 0 : i32
      %dma_start3A_589 = arith.constant 0 : i32
      %dma_start3A_590 = tpu.memref_slice %arg8[%dma_start3A_587, %dma_start3A_588, %dma_start3A_589] : memref<3x128x16xf32, #tpu.memory_space<vmem>> -> memref<1x128x16xf32, #tpu.memory_space<vmem>>
      %dma_start3A_591 = tpu.memref_squeeze %dma_start3A_590 : memref<1x128x16xf32, #tpu.memory_space<vmem>> -> memref<128x16xf32, #tpu.memory_space<vmem>>
      %dma_start3A_592 = arith.constant 0 : i32
      %dma_start3A_593 = tpu.memref_slice %arg6[%dma_start3A_585, %dma_start3A_586, %dma_start3A_592] : memref<78x2x128xi32, #tpu.memory_space<vmem>> -> memref<1x1x128xi32, #tpu.memory_space<vmem>>
      %dma_start3A_594 = tpu.memref_squeeze %dma_start3A_593 : memref<1x1x128xi32, #tpu.memory_space<vmem>> -> memref<128xi32, #tpu.memory_space<vmem>>
      %dma_start3A_595 = arith.constant 0 : i32
      %dma_start3A_596 = arith.constant 0 : i32
      %dma_start3A_597 = tpu.memref_slice %arg3[%dma_start3A_595, %dma_start3A_596] : memref<10000x16xf32, #tpu.memory_space<hbm>> -> memref<10000x16xf32, #tpu.memory_space<hbm>>
      tpu.enqueue_indirect_dma source(%dma_start3A_597 : memref<10000x16xf32, #tpu.memory_space<hbm>>) target(%dma_start3A_591 : memref<128x16xf32, #tpu.memory_space<vmem>>) offsets(%dma_start3A_594 : memref<128xi32, #tpu.memory_space<vmem>>) semaphore(%arg13 : memref<!tpu.dma_semaphore, #tpu.memory_space<semaphore_mem>>)
      %dma_wait3A_598 = arith.constant 0 : i32
      %dma_wait3A_599 = arith.constant 0 : i32
      %dma_wait3A_600 = arith.constant 0 : i32
      %dma_wait3A_601 = arith.constant 0 : i32
      %dma_wait3A_602 = arith.constant 0 : i32
      %dma_wait3A_603 = tpu.memref_slice %arg7[%dma_wait3A_600, %dma_wait3A_601, %dma_wait3A_602] : memref<3x128x16xf32, #tpu.memory_space<vmem>> -> memref<1x128x16xf32, #tpu.memory_space<vmem>>
      %dma_wait3A_604 = tpu.memref_squeeze %dma_wait3A_603 : memref<1x128x16xf32, #tpu.memory_space<vmem>> -> memref<128x16xf32, #tpu.memory_space<vmem>>
      %dma_wait3A_605 = arith.constant 0 : i32
      %dma_wait3A_606 = tpu.memref_slice %arg6[%dma_wait3A_598, %dma_wait3A_599, %dma_wait3A_605] : memref<78x2x128xi32, #tpu.memory_space<vmem>> -> memref<1x1x128xi32, #tpu.memory_space<vmem>>
      %dma_wait3A_607 = tpu.memref_squeeze %dma_wait3A_606 : memref<1x1x128xi32, #tpu.memory_space<vmem>> -> memref<128xi32, #tpu.memory_space<vmem>>
      %dma_wait3A_608 = arith.constant 0 : i32
      %dma_wait3A_609 = arith.constant 0 : i32
      %dma_wait3A_610 = tpu.memref_slice %arg2[%dma_wait3A_608, %dma_wait3A_609] : memref<10000x16xf32, #tpu.memory_space<hbm>> -> memref<10000x16xf32, #tpu.memory_space<hbm>>
      tpu.wait_indirect_dma semaphore(%arg13 : memref<!tpu.dma_semaphore, #tpu.memory_space<semaphore_mem>>) src(%dma_wait3A_610 : memref<10000x16xf32, #tpu.memory_space<hbm>>) dst(%dma_wait3A_604 : memref<128x16xf32, #tpu.memory_space<vmem>>)
      %dma_wait3A_611 = arith.constant 0 : i32
      %dma_wait3A_612 = arith.constant 1 : i32
      %dma_wait3A_613 = arith.constant 0 : i32
      %dma_wait3A_614 = arith.constant 0 : i32
      %dma_wait3A_615 = arith.constant 0 : i32
      %dma_wait3A_616 = tpu.memref_slice %arg8[%dma_wait3A_613, %dma_wait3A_614, %dma_wait3A_615] : memref<3x128x16xf32, #tpu.memory_space<vmem>> -> memref<1x128x16xf32, #tpu.memory_space<vmem>>
      %dma_wait3A_617 = tpu.memref_squeeze %dma_wait3A_616 : memref<1x128x16xf32, #tpu.memory_space<vmem>> -> memref<128x16xf32, #tpu.memory_space<vmem>>
      %dma_wait3A_618 = arith.constant 0 : i32
      %dma_wait3A_619 = tpu.memref_slice %arg6[%dma_wait3A_611, %dma_wait3A_612, %dma_wait3A_618] : memref<78x2x128xi32, #tpu.memory_space<vmem>> -> memref<1x1x128xi32, #tpu.memory_space<vmem>>
      %dma_wait3A_620 = tpu.memref_squeeze %dma_wait3A_619 : memref<1x1x128xi32, #tpu.memory_space<vmem>> -> memref<128xi32, #tpu.memory_space<vmem>>
      %dma_wait3A_621 = arith.constant 0 : i32
      %dma_wait3A_622 = arith.constant 0 : i32
      %dma_wait3A_623 = tpu.memref_slice %arg3[%dma_wait3A_621, %dma_wait3A_622] : memref<10000x16xf32, #tpu.memory_space<hbm>> -> memref<10000x16xf32, #tpu.memory_space<hbm>>
      tpu.wait_indirect_dma semaphore(%arg13 : memref<!tpu.dma_semaphore, #tpu.memory_space<semaphore_mem>>) src(%dma_wait3A_623 : memref<10000x16xf32, #tpu.memory_space<hbm>>) dst(%dma_wait3A_617 : memref<128x16xf32, #tpu.memory_space<vmem>>)
      %parallel_loop3A_624 = arith.constant 0 : i32
      %parallel_loop3A_625 = arith.constant 128 : i32
      %parallel_loop3A_626 = arith.constant 1 : i32
      scf.for %parallel_loop3A_661 = %parallel_loop3A_624 to %parallel_loop3A_625 step %parallel_loop3A_626  : i32 {
        %parallel_loop3A_662 = arith.constant 0 : i32
        %parallel_loop3A_663 = arith.index_cast %parallel_loop3A_662 : i32 to index
        %parallel_loop3A_664 = arith.index_cast %parallel_loop3A_661 : i32 to index
        %parallel_loop3A_665 = arith.constant 0 : index
        %parallel_loop3A_666 = tpu.vector_load %arg7[%parallel_loop3A_663, %parallel_loop3A_664, %parallel_loop3A_665] {strides = array<i32>} : memref<3x128x16xf32, #tpu.memory_space<vmem>>, vector<16xf32>,
        %parallel_loop3A_667 = arith.constant 0 : i32
        %parallel_loop3A_668 = arith.index_cast %parallel_loop3A_667 : i32 to index
        %parallel_loop3A_669 = arith.index_cast %parallel_loop3A_661 : i32 to index
        %parallel_loop3A_670 = arith.constant 0 : index
        %parallel_loop3A_671 = tpu.vector_load %arg8[%parallel_loop3A_668, %parallel_loop3A_669, %parallel_loop3A_670] {strides = array<i32>} : memref<3x128x16xf32, #tpu.memory_space<vmem>>, vector<16xf32>,
        %parallel_loop3A_672 = arith.addf %parallel_loop3A_666, %parallel_loop3A_671 : vector<16xf32>
        %parallel_loop3A_673 = vector.broadcast %parallel_loop3A_661 : i32 to vector<16xi32>
        %parallel_loop3A_674 = arith.addi %mul3A_7, %parallel_loop3A_673 : vector<16xi32>
        tpu.vector_store_idx %arg9[%parallel_loop3A_674], %parallel_loop3A_672 : memref<2048xf32, #tpu.memory_space<vmem>>[vector<16xi32>], vector<16xf32>,
      } {sc.loop_unroll_factor = 8 : i64, sc.parallel_access}
      %mul3A_627 = arith.constant 1024 : i32
      %mul3A_628 = arith.muli %add3A_571, %mul3A_627 : i32
      %dma_start3A_629 = arith.constant 0 : i32
      %dma_start3A_630 = tpu.memref_slice %arg9[%dma_start3A_629] : memref<2048xf32, #tpu.memory_space<vmem>> -> memref<1024xf32, #tpu.memory_space<vmem>>
      %dma_start3A_631 = tpu.memref_slice %arg5[%mul3A_628] : memref<5120000xf32, #tpu.memory_space<hbm>> -> memref<1024xf32, #tpu.memory_space<hbm>>
      %dma_start3A_632 = tpu.memref_slice %arg5[%mul3A_628] : memref<5120000xf32, #tpu.memory_space<hbm>> -> memref<1024xf32, #tpu.memory_space<hbm>>
      %dma_start3A_633 = arith.constant 0 : i32
      %dma_start3A_634 = tpu.memref_slice %arg9[%dma_start3A_633] : memref<2048xf32, #tpu.memory_space<vmem>> -> memref<1024xf32, #tpu.memory_space<vmem>>
      tpu.enqueue_dma source(%dma_start3A_634 : memref<1024xf32, #tpu.memory_space<vmem>>) target(%dma_start3A_632 : memref<1024xf32, #tpu.memory_space<hbm>>) target_semaphore(%arg16 : memref<!tpu.dma_semaphore, #tpu.memory_space<semaphore_mem>>)
      %mul3A_635 = arith.constant 1024 : i32
      %mul3A_636 = arith.muli %add3A_571, %mul3A_635 : i32
      %add3A_637 = arith.constant 2560000 : i32
      %add3A_638 = arith.addi %add3A_637, %mul3A_636 : i32
      %dma_start3A_639 = arith.constant 1024 : i32
      %dma_start3A_640 = tpu.memref_slice %arg9[%dma_start3A_639] : memref<2048xf32, #tpu.memory_space<vmem>> -> memref<1024xf32, #tpu.memory_space<vmem>>
      %dma_start3A_641 = tpu.memref_slice %arg5[%add3A_638] : memref<5120000xf32, #tpu.memory_space<hbm>> -> memref<1024xf32, #tpu.memory_space<hbm>>
      %dma_start3A_642 = tpu.memref_slice %arg5[%add3A_638] : memref<5120000xf32, #tpu.memory_space<hbm>> -> memref<1024xf32, #tpu.memory_space<hbm>>
      %dma_start3A_643 = arith.constant 1024 : i32
      %dma_start3A_644 = tpu.memref_slice %arg9[%dma_start3A_643] : memref<2048xf32, #tpu.memory_space<vmem>> -> memref<1024xf32, #tpu.memory_space<vmem>>
      tpu.enqueue_dma source(%dma_start3A_644 : memref<1024xf32, #tpu.memory_space<vmem>>) target(%dma_start3A_642 : memref<1024xf32, #tpu.memory_space<hbm>>) target_semaphore(%arg16 : memref<!tpu.dma_semaphore, #tpu.memory_space<semaphore_mem>>)
      %dma_wait3A_645 = arith.constant 0 : i32
      %dma_wait3A_646 = tpu.memref_slice %arg9[%dma_wait3A_645] : memref<2048xf32, #tpu.memory_space<vmem>> -> memref<1024xf32, #tpu.memory_space<vmem>>
      %dma_wait3A_647 = arith.constant 0 : i32
      %dma_wait3A_648 = tpu.memref_slice %arg5[%dma_wait3A_647] : memref<5120000xf32, #tpu.memory_space<hbm>> -> memref<1024xf32, #tpu.memory_space<hbm>>
      %dma_wait3A_649 = arith.constant 0 : i32
      %dma_wait3A_650 = tpu.memref_slice %arg5[%dma_wait3A_649] : memref<5120000xf32, #tpu.memory_space<hbm>> -> memref<1024xf32, #tpu.memory_space<hbm>>
      %dma_wait3A_651 = arith.constant 0 : i32
      %dma_wait3A_652 = tpu.memref_slice %arg9[%dma_wait3A_651] : memref<2048xf32, #tpu.memory_space<vmem>> -> memref<1024xf32, #tpu.memory_space<vmem>>
      tpu.wait_dma2 semaphore(%arg16 : memref<!tpu.dma_semaphore, #tpu.memory_space<semaphore_mem>>) src(%dma_wait3A_652 : memref<1024xf32, #tpu.memory_space<vmem>>) dst(%dma_wait3A_650 : memref<1024xf32, #tpu.memory_space<hbm>>)
      %dma_wait3A_653 = arith.constant 0 : i32
      %dma_wait3A_654 = tpu.memref_slice %arg9[%dma_wait3A_653] : memref<2048xf32, #tpu.memory_space<vmem>> -> memref<1024xf32, #tpu.memory_space<vmem>>
      %dma_wait3A_655 = arith.constant 0 : i32
      %dma_wait3A_656 = tpu.memref_slice %arg5[%dma_wait3A_655] : memref<5120000xf32, #tpu.memory_space<hbm>> -> memref<1024xf32, #tpu.memory_space<hbm>>
      %dma_wait3A_657 = arith.constant 0 : i32
      %dma_wait3A_658 = tpu.memref_slice %arg5[%dma_wait3A_657] : memref<5120000xf32, #tpu.memory_space<hbm>> -> memref<1024xf32, #tpu.memory_space<hbm>>
      %dma_wait3A_659 = arith.constant 0 : i32
      %dma_wait3A_660 = tpu.memref_slice %arg9[%dma_wait3A_659] : memref<2048xf32, #tpu.memory_space<vmem>> -> memref<1024xf32, #tpu.memory_space<vmem>>
      tpu.wait_dma2 semaphore(%arg16 : memref<!tpu.dma_semaphore, #tpu.memory_space<semaphore_mem>>) src(%dma_wait3A_660 : memref<1024xf32, #tpu.memory_space<vmem>>) dst(%dma_wait3A_658 : memref<1024xf32, #tpu.memory_space<hbm>>)
    } else {
    }
    return
  }
}

module attributes {stable_mosaic.version = 14 : i64} {
  func.func @_tc_tables(%arg0: memref<10000x128xf32, #tpu.memory_space<vmem>>, %arg1: memref<128x32xf32, #tpu.memory_space<vmem>>, %arg2: memref<1x16xf32, #tpu.memory_space<vmem>>, %arg3: memref<10000x16xf32, #tpu.memory_space<vmem>>, %arg4: memref<10000x16xf32, #tpu.memory_space<vmem>>) attributes {dimension_semantics = [], scalar_prefetch = 0 : i64, scratch_operands = 0 : i64, tpu.core_type = #tpu.core_type<tc>} {
    %get3A = arith.constant 0 : index
    %get3A_0 = arith.constant 0 : index
    %get3A_1 = vector.load %arg0[%get3A, %get3A_0] : memref<10000x128xf32, #tpu.memory_space<vmem>>, vector<10000x128xf32>
    %get3A_2 = arith.constant 0 : index
    %get3A_3 = arith.constant 0 : index
    %get3A_4 = vector.load %arg1[%get3A_2, %get3A_3] : memref<128x32xf32, #tpu.memory_space<vmem>>, vector<128x32xf32>
    %dot_general3A = arith.constant dense<0.000000e+00> : vector<10000x32xf32>
    %dot_general3A_5 = tpu.matmul %get3A_1, %get3A_4, %dot_general3A {dimension_numbers = #tpu.dot_dimension_numbers<[1], [0], [0], [1], [0, 0, 1, 1], [], []>, transpose_lhs_hint = false} : vector<10000x128xf32>, vector<128x32xf32>, vector<10000x32xf32> -> vector<10000x32xf32>
    %slice3A = vector.extract_strided_slice %dot_general3A_5 {offsets = [0, 0], sizes = [10000, 16], strides = [1, 1]} : vector<10000x32xf32> to vector<10000x16xf32>
    %swap3A = arith.constant 0 : index
    %swap3A_6 = arith.constant 0 : index
    %swap3A_7 = vector.load %arg3[%swap3A, %swap3A_6] : memref<10000x16xf32, #tpu.memory_space<vmem>>, vector<10000x16xf32>
    tpu.vector_store %arg3[%swap3A, %swap3A_6], %slice3A {strides = array<i32>} : memref<10000x16xf32, #tpu.memory_space<vmem>>, vector<10000x16xf32>,
    %slice3A_8 = vector.extract_strided_slice %dot_general3A_5 {offsets = [0, 16], sizes = [10000, 16], strides = [1, 1]} : vector<10000x32xf32> to vector<10000x16xf32>
    %get3A_9 = arith.constant 0 : index
    %get3A_10 = arith.constant 0 : index
    %get3A_11 = vector.load %arg2[%get3A_9, %get3A_10] : memref<1x16xf32, #tpu.memory_space<vmem>>, vector<1x16xf32>
    %add3A = vector.broadcast %get3A_11 : vector<1x16xf32> to vector<10000x16xf32>
    %add3A_12 = arith.addf %slice3A_8, %add3A : vector<10000x16xf32>
    %swap3A_13 = arith.constant 0 : index
    %swap3A_14 = arith.constant 0 : index
    %swap3A_15 = vector.load %arg4[%swap3A_13, %swap3A_14] : memref<10000x16xf32, #tpu.memory_space<vmem>>, vector<10000x16xf32>
    tpu.vector_store %arg4[%swap3A_13, %swap3A_14], %add3A_12 {strides = array<i32>} : memref<10000x16xf32, #tpu.memory_space<vmem>>, vector<10000x16xf32>,
    return
  }
}

</mosaic_0001>

<sc_bundles>
// kernel: kernel.4.cloned.1.call-start
scs
__scs_entry_jumppad:
0x0: {  	(pc) =	sbr.rel $0x88, $3  }
0x1: {  	(tag) =	ssettag $0x0;
	lr =	simm.s32 $0x1  }
0x2: {  	[smem:$0x3F9D] =	sst lr;
	_ =	strace $0xD0000000  }
0x3: {  	_ = 	snop  }
0x4: {  	_ = 	snop  }
0x5: {  	_ = 	snop  }
0x6: {  	_ = 	snop  }
0x7: {  	_ = 	snop  }
__scs_overlays_trampoline_lowered:
0x8: {  	[smem:$0x3FAC] =	sst s0  }
0x9: {  	[smem:$0x3FAD] =	sst s1  }
0xa: {  	[smem:$0x3FAE] =	sst s2  }
0xb: {  	[smem:$0x3FAF] =	sst s3  }
0xc: {  	[smem:$0x3FB0] =	sst s4  }
0xd: {  	[smem:$0x3FB1] =	sst s5  }
0xe: {  	[smem:$0x3FB2] =	sst s6  }
0xf: {  	[smem:$0x3FB3] =	sst s7  }
0x10: {  	[smem:$0x3FB4] =	sst s8  }
0x11: {  	[smem:$0x3FB5] =	sst s9;
	s0 =	simm.s32 @!p0 $0x0  }
0x12: {  	s1 =	sld [smem:$0x3F9B];
	s0 =	simm.s32 @p0 $0x1  }
0x13: {  	[smem:$0x3FB6] =	sst s0;
	s0 =	simm.s32 @!p1 $0x0  }
0x14: {  	s2 =	sld [smem:$0x3F9A];
	s0 =	simm.s32 @p1 $0x1  }
0x15: {  	[smem:$0x3FB7] =	sst s0;
	s0 =	simm.s32 @!p2 $0x0  }
0x16: {  	s3 =	sld [smem:$0x3FDB];
	s0 =	simm.s32 @p2 $0x1  }
0x17: {  	s4 =	simm.s32 $0x1BF5;
	[smem:$0x3FB9] =	sst s0  }
0x18: {  	s0 =	sld [smem:$0x3F9C];
	_ =	swait.ge [sflag:s4], $0x0  }
0x19: {  	s7 =	sld [smem:$0x3F9D]  }
0x1a: {  	s8 =	sadd.s32 $0xFFFFE003, lr  }
0x1b: {  	s9 =	sadd.s32 $0xFFFFFEF7, lr;
	s5 =	simm.s32 $0xFFFFFFFF;
	p2 =	slt.u32 s8, $0xFFFFF086  }
0x1c: {  	p1 =	slt.u32 s9, $0xF7A;
	s5 =	simm.s32 @!p2 $0x0  }
0x1d: {  	s5 =	simm.s32 @p1 $0x1;
	p0 =	seq.s32 s7, s2  }
0x1e: {  	s7 =	smul.u32 @!p0 $0xF7A, s2;
	p2 =	seq.s32 @!p0 s5, $0x0  }
0x1f: {  	s9 =	smul.u32 $0xF7A, s1;
	s8 =	simm.s32 @!p0 $0x1BF5;
	p2 =	por !p2, p0  }
0x20: {  	[sflag:s8] =	ssyncset.s32 @!p0 $0xFFFFF086;
	s6 =	sadd.s32 @!p0 s3, s7;
	s7 =	simm.s32 @!p0 $0x108  }
0x21: {  	s3 =	sadd.s32 s3, s9;
	s6 =	sadd.s32 @!p0 $0x88, s6;
	s7 =	simm.s32 @p2 $0x1082  }
0x22: {  	[simem:s7], [sflag:s8] =	dma.local @!p0 [hbm:s6], $0xF7A  }
0x23: {  	s9 =	sor.u32 $0xD0000000, s2;
	s6 =	simm.s32 $0x108;
	_ =	swait.ge @!p0 [sflag:s8], $0x0  }
0x24: {  	s3 =	sadd.s32 $0x88, s3;
	s6 =	simm.s32 @!p1 $0x1082;
	[sflag:s4] =	ssyncset.s32 $0xFFFFF086  }
0x25: {  	[simem:s6], [sflag:s4] =	dma.local [hbm:s3], $0xF7A  }
0x26: {  	[smem:$0x3F9D] =	sst s1;
	(tag) =	ssettag s2;
	_ =	strace s9  }
0x27: {  	s1 =	sld [smem:$0x3FAD]  }
0x28: {  	s2 =	sld [smem:$0x3FAE]  }
0x29: {  	s4 =	sld [smem:$0x3FB0]  }
0x2a: {  	p0 =	seq.s32 s5, $0x0;
	s5 =	sld [smem:$0x3FB1]  }
0x2b: {  	s6 =	sld [smem:$0x3FB2]  }
0x2c: {  	s7 =	sld [smem:$0x3FB3]  }
0x2d: {  	s3 =	simm.s32 $0x108;
	s8 =	sld [smem:$0x3FB4]  }
0x2e: {  	s3 =	simm.s32 @!p0 $0x1082;
	s9 =	sld [smem:$0x3FB5]  }
0x2f: {  	lr =	sadd.s32 s0, s3;
	s0 =	sld [smem:$0x3FAC]  }
0x30: {  	s3 =	sld [smem:$0x3FAF]  }
0x31: {  	[smem:$0x3FB8] =	sst s10  }
0x32: {  	s10 =	sld [smem:$0x3FB6];
	_ =	sdelay $0x3  }
0x33: {  	p0 =	seq.s32 s10, $0x1;
	s10 =	sld [smem:$0x3FB8];
	_ =	sdelay $0x3  }
0x34: {  	[smem:$0x3FB8] =	sst s10  }
0x35: {  	s10 =	sld [smem:$0x3FB7];
	_ =	sdelay $0x3  }
0x36: {  	p1 =	seq.s32 s10, $0x1;
	s10 =	sld [smem:$0x3FB8];
	_ =	sdelay $0x3  }
0x37: {  	[smem:$0x3FB8] =	sst s10  }
0x38: {  	s10 =	sld [smem:$0x3FB9]  }
0x39: {  	_ = 	snop;
	(pc) =	sbr.ind lr, $3  }
0x3a: {  	_ = 	snop  }
0x3b: {  	_ = 	snop  }
0x3c: {  	p2 =	seq.s32 s10, $0x1;
	s10 =	sld [smem:$0x3FB8]  }
0x3d: {  	_ =	shalt  }
0x3e: {  	_ =	shalt  }
0x3f: {  	_ =	shalt  }
0x40: {  	_ =	shalt  }
0x41: {  	_ =	shalt  }
0x42: {  	_ =	shalt  }
0x43: {  	_ =	shalt  }
0x44: {  	_ =	shalt  }
0x45: {  	_ =	shalt  }
0x46: {  	_ =	shalt  }
0x47: {  	_ =	shalt  }
0x48: {  	_ =	shalt  }
0x49: {  	_ =	shalt  }
0x4a: {  	_ =	shalt  }
0x4b: {  	_ =	shalt  }
0x4c: {  	_ =	shalt  }
0x4d: {  	_ =	shalt  }
0x4e: {  	_ =	shalt  }
0x4f: {  	_ =	shalt  }
0x50: {  	_ =	shalt  }
0x51: {  	_ =	shalt  }
0x52: {  	_ =	shalt  }
0x53: {  	_ =	shalt  }
0x54: {  	_ =	shalt  }
0x55: {  	_ =	shalt  }
0x56: {  	_ =	shalt  }
0x57: {  	_ =	shalt  }
0x58: {  	_ =	shalt  }
0x59: {  	_ =	shalt  }
0x5a: {  	_ =	shalt  }
0x5b: {  	_ =	shalt  }
0x5c: {  	_ =	shalt  }
0x5d: {  	_ =	shalt  }
0x5e: {  	_ =	shalt  }
0x5f: {  	_ =	shalt  }
0x60: {  	_ =	shalt  }
0x61: {  	_ =	shalt  }
0x62: {  	_ =	shalt  }
0x63: {  	_ =	shalt  }
0x64: {  	_ =	shalt  }
0x65: {  	_ =	shalt  }
0x66: {  	_ =	shalt  }
0x67: {  	_ =	shalt  }
0x68: {  	_ =	shalt  }
0x69: {  	_ =	shalt  }
0x6a: {  	_ =	shalt  }
0x6b: {  	_ =	shalt  }
0x6c: {  	_ =	shalt  }
0x6d: {  	_ =	shalt  }
0x6e: {  	_ =	shalt  }
0x6f: {  	_ =	shalt  }
0x70: {  	_ =	shalt  }
0x71: {  	_ =	shalt  }
0x72: {  	_ =	shalt  }
0x73: {  	_ =	shalt  }
0x74: {  	_ =	shalt  }
0x75: {  	_ =	shalt  }
0x76: {  	_ =	shalt  }
0x77: {  	_ =	shalt  }
0x78: {  	_ =	shalt  }
0x79: {  	_ =	shalt  }
0x7a: {  	_ =	shalt  }
0x7b: {  	_ =	shalt  }
0x7c: {  	_ =	shalt  }
0x7d: {  	_ =	shalt  }
0x7e: {  	_ =	shalt  }
0x7f: {  	_ =	shalt  }
0x80: {  	_ =	shalt  }
0x81: {  	_ =	shalt  }
0x82: {  	_ =	shalt  }
0x83: {  	_ =	shalt  }
0x84: {  	_ =	shalt  }
0x85: {  	_ =	shalt  }
0x86: {  	_ =	shalt  }
0x87: {  	_ =	shalt  }
.Lfunc_end0:
.L_simem_size_0:
called_computation_lowered:
.L_overlay_start_0:
0x88: {  	s2 =	sld [smem:$0x3FD9]  }
0x89: {  	s3 =	sld [smem:$0x3FFE];
	_ =	sdelay $0x1  }
0x8a: {  	s1 =	srdreg.scid  }
0x8b: {  	s0 =	sand.u32 $0x1, s1  }
0x8c: {  	s17 =	sshll.u32 s0, $0xA;
	s2 =	sadd.s32 s3, s2  }
0x8d: {  	s2 =	sadd.s32 s2, s17  }
0x8e: {  	[smem:$0x3FC4] =	sst s2  }
0x8f: {  	_ = 	snop  }
0x90: {  	s2 =	sld [smem:$0x3FC8]  }
0x91: {  	s18 =	sld [smem:$0x3FD0];
	(tm) =	ssettm $0x1  }
0x92: {  	s4 =	sld [smem:$0x3FFB];
	_ =	sdelay $0x3  }
0x93: {  	_ =	strace s4  }
0x94: {  	s4 =	sld [smem:$0x3FFC];
	_ =	sdelay $0x3  }
0x95: {  	_ =	strace s4  }
0x96: {  	s4 =	sld [smem:$0x3FFD];
	_ =	sdelay $0x3  }
0x97: {  	_ =	strace s4  }
0x98: {  	_ =	strace $0x8FFFFFFF  }
0x99: {  	s19 =	sld [smem:$0x3FDB];
	_ =	sdelay $0x1  }
0x9a: {  	s5 =	simm.s32 $_scs_section_size  }
0x9b: {  	s6 =	simm.s32 $_size__tile_overlayer_lowered;
	s7 =	simm.s32 $_tile_overlayer_lowered  }
0x9c: {  	s22 =	simm.s32 $0x1BFF;
	s21 =	sshll.u32 s7, $0x1;
	s4 =	sadd.s32 s5, s19  }
0x9d: {  	s8 =	simm.s32 $0x0;
	s20 =	sshll.u32 s6, $0x1;
	s6 =	sadd.s32 s21, s4  }
0x9e: {  	[timem:s8], [sflag:s22] =	dma.local [hbm:s6], s20  }
0x9f: {  	_ =	swait.ge [sflag:s22], s20  }
0xa0: {  	s5 =	ssub.s32 $0x0, s20;
	[sflag:s22] =	ssyncset.done $0x0  }
0xa1: {  	[sflag:s22] =	ssyncadd.s32 s5;
	_ =	sdelay $0x1  }
0xa2: {  	s23 =	simm.s32 $0x1B8B  }
0xa3: {  	_ =	swait.ge [sflag:s23], $0x1  }
0xa4: {  	[sflag:s23] =	ssyncset.done $0x0  }
0xa5: {  	s25 =	simm.s32 $0x1B8E;
	s24 =	sld [smem:$0x3FFE];
	[sflag:s23] =	ssyncadd.s32 $0xFFFFFFFF  }
0xa6: {  	s26 =	simm.s32 $execute0_lowered;
	[smem:$0x3FD2] =	sst s25  }
0xa7: {  	s6 =	sshll.u32 s26, $0x1;
	_ =	strace $0x80000046;
	[dreg:$0x1] =	wrdreg $0xFFFFFFFF  }
0xa8: {  	s28 =	simm.s32 $_size_execute0_lowered;
	s4 =	sadd.s32 s4, s6;
	[dreg:$0x0] =	wrdreg $0x0  }
0xa9: {  	s6 =	sshll.u32 s28, $0x1;
	[dreg:$0x2] =	wrdreg s4  }
0xaa: {  	[dreg:$0x3] =	wrdreg s6  }
0xab: {  	[dreg:$0x4] =	wrdreg $0xC0  }
0xac: {  	_ =	task [dreg:s8], $0x5FFFF  }
0xad: {  	[dreg:$0x1] =	wrdreg $0xFFFFFFFF  }
0xae: {  	[dreg:$0x0] =	wrdreg $0x60  }
0xaf: {  	[dreg:$0x2] =	wrdreg s24  }
0xb0: {  	[dreg:$0x3] =	wrdreg s2  }
0xb1: {  	[dreg:$0x4] =	wrdreg s18  }
0xb2: {  	[dreg:$0x5] =	wrdreg $0x9  }
0xb3: {  	_ =	task.clear_ibuf [dreg:s8], $0x6FFFF;
	_ =	strace $0x90000046  }
0xb4: {  	s29 =	simm.s32 $0x9;
	_ =	strace $0x80000048  }
0xb5: {  	_ =	swait.ge [sflag:s29], $0x1  }
0xb6: {  	[sflag:s29] =	ssyncadd.s32 $0xFFFFFFFF  }
0xb7: {  	_ =	strace $0x90000048  }
0xb8: {  	_ =	sfence  }
0xb9: {  	s30 =	sld [smem:$0x0];
	_ =	sdelay $0x2  }
0xba: {  	s31 =	sshll.u32 s1, $0xD;
	s1 =	sshrl.u32 s1, $0x2  }
0xbb: {  	s3 =	sand.u32 $0x4000, s31;
	s1 =	sadd.s32 s1, s30  }
0xbc: {  	s0 =	sor.u32 s3, s0;
	s1 =	sshll.u32 s1, $0x11  }
0xbd: {  	s0 =	sor.u32 s1, s0  }
0xbe: {  	s0 =	sadd.s32 $0x8F2B, s0  }
0xbf: {  	[sflag:s0] =	ssyncadd.remote.s32 $0x1  }
0xc0: {  	_ =	sfence.sel $0xFFFF  }
0xc1: {  	[dreg:$0x0] =	wrdreg $0xFFFFFFFF;
	(pc) =	sbr.abs _section_cstart, $3  }
0xc2: {  	[dreg:$0x1] =	wrdreg $0xFFFFFFFF  }
0xc3: {  	_ =	task.clear_ibuf [dreg:s8], $0x2FFFF;
	_ =	strace $0x9FFFFFFF  }
0xc4: {  	(tm) =	ssettm $0x7FFFFFFF  }
0xc5: {  	_ =	shalt  }
tec
execute0_lowered:
.L_overlay_start_1:
0x0: {  	(tag) =	ssettag $0x1  }
0x1: {  	s0 =	rddreg [dreg:$0x0]  }
0x2: {  	s1 =	srdreg.scid;
	s7 =	rddreg [dreg:$0x1]  }
0x3: {  	s10 =	stileid.u32;
	s2 =	rddreg [dreg:$0x2]  }
0x4: {  	s29 =	simm.s32 $0x80;
	s30 =	simm.s32 $0x4E00;
	s31 =	simm.s32 $0x6600  }
0x5: {  	s1 =	sand.u32 $0x1, s1;
	s3 =	sshll.u32 s10, $0x1;
	p0 =	sgt.u32 s10, $0x1  }
0x6: {  	s10 =	simm.s32 $0x3;
	s4 =	sor.u32 s1, s3;
	s3 =	simm.s32 $0x0  }
0x7: {  	s28 =	ssub.s32 $0x2, s1;
	s5 =	smul.u32 $0x4E, s4;
	[smem:$0x7FF] =	sst s3  }
0x8: {  	s6 =	smin.u32 s4, $0x4;
	s4 =	sadd.s32 $0xC00, s0;
	s8 =	sshrl.u32 s28, $0x1  }
0x9: {  	s5 =	sadd.s32 s6, s5;
	s6 =	sadd.s32 $0x5C00, s0;
	s0 =	ssub.s32 s28, s8  }
0xa: {  	_ =	strace $0x80000047;
	s9 =	sshll.u32 s5, $0x5;
	s0 =	smax.u32 s0, $0x1  }
0xb: {  	s12 =	sshll.u32 s5, $0x7;
	s13 =	sadd.s32 s7, s9;
	[dreg:$0x13] =	wrdreg s0  }
0xc: {  	s20 =	sadd.s32 $0x4E, s5;
	s11 =	sadd.s32 s2, s12;
	[dreg:$0x5] =	wrdreg s13  }
0xd: {  	s23 =	sshll.u32 s20, $0x5;
	s14 =	sadd.s32 $0x4E200, s11;
	[dreg:$0x4] =	wrdreg s11  }
0xe: {  	s1 =	sshll.u32 s20, $0x7;
	s15 =	sadd.s32 $0x80, s11;
	[dreg:$0x6] =	wrdreg s14  }
0xf: {  	s9 =	simm.s32 $0x8200;
	s16 =	sadd.s32 $0x4E280, s11;
	[dreg:$0x7] =	wrdreg s15  }
0x10: {  	s12 =	simm.s32 $0x8A00;
	s17 =	sadd.s32 $0x100, s11;
	[dreg:$0x8] =	wrdreg s16  }
0x11: {  	s20 =	simm.s32 $0x6;
	s18 =	sadd.s32 $0x4E300, s11;
	[dreg:$0x9] =	wrdreg s17  }
0x12: {  	s19 =	sadd.s32 $0x2580, s11;
	s21 =	sadd.s32 $0x50780, s11;
	[dreg:$0xa] =	wrdreg s18  }
0x13: {  	s22 =	sadd.s32 $0x2600, s11;
	s24 =	sadd.s32 $0x50800, s11;
	[dreg:$0xb] =	wrdreg s19  }
0x14: {  	s8 =	sand.u32 $0x1FFFFFE0, s23;
	s25 =	sadd.s32 $0x2680, s11;
	[dreg:$0xc] =	wrdreg s21  }
0x15: {  	s26 =	sadd.s32 s2, s1;
	s28 =	sadd.s32 $0x50880, s11;
	[dreg:$0xd] =	wrdreg s22  }
0x16: {  	s11 =	simm.s32 $0x8600;
	s13 =	simm.s32 $0x4;
	[dreg:$0xe] =	wrdreg s24  }
0x17: {  	s14 =	sadd.s32 $0x4E200, s2;
	s15 =	sadd.s32 $0x1, s5;
	[dreg:$0xf] =	wrdreg s25  }
.Ltmp0:
0x18: {  	s16 =	sadd.s32 $0x2, s5;
	[dreg:$0x11] =	wrdreg s26;
	(pc) =	sbr.rel .LBB2_1-.Ltmp0, $4  }
0x19: {  	s7 =	sadd.s32 s7, s8;
	[dreg:$0x14] =	wrdreg s28;
	s24 =	simm.s32 $0x2  }
0x1a: {  	s8 =	simm.s32 $0x7E00;
	s17 =	simm.s32 $0x8E00;
	s18 =	simm.s32 $0x9200  }
0x1b: {  	v0 =	vlaneseq.u32;
	s19 =	simm.s32 $0x5;
	[dreg:$0x10] =	wrdreg s7;
	s1 =	sadd.s32 s1, s14  }
0x1c: {  	v0 =	vmul.u32 $0x80, v0;
	s21 =	simm.s32 $0x7;
	[dreg:$0x12] =	wrdreg s1;
	s1 =	simm.s32 $0x0  }
.LBB2_25:
0x1d: {  	s1 =	sadd.s32 $0x1, s1;
	s0 =	rddreg [dreg:$0x13]  }
0x1e: {  	p1 =	sne.s32 s1, s0  }
.Ltmp1:
0x1f: {  	_ = 	snop;
	(pc) =	sbr.rel @!p1 .LBB2_26-.Ltmp1, $1  }
0x20: {  	_ =	sdelay $0x3  }
.LBB2_1:
0x21: {  	[dreg:$0x15] =	wrdreg s1  }
0x22: {  	s0 =	rddreg [dreg:$0x5];
	s22 =	simm.s32 $0x1  }
0x23: {  	[tilespmem:s3], [sflag:$0x1] =	stream.linear.gather [hbm4b:s0+s3], $0x4E00, $0x38;
	[tilespmem:$0x9600] =	vst v63  }
0x24: {  	_ =	swait.ge [sflag:s22], $0x4E00  }
0x25: {  	[sflag:s22] =	ssyncset.done $0x0  }
0x26: {  	[sflag:s22] =	ssyncadd.s32 $0xFFFFB200  }
0x27: {  	[tilespmem:s30], [sflag:$0x2] =	stream.indirect.gather [hbm4b:s4+s29], $0x10, s3, s29, $0xb8;
	[tilespmem:$0x9600] =	vst v63  }
0x28: {  	_ = 	snop  }
0x29: {  	[tilespmem:s31], [sflag:$0x2] =	stream.indirect.gather [hbm4b:s6+s29], $0x10, s29, s29, $0xb8;
	[tilespmem:$0x9600] =	vst v63  }
0x2a: {  	s23 =	simm.s32 $0x100;
	s25 =	simm.s32 $0x5600  }
0x2b: {  	[tilespmem:s25], [sflag:$0x3] =	stream.indirect.gather [hbm4b:s4+s29], $0x10, s23, s29, $0xb8;
	[tilespmem:$0x9600] =	vst v63  }
0x2c: {  	s26 =	simm.s32 $0x180;
	s28 =	simm.s32 $0x6E00  }
0x2d: {  	[tilespmem:s28], [sflag:$0x3] =	stream.indirect.gather [hbm4b:s6+s29], $0x10, s26, s29, $0xb8;
	[tilespmem:$0x9600] =	vst v63  }
0x2e: {  	s7 =	simm.s32 $0x200;
	s22 =	simm.s32 $0x5E00  }
0x2f: {  	[tilespmem:s22], [sflag:$0x4] =	stream.indirect.gather [hbm4b:s4+s29], $0x10, s7, s29, $0xb8;
	[tilespmem:$0x9600] =	vst v63  }
0x30: {  	s23 =	simm.s32 $0x280;
	s25 =	simm.s32 $0x7600  }
0x31: {  	[tilespmem:s25], [sflag:$0x4] =	stream.indirect.gather [hbm4b:s6+s29], $0x10, s23, s29, $0xb8;
	[tilespmem:$0x9600] =	vst v63  }
0x32: {  	_ =	swait.ge [sflag:s24], $0x800  }
0x33: {  	[sflag:s24] =	ssyncset.done $0x0  }
0x34: {  	[sflag:s24] =	ssyncadd.s32 $0xFFFFF800  }
0x35: {  	_ =	swait.ge [sflag:s24], $0x800  }
0x36: {  	[sflag:s24] =	ssyncset.done $0x0  }
0x37: {  	s0 =	simm.s32 $0x4E40;
	[sflag:s24] =	ssyncadd.s32 $0xFFFFF800  }
0x38: {  	s26 =	simm.s32 $0x6640;
	v2 =	vld [tilespmem:s0+$0x30]  }
0x39: {  	v3 =	vld [tilespmem:s26+$0x30]  }
0x3a: {  	v4 =	vld [tilespmem:s0+$0xFFFFFFD0]  }
0x3b: {  	v5 =	vld [tilespmem:s26+$0xFFFFFFD0]  }
0x3c: {  	v6 =	vld [tilespmem:s0+$0xFFFFFFE0]  }
0x3d: {  	v7 =	vld [tilespmem:s26+$0xFFFFFFE0]  }
0x3e: {  	v8 =	vld [tilespmem:s0+$0xFFFFFFF0]  }
0x3f: {  	s7 =	simm.s32 $0x7;
	v10 =	vld [tilespmem:s26+$0xFFFFFFF0]  }
0x40: {  	s22 =	simm.s32 $0x2;
	v9 =	vor.u32 s7, v0;
	v12 =	vld [tilespmem:s0+$0x0]  }
0x41: {  	s28 =	simm.s32 $0x1;
	v13 =	vor.u32 s22, v0;
	v14 =	vld [tilespmem:s26+$0x0]  }
0x42: {  	v11 =	vor.u32 s28, v0;
	s25 =	simm.s32 $0x4;
	v1 =	vld [tilespmem:s26+$0xFFFFFFC0]  }
0x43: {  	s23 =	simm.s32 $0x3;
	v16 =	vor.u32 s25, v0;
	v15 =	vld [tilespmem:s0+$0x10];
	v2 =	vadd.f32 v3, v2  }
0x44: {  	v17 =	vld [tilespmem:s26+$0x10];
	v3 =	vor.u32 s23, v0;
	v6 =	vadd.f32 v7, v6  }
0x45: {  	v4 =	vadd.f32 v5, v4;
	v5 =	vld [tilespmem:s26+$0x20];
	s26 =	simm.s32 $0x5;
	[tilespmem:v9+s8+$0x0] =	vst.idx.msk $0xffff, v2  }
0x46: {  	v7 =	vadd.f32 v10, v8;
	v10 =	vadd.f32 v14, v12;
	v2 =	vld [tilespmem:s0+$0x20];
	[tilespmem:v13+s8+$0x0] =	vst.idx.msk $0xffff, v6;
	v6 =	vor.u32 s26, v0  }
0x47: {  	s28 =	simm.s32 $0x6;
	[tilespmem:v11+s8+$0x0] =	vst.idx.msk $0xffff, v4;
	v4 =	vld [tilespmem:s0+$0xFFFFFFC0];
	s0 =	simm.s32 $0x66C0  }
0x48: {  	s7 =	simm.s32 $0x4EC0;
	v9 =	vor.u32 s28, v0;
	[tilespmem:v16+s8+$0x0] =	vst.idx.msk $0xffff, v10;
	v8 =	vld [tilespmem:s0+$0x30]  }
0x49: {  	s1 =	simm.s32 $0x10;
	s25 =	simm.s32 $0x8;
	v10 =	vadd.f32 v17, v15;
	[tilespmem:v3+s8+$0x0] =	vst.idx.msk $0xffff, v7;
	v3 =	vld [tilespmem:s7+$0x30];
	v7 =	vor.u32 s3, v0  }
.LBB2_2:
0x4a: {  	p1 =	slt.u32 s1, $0x78;
	v11 =	vld [tilespmem:s0+$0xFFFFFFC0];
	s22 =	sadd.s32 $0x7, s25  }
0x4b: {  	v12 =	vld [tilespmem:s7+$0xFFFFFFD0];
	v13 =	vor.u32 s22, v0;
	[tilespmem:v6+s8+$0x0] =	vst.idx.msk $0xffff, v10;
	v2 =	vadd.f32 v5, v2  }
0x4c: {  	v5 =	vld [tilespmem:s0+$0xFFFFFFD0];
	v10 =	vadd.f32 v1, v4  }
0x4d: {  	s22 =	sadd.s32 $0x1, s25;
	v4 =	vld [tilespmem:s7+$0xFFFFFFE0];
	[tilespmem:v9+s8+$0x0] =	vst.idx.msk $0xffff, v2  }
0x4e: {  	v2 =	vor.u32 s22, v0;
	v6 =	vld [tilespmem:s0+$0xFFFFFFE0];
	v3 =	vadd.f32 v8, v3;
	[tilespmem:v7+s8+$0x0] =	vst.idx.msk $0xffff, v10  }
0x4f: {  	s22 =	sadd.s32 $0x2, s25;
	v7 =	vld [tilespmem:s7+$0xFFFFFFF0];
	v1 =	vmov v11  }
0x50: {  	v8 =	vor.u32 s22, v0;
	v9 =	vld [tilespmem:s0+$0xFFFFFFF0];
	[tilespmem:v13+s8+$0x0] =	vst.idx.msk $0xffff, v3  }
0x51: {  	s22 =	sadd.s32 $0x3, s25;
	v3 =	vadd.f32 v5, v12;
	v10 =	vld [tilespmem:s7+$0x0]  }
0x52: {  	v11 =	vor.u32 s22, v0;
	v12 =	vld [tilespmem:s0+$0x0]  }
0x53: {  	s22 =	sadd.s32 $0x4, s25;
	[tilespmem:v2+s8+$0x0] =	vst.idx.msk $0xffff, v3;
	v2 =	vadd.f32 v6, v4;
	v13 =	vld [tilespmem:s7+$0x10]  }
0x54: {  	v14 =	vor.u32 s22, v0;
	v15 =	vld [tilespmem:s0+$0x10]  }
.Ltmp2:
0x55: {  	s22 =	sadd.s32 $0x5, s25;
	[tilespmem:v8+s8+$0x0] =	vst.idx.msk $0xffff, v2;
	v3 =	vadd.f32 v9, v7;
	v2 =	vld [tilespmem:s7+$0x20];
	(pc) =	sbr.rel @p1 .LBB2_2-.Ltmp2, $4  }
0x56: {  	v6 =	vor.u32 s22, v0;
	v5 =	vld [tilespmem:s0+$0x20]  }
0x57: {  	s22 =	sadd.s32 $0x6, s25;
	v4 =	vld [tilespmem:s7+$0xFFFFFFC0];
	[tilespmem:v11+s8+$0x0] =	vst.idx.msk $0xffff, v3;
	v10 =	vadd.f32 v12, v10;
	s7 =	sadd.s32 $0x80, s7  }
0x58: {  	v9 =	vor.u32 s22, v0;
	s0 =	sadd.s32 $0x80, s0;
	v3 =	vld [tilespmem:s7+$0x30]  }
0x59: {  	v7 =	vor.u32 s25, v0;
	s25 =	smov.u32 s1;
	s1 =	sadd.s32 $0x8, s1;
	v8 =	vld [tilespmem:s0+$0x30];
	[tilespmem:v14+s8+$0x0] =	vst.idx.msk $0xffff, v10;
	v10 =	vadd.f32 v15, v13  }
0x5a: {  	v11 =	vld [tilespmem:s0+$0xFFFFFFC0]  }
0x5b: {  	v12 =	vld [tilespmem:s7+$0xFFFFFFD0]  }
0x5c: {  	v13 =	vld [tilespmem:s0+$0xFFFFFFD0]  }
0x5d: {  	v14 =	vld [tilespmem:s7+$0xFFFFFFE0]  }
0x5e: {  	v15 =	vld [tilespmem:s0+$0xFFFFFFE0]  }
0x5f: {  	v16 =	vld [tilespmem:s7+$0xFFFFFFF0]  }
0x60: {  	v17 =	vld [tilespmem:s0+$0xFFFFFFF0]  }
0x61: {  	s1 =	sadd.s32 $0x7, s25;
	v18 =	vld [tilespmem:s7+$0x0]  }
0x62: {  	s23 =	sadd.s32 $0x1, s25;
	v20 =	vld [tilespmem:s0+$0x0];
	v19 =	vor.u32 s1, v0  }
0x63: {  	s26 =	sadd.s32 $0x2, s25;
	v21 =	vld [tilespmem:s7+$0x10];
	v2 =	vadd.f32 v5, v2;
	v5 =	vor.u32 s23, v0  }
0x64: {  	s28 =	sadd.s32 $0x3, s25;
	[tilespmem:v6+s8+$0x0] =	vst.idx.msk $0xffff, v10;
	v6 =	vld [tilespmem:s0+$0x10];
	v1 =	vadd.f32 v1, v4;
	v4 =	vor.u32 s26, v0  }
0x65: {  	s22 =	sadd.s32 $0x4, s25;
	[tilespmem:v9+s8+$0x0] =	vst.idx.msk $0xffff, v2;
	v9 =	vld [tilespmem:s0+$0x20];
	v2 =	vadd.f32 v8, v3;
	v3 =	vor.u32 s28, v0  }
0x66: {  	s23 =	sadd.s32 $0x5, s25;
	v8 =	vld [tilespmem:s7+$0x20];
	[tilespmem:v7+s8+$0x0] =	vst.idx.msk $0xffff, v1;
	v7 =	vor.u32 s22, v0;
	v1 =	vadd.f32 v13, v12  }
0x67: {  	v57 =	vld [tilespmem:s7+$0xFFFFFFC0];
	v10 =	vor.u32 s23, v0;
	s26 =	sadd.s32 $0x6, s25;
	[tilespmem:v19+s8+$0x0] =	vst.idx.msk $0xffff, v2;
	v2 =	vadd.f32 v15, v14  }
0x68: {  	[tilespmem:v5+s8+$0x0] =	vst.idx.msk $0xffff, v1;
	v1 =	vadd.f32 v17, v16;
	v5 =	vor.u32 s26, v0  }
0x69: {  	[tilespmem:v4+s8+$0x0] =	vst.idx.msk $0xffff, v2;
	v2 =	vadd.f32 v20, v18;
	v4 =	vor.u32 s25, v0  }
0x6a: {  	[tilespmem:v3+s8+$0x0] =	vst.idx.msk $0xffff, v1;
	v1 =	vadd.f32 v6, v21  }
0x6b: {  	[tilespmem:v7+s8+$0x0] =	vst.idx.msk $0xffff, v2;
	v2 =	vadd.f32 v9, v8  }
0x6c: {  	[tilespmem:v10+s8+$0x0] =	vst.idx.msk $0xffff, v1;
	v1 =	vadd.f32 v11, v57  }
0x6d: {  	[tilespmem:v5+s8+$0x0] =	vst.idx.msk $0xffff, v2  }
0x6e: {  	[tilespmem:v4+s8+$0x0] =	vst.idx.msk $0xffff, v1  }
0x6f: {  	s22 =	simm.s32 $0x0;
	s28 =	rddreg [dreg:$0x4]  }
0x70: {  	[hbm4b:s28+s22] =	stream.linear.scatter [tilespmem:s8], [sflag:$0x5], $0x400, $0x38;
	[tilespmem:$0x9600] =	vst v63  }
0x71: {  	s1 =	rddreg [dreg:$0x6]  }
0x72: {  	[hbm4b:s1+s22] =	stream.linear.scatter [tilespmem:s9], [sflag:$0x5], $0x400, $0x38;
	[tilespmem:$0x9600] =	vst v63  }
0x73: {  	s7 =	simm.s32 $0x300  }
0x74: {  	[tilespmem:s30], [sflag:$0x2] =	stream.indirect.gather [hbm4b:s4+s29], $0x10, s7, s29, $0xb8;
	[tilespmem:$0x9600] =	vst v63  }
0x75: {  	s23 =	simm.s32 $0x380  }
0x76: {  	[tilespmem:s31], [sflag:$0x2] =	stream.indirect.gather [hbm4b:s6+s29], $0x10, s23, s29, $0xb8;
	[tilespmem:$0x9600] =	vst v63  }
0x77: {  	_ =	swait.ge [sflag:s10], $0x800  }
0x78: {  	[sflag:s10] =	ssyncset.done $0x0  }
0x79: {  	[sflag:s10] =	ssyncadd.s32 $0xFFFFF800  }
0x7a: {  	_ =	swait.ge [sflag:s10], $0x800  }
0x7b: {  	[sflag:s10] =	ssyncset.done $0x0  }
0x7c: {  	s0 =	simm.s32 $0x5670;
	[sflag:s10] =	ssyncadd.s32 $0xFFFFF800  }
0x7d: {  	s1 =	simm.s32 $0x6E70;
	v2 =	vld [tilespmem:s0+$0x0]  }
0x7e: {  	v3 =	vld [tilespmem:s1+$0x0]  }
0x7f: {  	v4 =	vld [tilespmem:s0+$0xFFFFFFA0]  }
0x80: {  	v5 =	vld [tilespmem:s1+$0xFFFFFFA0]  }
0x81: {  	v6 =	vld [tilespmem:s0+$0xFFFFFFB0]  }
0x82: {  	v7 =	vld [tilespmem:s1+$0xFFFFFFB0]  }
0x83: {  	v8 =	vld [tilespmem:s0+$0xFFFFFFC0]  }
0x84: {  	s25 =	simm.s32 $0x7;
	v10 =	vld [tilespmem:s1+$0xFFFFFFC0]  }
0x85: {  	v9 =	vor.u32 s25, v0;
	s28 =	simm.s32 $0x2;
	v58 =	vld [tilespmem:s0+$0xFFFFFFD0]  }
0x86: {  	s26 =	simm.s32 $0x1;
	v59 =	vor.u32 s28, v0;
	v60 =	vld [tilespmem:s1+$0xFFFFFFD0]  }
0x87: {  	s25 =	simm.s32 $0x4;
	v11 =	vor.u32 s26, v0;
	v1 =	vld [tilespmem:s1+$0xFFFFFF90]  }
0x88: {  	v62 =	vor.u32 s25, v0;
	s23 =	simm.s32 $0x3;
	v61 =	vld [tilespmem:s0+$0xFFFFFFE0];
	v2 =	vadd.f32 v3, v2  }
0x89: {  	v63 =	vld [tilespmem:s1+$0xFFFFFFE0];
	v3 =	vor.u32 s23, v0;
	v6 =	vadd.f32 v7, v6  }
0x8a: {  	s26 =	simm.s32 $0x5;
	v4 =	vadd.f32 v5, v4;
	v5 =	vld [tilespmem:s1+$0xFFFFFFF0];
	[tilespmem:v9+s11+$0x0] =	vst.idx.msk $0xffff, v2  }
0x8b: {  	v7 =	vadd.f32 v10, v8;
	v10 =	vadd.f32 v60, v58;
	v2 =	vld [tilespmem:s0+$0xFFFFFFF0];
	[tilespmem:v59+s11+$0x0] =	vst.idx.msk $0xffff, v6;
	v6 =	vor.u32 s26, v0  }
0x8c: {  	s28 =	simm.s32 $0x6;
	[tilespmem:v11+s11+$0x0] =	vst.idx.msk $0xffff, v4;
	v4 =	vld [tilespmem:s0+$0xFFFFFF90];
	s0 =	simm.s32 $0x6EF0  }
0x8d: {  	s7 =	simm.s32 $0x56F0;
	v9 =	vor.u32 s28, v0;
	[tilespmem:v62+s11+$0x0] =	vst.idx.msk $0xffff, v10;
	v8 =	vld [tilespmem:s0+$0x0]  }
0x8e: {  	s25 =	simm.s32 $0x8;
	s1 =	simm.s32 $0x10;
	v10 =	vadd.f32 v63, v61;
	[tilespmem:v3+s11+$0x0] =	vst.idx.msk $0xffff, v7;
	v3 =	vld [tilespmem:s7+$0x0];
	v7 =	vor.u32 s22, v0  }
.LBB2_4:
0x8f: {  	p1 =	slt.u32 s1, $0x78;
	v11 =	vld [tilespmem:s0+$0xFFFFFF90];
	s22 =	sadd.s32 $0x7, s25  }
0x90: {  	v12 =	vld [tilespmem:s7+$0xFFFFFFA0];
	v13 =	vor.u32 s22, v0;
	[tilespmem:v6+s11+$0x0] =	vst.idx.msk $0xffff, v10;
	v2 =	vadd.f32 v5, v2  }
0x91: {  	v5 =	vld [tilespmem:s0+$0xFFFFFFA0];
	v10 =	vadd.f32 v1, v4  }
0x92: {  	s22 =	sadd.s32 $0x1, s25;
	v4 =	vld [tilespmem:s7+$0xFFFFFFB0];
	[tilespmem:v9+s11+$0x0] =	vst.idx.msk $0xffff, v2  }
0x93: {  	v2 =	vor.u32 s22, v0;
	v6 =	vld [tilespmem:s0+$0xFFFFFFB0];
	v3 =	vadd.f32 v8, v3;
	[tilespmem:v7+s11+$0x0] =	vst.idx.msk $0xffff, v10  }
0x94: {  	s22 =	sadd.s32 $0x2, s25;
	v7 =	vld [tilespmem:s7+$0xFFFFFFC0];
	v1 =	vmov v11  }
0x95: {  	v8 =	vor.u32 s22, v0;
	v9 =	vld [tilespmem:s0+$0xFFFFFFC0];
	[tilespmem:v13+s11+$0x0] =	vst.idx.msk $0xffff, v3  }
0x96: {  	s22 =	sadd.s32 $0x3, s25;
	v3 =	vadd.f32 v5, v12;
	v10 =	vld [tilespmem:s7+$0xFFFFFFD0]  }
0x97: {  	v11 =	vor.u32 s22, v0;
	v12 =	vld [tilespmem:s0+$0xFFFFFFD0]  }
0x98: {  	s22 =	sadd.s32 $0x4, s25;
	[tilespmem:v2+s11+$0x0] =	vst.idx.msk $0xffff, v3;
	v2 =	vadd.f32 v6, v4;
	v13 =	vld [tilespmem:s7+$0xFFFFFFE0]  }
0x99: {  	v14 =	vor.u32 s22, v0;
	v15 =	vld [tilespmem:s0+$0xFFFFFFE0]  }
.Ltmp3:
0x9a: {  	s22 =	sadd.s32 $0x5, s25;
	[tilespmem:v8+s11+$0x0] =	vst.idx.msk $0xffff, v2;
	v3 =	vadd.f32 v9, v7;
	v2 =	vld [tilespmem:s7+$0xFFFFFFF0];
	(pc) =	sbr.rel @p1 .LBB2_4-.Ltmp3, $4  }
0x9b: {  	v6 =	vor.u32 s22, v0;
	v5 =	vld [tilespmem:s0+$0xFFFFFFF0]  }
0x9c: {  	s22 =	sadd.s32 $0x6, s25;
	v4 =	vld [tilespmem:s7+$0xFFFFFF90];
	[tilespmem:v11+s11+$0x0] =	vst.idx.msk $0xffff, v3;
	v10 =	vadd.f32 v12, v10;
	s7 =	sadd.s32 $0x80, s7  }
0x9d: {  	v9 =	vor.u32 s22, v0;
	s0 =	sadd.s32 $0x80, s0;
	v3 =	vld [tilespmem:s7+$0x0]  }
0x9e: {  	v7 =	vor.u32 s25, v0;
	s25 =	smov.u32 s1;
	s1 =	sadd.s32 $0x8, s1;
	v8 =	vld [tilespmem:s0+$0x0];
	[tilespmem:v14+s11+$0x0] =	vst.idx.msk $0xffff, v10;
	v10 =	vadd.f32 v15, v13  }
0x9f: {  	v11 =	vld [tilespmem:s0+$0xFFFFFF90]  }
0xa0: {  	v12 =	vld [tilespmem:s7+$0xFFFFFFA0]  }
0xa1: {  	v13 =	vld [tilespmem:s0+$0xFFFFFFA0]  }
0xa2: {  	v14 =	vld [tilespmem:s7+$0xFFFFFFB0]  }
0xa3: {  	v15 =	vld [tilespmem:s0+$0xFFFFFFB0]  }
0xa4: {  	v16 =	vld [tilespmem:s7+$0xFFFFFFC0]  }
0xa5: {  	v17 =	vld [tilespmem:s0+$0xFFFFFFC0]  }
0xa6: {  	s1 =	sadd.s32 $0x7, s25;
	v18 =	vld [tilespmem:s7+$0xFFFFFFD0]  }
0xa7: {  	s28 =	sadd.s32 $0x1, s25;
	v20 =	vld [tilespmem:s0+$0xFFFFFFD0];
	v19 =	vor.u32 s1, v0  }
0xa8: {  	s22 =	sadd.s32 $0x2, s25;
	v21 =	vld [tilespmem:s7+$0xFFFFFFE0];
	v2 =	vadd.f32 v5, v2;
	v5 =	vor.u32 s28, v0  }
0xa9: {  	s23 =	sadd.s32 $0x3, s25;
	[tilespmem:v6+s11+$0x0] =	vst.idx.msk $0xffff, v10;
	v6 =	vld [tilespmem:s0+$0xFFFFFFE0];
	v1 =	vadd.f32 v1, v4;
	v4 =	vor.u32 s22, v0  }
0xaa: {  	s26 =	sadd.s32 $0x4, s25;
	[tilespmem:v9+s11+$0x0] =	vst.idx.msk $0xffff, v2;
	v9 =	vld [tilespmem:s0+$0xFFFFFFF0];
	v2 =	vadd.f32 v8, v3;
	v3 =	vor.u32 s23, v0  }
0xab: {  	s28 =	sadd.s32 $0x5, s25;
	v8 =	vld [tilespmem:s7+$0xFFFFFFF0];
	[tilespmem:v7+s11+$0x0] =	vst.idx.msk $0xffff, v1;
	v7 =	vor.u32 s26, v0;
	v1 =	vadd.f32 v13, v12  }
0xac: {  	v57 =	vld [tilespmem:s7+$0xFFFFFF90];
	v10 =	vor.u32 s28, v0;
	s22 =	sadd.s32 $0x6, s25;
	[tilespmem:v19+s11+$0x0] =	vst.idx.msk $0xffff, v2;
	v2 =	vadd.f32 v15, v14  }
0xad: {  	[tilespmem:v5+s11+$0x0] =	vst.idx.msk $0xffff, v1;
	v1 =	vadd.f32 v17, v16;
	v5 =	vor.u32 s22, v0  }
0xae: {  	[tilespmem:v4+s11+$0x0] =	vst.idx.msk $0xffff, v2;
	v2 =	vadd.f32 v20, v18;
	v4 =	vor.u32 s25, v0  }
0xaf: {  	[tilespmem:v3+s11+$0x0] =	vst.idx.msk $0xffff, v1;
	v1 =	vadd.f32 v6, v21  }
0xb0: {  	[tilespmem:v7+s11+$0x0] =	vst.idx.msk $0xffff, v2;
	v2 =	vadd.f32 v9, v8  }
0xb1: {  	[tilespmem:v10+s11+$0x0] =	vst.idx.msk $0xffff, v1;
	v1 =	vadd.f32 v11, v57  }
0xb2: {  	[tilespmem:v5+s11+$0x0] =	vst.idx.msk $0xffff, v2  }
0xb3: {  	[tilespmem:v4+s11+$0x0] =	vst.idx.msk $0xffff, v1  }
0xb4: {  	s22 =	simm.s32 $0x0;
	s23 =	rddreg [dreg:$0x7]  }
0xb5: {  	[hbm4b:s23+s22] =	stream.linear.scatter [tilespmem:s11], [sflag:$0x6], $0x400, $0x38;
	[tilespmem:$0x9600] =	vst v63  }
0xb6: {  	s25 =	rddreg [dreg:$0x8]  }
0xb7: {  	[hbm4b:s25+s22] =	stream.linear.scatter [tilespmem:s12], [sflag:$0x6], $0x400, $0x38;
	[tilespmem:$0x9600] =	vst v63  }
0xb8: {  	s28 =	simm.s32 $0x400;
	s26 =	simm.s32 $0x5600  }
0xb9: {  	[tilespmem:s26], [sflag:$0x3] =	stream.indirect.gather [hbm4b:s4+s29], $0x10, s28, s29, $0xb8;
	[tilespmem:$0x9600] =	vst v63  }
0xba: {  	s7 =	simm.s32 $0x6E00;
	s23 =	simm.s32 $0x480  }
0xbb: {  	[tilespmem:s7], [sflag:$0x3] =	stream.indirect.gather [hbm4b:s6+s29], $0x10, s23, s29, $0xb8;
	[tilespmem:$0x9600] =	vst v63  }
0xbc: {  	_ =	swait.ge [sflag:s13], $0x800  }
0xbd: {  	[sflag:s13] =	ssyncset.done $0x0  }
0xbe: {  	[sflag:s13] =	ssyncadd.s32 $0xFFFFF800  }
0xbf: {  	_ =	swait.ge [sflag:s13], $0x800  }
0xc0: {  	[sflag:s13] =	ssyncset.done $0x0  }
0xc1: {  	s0 =	simm.s32 $0x5E70;
	[sflag:s13] =	ssyncadd.s32 $0xFFFFF800  }
0xc2: {  	s1 =	simm.s32 $0x7670;
	v2 =	vld [tilespmem:s0+$0x0]  }
0xc3: {  	v3 =	vld [tilespmem:s1+$0x0]  }
0xc4: {  	v4 =	vld [tilespmem:s0+$0xFFFFFFA0]  }
0xc5: {  	v5 =	vld [tilespmem:s1+$0xFFFFFFA0]  }
0xc6: {  	v6 =	vld [tilespmem:s0+$0xFFFFFFB0]  }
0xc7: {  	v7 =	vld [tilespmem:s1+$0xFFFFFFB0]  }
0xc8: {  	v8 =	vld [tilespmem:s0+$0xFFFFFFC0]  }
0xc9: {  	s25 =	simm.s32 $0x7;
	v10 =	vld [tilespmem:s1+$0xFFFFFFC0]  }
0xca: {  	v9 =	vor.u32 s25, v0;
	s28 =	simm.s32 $0x2;
	v58 =	vld [tilespmem:s0+$0xFFFFFFD0]  }
0xcb: {  	s26 =	simm.s32 $0x1;
	v59 =	vor.u32 s28, v0;
	v60 =	vld [tilespmem:s1+$0xFFFFFFD0]  }
0xcc: {  	s25 =	simm.s32 $0x4;
	v11 =	vor.u32 s26, v0;
	v1 =	vld [tilespmem:s1+$0xFFFFFF90]  }
0xcd: {  	v62 =	vor.u32 s25, v0;
	s23 =	simm.s32 $0x3;
	v61 =	vld [tilespmem:s0+$0xFFFFFFE0];
	v2 =	vadd.f32 v3, v2  }
0xce: {  	v63 =	vld [tilespmem:s1+$0xFFFFFFE0];
	v3 =	vor.u32 s23, v0;
	v6 =	vadd.f32 v7, v6  }
0xcf: {  	s26 =	simm.s32 $0x5;
	v4 =	vadd.f32 v5, v4;
	v5 =	vld [tilespmem:s1+$0xFFFFFFF0];
	[tilespmem:v9+s17+$0x0] =	vst.idx.msk $0xffff, v2  }
0xd0: {  	v7 =	vadd.f32 v10, v8;
	v10 =	vadd.f32 v60, v58;
	v2 =	vld [tilespmem:s0+$0xFFFFFFF0];
	[tilespmem:v59+s17+$0x0] =	vst.idx.msk $0xffff, v6;
	v6 =	vor.u32 s26, v0  }
0xd1: {  	s28 =	simm.s32 $0x6;
	[tilespmem:v11+s17+$0x0] =	vst.idx.msk $0xffff, v4;
	v4 =	vld [tilespmem:s0+$0xFFFFFF90];
	s0 =	simm.s32 $0x76F0  }
0xd2: {  	s7 =	simm.s32 $0x5EF0;
	v9 =	vor.u32 s28, v0;
	[tilespmem:v62+s17+$0x0] =	vst.idx.msk $0xffff, v10;
	v8 =	vld [tilespmem:s0+$0x0]  }
0xd3: {  	s25 =	simm.s32 $0x8;
	s1 =	simm.s32 $0x10;
	v10 =	vadd.f32 v63, v61;
	[tilespmem:v3+s17+$0x0] =	vst.idx.msk $0xffff, v7;
	v3 =	vld [tilespmem:s7+$0x0];
	v7 =	vor.u32 s22, v0  }
.LBB2_6:
0xd4: {  	p1 =	slt.u32 s1, $0x78;
	v11 =	vld [tilespmem:s0+$0xFFFFFF90];
	s22 =	sadd.s32 $0x7, s25  }
0xd5: {  	v12 =	vld [tilespmem:s7+$0xFFFFFFA0];
	v13 =	vor.u32 s22, v0;
	[tilespmem:v6+s17+$0x0] =	vst.idx.msk $0xffff, v10;
	v2 =	vadd.f32 v5, v2  }
0xd6: {  	v5 =	vld [tilespmem:s0+$0xFFFFFFA0];
	v10 =	vadd.f32 v1, v4  }
0xd7: {  	s22 =	sadd.s32 $0x1, s25;
	v4 =	vld [tilespmem:s7+$0xFFFFFFB0];
	[tilespmem:v9+s17+$0x0] =	vst.idx.msk $0xffff, v2  }
0xd8: {  	v2 =	vor.u32 s22, v0;
	v6 =	vld [tilespmem:s0+$0xFFFFFFB0];
	v3 =	vadd.f32 v8, v3;
	[tilespmem:v7+s17+$0x0] =	vst.idx.msk $0xffff, v10  }
0xd9: {  	s22 =	sadd.s32 $0x2, s25;
	v7 =	vld [tilespmem:s7+$0xFFFFFFC0];
	v1 =	vmov v11  }
0xda: {  	v8 =	vor.u32 s22, v0;
	v9 =	vld [tilespmem:s0+$0xFFFFFFC0];
	[tilespmem:v13+s17+$0x0] =	vst.idx.msk $0xffff, v3  }
0xdb: {  	s22 =	sadd.s32 $0x3, s25;
	v3 =	vadd.f32 v5, v12;
	v10 =	vld [tilespmem:s7+$0xFFFFFFD0]  }
0xdc: {  	v11 =	vor.u32 s22, v0;
	v12 =	vld [tilespmem:s0+$0xFFFFFFD0]  }
0xdd: {  	s22 =	sadd.s32 $0x4, s25;
	[tilespmem:v2+s17+$0x0] =	vst.idx.msk $0xffff, v3;
	v2 =	vadd.f32 v6, v4;
	v13 =	vld [tilespmem:s7+$0xFFFFFFE0]  }
0xde: {  	v14 =	vor.u32 s22, v0;
	v15 =	vld [tilespmem:s0+$0xFFFFFFE0]  }
.Ltmp4:
0xdf: {  	s22 =	sadd.s32 $0x5, s25;
	[tilespmem:v8+s17+$0x0] =	vst.idx.msk $0xffff, v2;
	v3 =	vadd.f32 v9, v7;
	v2 =	vld [tilespmem:s7+$0xFFFFFFF0];
	(pc) =	sbr.rel @p1 .LBB2_6-.Ltmp4, $4  }
0xe0: {  	v6 =	vor.u32 s22, v0;
	v5 =	vld [tilespmem:s0+$0xFFFFFFF0]  }
0xe1: {  	s22 =	sadd.s32 $0x6, s25;
	v4 =	vld [tilespmem:s7+$0xFFFFFF90];
	[tilespmem:v11+s17+$0x0] =	vst.idx.msk $0xffff, v3;
	v10 =	vadd.f32 v12, v10;
	s7 =	sadd.s32 $0x80, s7  }
0xe2: {  	v9 =	vor.u32 s22, v0;
	s0 =	sadd.s32 $0x80, s0;
	v3 =	vld [tilespmem:s7+$0x0]  }
0xe3: {  	v7 =	vor.u32 s25, v0;
	s25 =	smov.u32 s1;
	s1 =	sadd.s32 $0x8, s1;
	v8 =	vld [tilespmem:s0+$0x0];
	[tilespmem:v14+s17+$0x0] =	vst.idx.msk $0xffff, v10;
	v10 =	vadd.f32 v15, v13  }
0xe4: {  	v11 =	vld [tilespmem:s0+$0xFFFFFF90]  }
0xe5: {  	v12 =	vld [tilespmem:s7+$0xFFFFFFA0]  }
0xe6: {  	v13 =	vld [tilespmem:s0+$0xFFFFFFA0]  }
0xe7: {  	v14 =	vld [tilespmem:s7+$0xFFFFFFB0]  }
0xe8: {  	v15 =	vld [tilespmem:s0+$0xFFFFFFB0]  }
0xe9: {  	v16 =	vld [tilespmem:s7+$0xFFFFFFC0]  }
0xea: {  	v17 =	vld [tilespmem:s0+$0xFFFFFFC0]  }
0xeb: {  	s1 =	sadd.s32 $0x7, s25;
	v18 =	vld [tilespmem:s7+$0xFFFFFFD0]  }
0xec: {  	s28 =	sadd.s32 $0x1, s25;
	v20 =	vld [tilespmem:s0+$0xFFFFFFD0];
	v19 =	vor.u32 s1, v0  }
0xed: {  	s22 =	sadd.s32 $0x2, s25;
	v21 =	vld [tilespmem:s7+$0xFFFFFFE0];
	v2 =	vadd.f32 v5, v2;
	v54 =	vor.u32 s28, v0  }
0xee: {  	s23 =	sadd.s32 $0x3, s25;
	v56 =	vld [tilespmem:s0+$0xFFFFFFE0];
	[tilespmem:v6+s17+$0x0] =	vst.idx.msk $0xffff, v10;
	v55 =	vor.u32 s22, v0;
	v1 =	vadd.f32 v1, v4  }
0xef: {  	s26 =	sadd.s32 $0x4, s25;
	v57 =	vld [tilespmem:s7+$0xFFFFFFF0];
	[tilespmem:v9+s17+$0x0] =	vst.idx.msk $0xffff, v2;
	v2 =	vadd.f32 v8, v3;
	v3 =	vor.u32 s23, v0  }
0xf0: {  	v59 =	vld [tilespmem:s0+$0xFFFFFFF0];
	v58 =	vor.u32 s26, v0;
	s28 =	sadd.s32 $0x5, s25;
	[tilespmem:v7+s17+$0x0] =	vst.idx.msk $0xffff, v1;
	v1 =	vadd.f32 v13, v12  }
0xf1: {  	v61 =	vld [tilespmem:s7+$0xFFFFFF90];
	s1 =	sadd.s32 $0x6, s25;
	v60 =	vor.u32 s28, v0;
	[tilespmem:v19+s17+$0x0] =	vst.idx.msk $0xffff, v2;
	v2 =	vadd.f32 v15, v14  }
0xf2: {  	v62 =	vor.u32 s1, v0;
	[tilespmem:v54+s17+$0x0] =	vst.idx.msk $0xffff, v1;
	v1 =	vadd.f32 v17, v16  }
0xf3: {  	v63 =	vor.u32 s25, v0;
	[tilespmem:v55+s17+$0x0] =	vst.idx.msk $0xffff, v2;
	v2 =	vadd.f32 v20, v18  }
0xf4: {  	[tilespmem:v3+s17+$0x0] =	vst.idx.msk $0xffff, v1;
	v1 =	vadd.f32 v56, v21  }
0xf5: {  	[tilespmem:v58+s17+$0x0] =	vst.idx.msk $0xffff, v2;
	v2 =	vadd.f32 v59, v57  }
0xf6: {  	[tilespmem:v60+s17+$0x0] =	vst.idx.msk $0xffff, v1;
	v1 =	vadd.f32 v11, v61  }
0xf7: {  	[tilespmem:v62+s17+$0x0] =	vst.idx.msk $0xffff, v2  }
0xf8: {  	[tilespmem:v63+s17+$0x0] =	vst.idx.msk $0xffff, v1  }
0xf9: {  	s7 =	rddreg [dreg:$0x9]  }
0xfa: {  	[hbm4b:s7+s3] =	stream.linear.scatter [tilespmem:s17], [sflag:$0x7], $0x400, $0x38;
	[tilespmem:$0x9600] =	vst v63  }
0xfb: {  	s22 =	rddreg [dreg:$0xa]  }
0xfc: {  	[hbm4b:s22+s3] =	stream.linear.scatter [tilespmem:s18], [sflag:$0x7], $0x400, $0x38;
	[tilespmem:$0x9600] =	vst v63  }
0xfd: {  	s25 =	simm.s32 $0x500;
	s23 =	simm.s32 $0x5E00  }
0xfe: {  	[tilespmem:s23], [sflag:$0x4] =	stream.indirect.gather [hbm4b:s4+s29], $0x10, s25, s29, $0xb8;
	[tilespmem:$0x9600] =	vst v63  }
0xff: {  	s26 =	simm.s32 $0x7600;
	s28 =	simm.s32 $0x580  }
0x100: {  	[tilespmem:s26], [sflag:$0x4] =	stream.indirect.gather [hbm4b:s6+s29], $0x10, s28, s29, $0xb8;
	[tilespmem:$0x9600] =	vst v63  }
0x101: {  	s26 =	simm.s32 $0x1  }
.LBB2_8:
0x102: {  	_ =	swait.ge [sflag:s24], $0x800  }
0x103: {  	[sflag:s24] =	ssyncset.done $0x0  }
0x104: {  	[sflag:s24] =	ssyncadd.s32 $0xFFFFF800  }
0x105: {  	_ =	swait.ge [sflag:s24], $0x800  }
0x106: {  	[sflag:s24] =	ssyncset.done $0x0  }
0x107: {  	[sflag:s24] =	ssyncadd.s32 $0xFFFFF800  }
0x108: {  	_ =	swait.ge [sflag:s19], $0x400  }
0x109: {  	[sflag:s19] =	ssyncset.done $0x0  }
0x10a: {  	[sflag:s19] =	ssyncadd.s32 $0xFFFFFC00  }
0x10b: {  	_ =	swait.ge [sflag:s19], $0x400  }
0x10c: {  	[sflag:s19] =	ssyncset.done $0x0  }
0x10d: {  	s0 =	simm.s32 $0x4E40;
	[sflag:s19] =	ssyncadd.s32 $0xFFFFFC00  }
0x10e: {  	s1 =	simm.s32 $0x6640;
	v2 =	vld [tilespmem:s0+$0x30]  }
0x10f: {  	v3 =	vld [tilespmem:s1+$0x30]  }
0x110: {  	v1 =	vld [tilespmem:s1+$0xFFFFFFC0]  }
0x111: {  	v4 =	vld [tilespmem:s0+$0xFFFFFFD0]  }
0x112: {  	v5 =	vld [tilespmem:s1+$0xFFFFFFD0]  }
0x113: {  	v6 =	vld [tilespmem:s0+$0xFFFFFFE0]  }
0x114: {  	v7 =	vld [tilespmem:s1+$0xFFFFFFE0]  }
0x115: {  	s7 =	simm.s32 $0x7;
	v8 =	vld [tilespmem:s0+$0xFFFFFFF0]  }
0x116: {  	s25 =	simm.s32 $0x1;
	v9 =	vor.u32 s7, v0;
	v10 =	vld [tilespmem:s1+$0xFFFFFFF0]  }
0x117: {  	s28 =	simm.s32 $0x2;
	v11 =	vor.u32 s25, v0;
	v12 =	vld [tilespmem:s0+$0x0]  }
0x118: {  	s22 =	simm.s32 $0x3;
	v13 =	vor.u32 s28, v0;
	v14 =	vld [tilespmem:s1+$0x0]  }
0x119: {  	s23 =	simm.s32 $0x4;
	v15 =	vor.u32 s22, v0;
	v16 =	vld [tilespmem:s0+$0x10];
	v2 =	vadd.f32 v3, v2  }
0x11a: {  	v17 =	vor.u32 s23, v0;
	v18 =	vld [tilespmem:s1+$0x10];
	v3 =	vadd.f32 v5, v4  }
0x11b: {  	s25 =	simm.s32 $0x5;
	v4 =	vadd.f32 v7, v6;
	v5 =	vld [tilespmem:s1+$0x20];
	[tilespmem:v9+s8+$0x0] =	vst.idx.msk $0xffff, v2  }
0x11c: {  	v7 =	vadd.f32 v10, v8;
	v6 =	vor.u32 s25, v0;
	v2 =	vld [tilespmem:s0+$0x20];
	[tilespmem:v11+s8+$0x0] =	vst.idx.msk $0xffff, v3  }
0x11d: {  	s7 =	simm.s32 $0x4EC0;
	s28 =	simm.s32 $0x6;
	v10 =	vadd.f32 v14, v12;
	[tilespmem:v13+s8+$0x0] =	vst.idx.msk $0xffff, v4;
	v3 =	vld [tilespmem:s0+$0xFFFFFFC0]  }
0x11e: {  	s22 =	simm.s32 $0x0;
	[tilespmem:v15+s8+$0x0] =	vst.idx.msk $0xffff, v7;
	v4 =	vld [tilespmem:s7+$0x30];
	s0 =	simm.s32 $0x66C0;
	v9 =	vor.u32 s28, v0  }
0x11f: {  	s25 =	simm.s32 $0x8;
	s1 =	simm.s32 $0x10;
	v7 =	vor.u32 s22, v0;
	[tilespmem:v17+s8+$0x0] =	vst.idx.msk $0xffff, v10;
	v10 =	vadd.f32 v18, v16;
	v8 =	vld [tilespmem:s0+$0x30]  }
.LBB2_9:
0x120: {  	p1 =	slt.u32 s1, $0x78;
	v11 =	vld [tilespmem:s0+$0xFFFFFFC0];
	s22 =	sadd.s32 $0x7, s25  }
0x121: {  	v12 =	vld [tilespmem:s7+$0xFFFFFFD0];
	v13 =	vor.u32 s22, v0;
	[tilespmem:v6+s8+$0x0] =	vst.idx.msk $0xffff, v10;
	v2 =	vadd.f32 v5, v2  }
0x122: {  	v5 =	vld [tilespmem:s0+$0xFFFFFFD0];
	v10 =	vadd.f32 v1, v3  }
0x123: {  	s22 =	sadd.s32 $0x1, s25;
	v3 =	vld [tilespmem:s7+$0xFFFFFFE0];
	[tilespmem:v9+s8+$0x0] =	vst.idx.msk $0xffff, v2  }
0x124: {  	v2 =	vor.u32 s22, v0;
	v6 =	vld [tilespmem:s0+$0xFFFFFFE0];
	v4 =	vadd.f32 v8, v4;
	[tilespmem:v7+s8+$0x0] =	vst.idx.msk $0xffff, v10  }
0x125: {  	s22 =	sadd.s32 $0x2, s25;
	v7 =	vld [tilespmem:s7+$0xFFFFFFF0];
	v1 =	vmov v11  }
0x126: {  	v8 =	vor.u32 s22, v0;
	v9 =	vld [tilespmem:s0+$0xFFFFFFF0];
	[tilespmem:v13+s8+$0x0] =	vst.idx.msk $0xffff, v4  }
0x127: {  	s22 =	sadd.s32 $0x3, s25;
	v4 =	vadd.f32 v5, v12;
	v10 =	vld [tilespmem:s7+$0x0]  }
0x128: {  	v11 =	vor.u32 s22, v0;
	v12 =	vld [tilespmem:s0+$0x0]  }
0x129: {  	s22 =	sadd.s32 $0x4, s25;
	[tilespmem:v2+s8+$0x0] =	vst.idx.msk $0xffff, v4;
	v2 =	vadd.f32 v6, v3;
	v13 =	vld [tilespmem:s7+$0x10]  }
0x12a: {  	v14 =	vor.u32 s22, v0;
	v15 =	vld [tilespmem:s0+$0x10]  }
.Ltmp5:
0x12b: {  	s22 =	sadd.s32 $0x5, s25;
	[tilespmem:v8+s8+$0x0] =	vst.idx.msk $0xffff, v2;
	v4 =	vadd.f32 v9, v7;
	v2 =	vld [tilespmem:s7+$0x20];
	(pc) =	sbr.rel @p1 .LBB2_9-.Ltmp5, $4  }
0x12c: {  	v6 =	vor.u32 s22, v0;
	v5 =	vld [tilespmem:s0+$0x20]  }
0x12d: {  	s22 =	sadd.s32 $0x6, s25;
	v3 =	vld [tilespmem:s7+$0xFFFFFFC0];
	[tilespmem:v11+s8+$0x0] =	vst.idx.msk $0xffff, v4;
	v10 =	vadd.f32 v12, v10;
	s7 =	sadd.s32 $0x80, s7  }
0x12e: {  	v9 =	vor.u32 s22, v0;
	s0 =	sadd.s32 $0x80, s0;
	v4 =	vld [tilespmem:s7+$0x30]  }
0x12f: {  	v7 =	vor.u32 s25, v0;
	s25 =	smov.u32 s1;
	s1 =	sadd.s32 $0x8, s1;
	v8 =	vld [tilespmem:s0+$0x30];
	[tilespmem:v14+s8+$0x0] =	vst.idx.msk $0xffff, v10;
	v10 =	vadd.f32 v15, v13  }
0x130: {  	v11 =	vld [tilespmem:s0+$0xFFFFFFC0]  }
0x131: {  	v12 =	vld [tilespmem:s7+$0xFFFFFFD0]  }
0x132: {  	v13 =	vld [tilespmem:s0+$0xFFFFFFD0]  }
0x133: {  	v14 =	vld [tilespmem:s7+$0xFFFFFFE0]  }
0x134: {  	v15 =	vld [tilespmem:s0+$0xFFFFFFE0]  }
0x135: {  	v16 =	vld [tilespmem:s7+$0xFFFFFFF0]  }
0x136: {  	v17 =	vld [tilespmem:s0+$0xFFFFFFF0]  }
0x137: {  	s1 =	sadd.s32 $0x7, s25;
	v18 =	vld [tilespmem:s7+$0x0]  }
0x138: {  	s22 =	sadd.s32 $0x1, s25;
	v20 =	vld [tilespmem:s0+$0x0];
	v19 =	vor.u32 s1, v0  }
0x139: {  	s23 =	sadd.s32 $0x2, s25;
	v21 =	vld [tilespmem:s7+$0x10];
	v2 =	vadd.f32 v5, v2;
	v5 =	vor.u32 s22, v0  }
0x13a: {  	[tilespmem:v6+s8+$0x0] =	vst.idx.msk $0xffff, v10;
	s22 =	sadd.s32 $0x3, s25;
	v6 =	vld [tilespmem:s0+$0x10];
	v1 =	vadd.f32 v1, v3;
	v3 =	vor.u32 s23, v0  }
0x13b: {  	s23 =	sadd.s32 $0x4, s25;
	[tilespmem:v9+s8+$0x0] =	vst.idx.msk $0xffff, v2;
	v9 =	vld [tilespmem:s0+$0x20];
	v2 =	vadd.f32 v8, v4;
	v4 =	vor.u32 s22, v0  }
0x13c: {  	v8 =	vld [tilespmem:s7+$0x20];
	[tilespmem:v7+s8+$0x0] =	vst.idx.msk $0xffff, v1;
	v7 =	vor.u32 s23, v0;
	s22 =	sadd.s32 $0x5, s25;
	v1 =	vadd.f32 v13, v12  }
0x13d: {  	v57 =	vld [tilespmem:s7+$0xFFFFFFC0];
	s23 =	sadd.s32 $0x6, s25;
	v10 =	vor.u32 s22, v0;
	[tilespmem:v19+s8+$0x0] =	vst.idx.msk $0xffff, v2;
	v2 =	vadd.f32 v15, v14  }
0x13e: {  	[tilespmem:v5+s8+$0x0] =	vst.idx.msk $0xffff, v1;
	v1 =	vadd.f32 v17, v16;
	v5 =	vor.u32 s23, v0  }
0x13f: {  	[tilespmem:v3+s8+$0x0] =	vst.idx.msk $0xffff, v2;
	v2 =	vadd.f32 v20, v18;
	v3 =	vor.u32 s25, v0  }
0x140: {  	s7 =	smul.u32 $0x3, s26;
	[tilespmem:v4+s8+$0x0] =	vst.idx.msk $0xffff, v1;
	v1 =	vadd.f32 v6, v21  }
0x141: {  	[tilespmem:v7+s8+$0x0] =	vst.idx.msk $0xffff, v2;
	v2 =	vadd.f32 v9, v8  }
0x142: {  	s1 =	sadd.s32 s5, s7;
	[tilespmem:v10+s8+$0x0] =	vst.idx.msk $0xffff, v1;
	v1 =	vadd.f32 v11, v57  }
0x143: {  	s0 =	sshll.u32 s1, $0x7;
	[tilespmem:v5+s8+$0x0] =	vst.idx.msk $0xffff, v2  }
0x144: {  	s23 =	simm.s32 $0x0;
	s22 =	sadd.s32 s2, s0;
	s25 =	smul.u32 $0xC00, s26;
	[tilespmem:v3+s8+$0x0] =	vst.idx.msk $0xffff, v1  }
0x145: {  	[hbm4b:s22+s23] =	stream.linear.scatter [tilespmem:s8], [sflag:$0x5], $0x400, $0x38;
	[tilespmem:$0x9600] =	vst v63  }
0x146: {  	s0 =	sadd.s32 s0, s14;
	s28 =	sshra.s32 s25, $0x2  }
0x147: {  	[hbm4b:s0+s23] =	stream.linear.scatter [tilespmem:s9], [sflag:$0x5], $0x400, $0x38;
	[tilespmem:$0x9600] =	vst v63  }
0x148: {  	s1 =	sadd.s32 $0x300, s28  }
0x149: {  	[tilespmem:s30], [sflag:$0x2] =	stream.indirect.gather [hbm4b:s4+s29], $0x10, s1, s29, $0xb8;
	[tilespmem:$0x9600] =	vst v63  }
0x14a: {  	s22 =	sadd.s32 $0x380, s28  }
0x14b: {  	[tilespmem:s31], [sflag:$0x2] =	stream.indirect.gather [hbm4b:s6+s29], $0x10, s22, s29, $0xb8;
	[tilespmem:$0x9600] =	vst v63  }
0x14c: {  	_ =	swait.ge [sflag:s10], $0x800  }
0x14d: {  	[sflag:s10] =	ssyncset.done $0x0  }
0x14e: {  	[sflag:s10] =	ssyncadd.s32 $0xFFFFF800  }
0x14f: {  	_ =	swait.ge [sflag:s10], $0x800  }
0x150: {  	[sflag:s10] =	ssyncset.done $0x0  }
0x151: {  	[sflag:s10] =	ssyncadd.s32 $0xFFFFF800  }
0x152: {  	_ =	swait.ge [sflag:s20], $0x400  }
0x153: {  	[sflag:s20] =	ssyncset.done $0x0  }
0x154: {  	[sflag:s20] =	ssyncadd.s32 $0xFFFFFC00  }
0x155: {  	_ =	swait.ge [sflag:s20], $0x400  }
0x156: {  	[sflag:s20] =	ssyncset.done $0x0  }
0x157: {  	s0 =	simm.s32 $0x5670;
	[sflag:s20] =	ssyncadd.s32 $0xFFFFFC00  }
0x158: {  	s1 =	simm.s32 $0x6E70;
	v2 =	vld [tilespmem:s0+$0x0]  }
0x159: {  	v3 =	vld [tilespmem:s1+$0x0]  }
0x15a: {  	v1 =	vld [tilespmem:s1+$0xFFFFFF90]  }
0x15b: {  	v4 =	vld [tilespmem:s0+$0xFFFFFFA0]  }
0x15c: {  	v5 =	vld [tilespmem:s1+$0xFFFFFFA0]  }
0x15d: {  	v6 =	vld [tilespmem:s0+$0xFFFFFFB0]  }
0x15e: {  	v7 =	vld [tilespmem:s1+$0xFFFFFFB0]  }
0x15f: {  	s25 =	simm.s32 $0x1;
	s22 =	simm.s32 $0x7;
	v8 =	vld [tilespmem:s0+$0xFFFFFFC0]  }
0x160: {  	v11 =	vor.u32 s25, v0;
	s25 =	simm.s32 $0x2;
	v9 =	vor.u32 s22, v0;
	v10 =	vld [tilespmem:s1+$0xFFFFFFC0]  }
0x161: {  	v59 =	vor.u32 s25, v0;
	v58 =	vld [tilespmem:s0+$0xFFFFFFD0]  }
0x162: {  	s25 =	simm.s32 $0x3;
	v60 =	vld [tilespmem:s1+$0xFFFFFFD0]  }
0x163: {  	v61 =	vld [tilespmem:s0+$0xFFFFFFE0];
	v2 =	vadd.f32 v3, v2;
	v3 =	vor.u32 s25, v0;
	s25 =	simm.s32 $0x4  }
0x164: {  	v63 =	vld [tilespmem:s1+$0xFFFFFFE0];
	v6 =	vadd.f32 v7, v6;
	v62 =	vor.u32 s25, v0  }
0x165: {  	s22 =	simm.s32 $0x5;
	v4 =	vadd.f32 v5, v4;
	v5 =	vld [tilespmem:s1+$0xFFFFFFF0];
	[tilespmem:v9+s11+$0x0] =	vst.idx.msk $0xffff, v2  }
0x166: {  	v7 =	vadd.f32 v10, v8;
	v2 =	vld [tilespmem:s0+$0xFFFFFFF0];
	[tilespmem:v59+s11+$0x0] =	vst.idx.msk $0xffff, v6;
	v6 =	vor.u32 s22, v0  }
0x167: {  	v10 =	vadd.f32 v60, v58;
	s1 =	simm.s32 $0x6EF0;
	[tilespmem:v11+s11+$0x0] =	vst.idx.msk $0xffff, v4;
	v4 =	vld [tilespmem:s0+$0xFFFFFF90];
	s22 =	simm.s32 $0x6  }
0x168: {  	s25 =	simm.s32 $0x56F0;
	v8 =	vld [tilespmem:s1+$0x0];
	v9 =	vor.u32 s22, v0;
	[tilespmem:v3+s11+$0x0] =	vst.idx.msk $0xffff, v7  }
0x169: {  	s0 =	simm.s32 $0x8;
	s22 =	simm.s32 $0x10;
	v3 =	vld [tilespmem:s25+$0x0];
	v7 =	vor.u32 s23, v0;
	[tilespmem:v62+s11+$0x0] =	vst.idx.msk $0xffff, v10;
	v10 =	vadd.f32 v63, v61  }
.LBB2_11:
0x16a: {  	p1 =	slt.u32 s22, $0x78;
	v11 =	vld [tilespmem:s1+$0xFFFFFF90];
	s23 =	sadd.s32 $0x7, s0  }
0x16b: {  	v12 =	vld [tilespmem:s25+$0xFFFFFFA0];
	v13 =	vor.u32 s23, v0;
	[tilespmem:v6+s11+$0x0] =	vst.idx.msk $0xffff, v10;
	v2 =	vadd.f32 v5, v2  }
0x16c: {  	v5 =	vld [tilespmem:s1+$0xFFFFFFA0];
	v10 =	vadd.f32 v1, v4  }
0x16d: {  	s23 =	sadd.s32 $0x1, s0;
	v4 =	vld [tilespmem:s25+$0xFFFFFFB0];
	[tilespmem:v9+s11+$0x0] =	vst.idx.msk $0xffff, v2  }
0x16e: {  	v2 =	vor.u32 s23, v0;
	v6 =	vld [tilespmem:s1+$0xFFFFFFB0];
	v3 =	vadd.f32 v8, v3;
	[tilespmem:v7+s11+$0x0] =	vst.idx.msk $0xffff, v10  }
0x16f: {  	s23 =	sadd.s32 $0x2, s0;
	v7 =	vld [tilespmem:s25+$0xFFFFFFC0];
	v1 =	vmov v11  }
0x170: {  	v8 =	vor.u32 s23, v0;
	v9 =	vld [tilespmem:s1+$0xFFFFFFC0];
	[tilespmem:v13+s11+$0x0] =	vst.idx.msk $0xffff, v3  }
0x171: {  	s23 =	sadd.s32 $0x3, s0;
	v3 =	vadd.f32 v5, v12;
	v10 =	vld [tilespmem:s25+$0xFFFFFFD0]  }
0x172: {  	v11 =	vor.u32 s23, v0;
	v12 =	vld [tilespmem:s1+$0xFFFFFFD0]  }
0x173: {  	s23 =	sadd.s32 $0x4, s0;
	[tilespmem:v2+s11+$0x0] =	vst.idx.msk $0xffff, v3;
	v2 =	vadd.f32 v6, v4;
	v13 =	vld [tilespmem:s25+$0xFFFFFFE0]  }
0x174: {  	v14 =	vor.u32 s23, v0;
	v15 =	vld [tilespmem:s1+$0xFFFFFFE0]  }
.Ltmp6:
0x175: {  	s23 =	sadd.s32 $0x5, s0;
	[tilespmem:v8+s11+$0x0] =	vst.idx.msk $0xffff, v2;
	v3 =	vadd.f32 v9, v7;
	v2 =	vld [tilespmem:s25+$0xFFFFFFF0];
	(pc) =	sbr.rel @p1 .LBB2_11-.Ltmp6, $4  }
0x176: {  	v6 =	vor.u32 s23, v0;
	v5 =	vld [tilespmem:s1+$0xFFFFFFF0]  }
0x177: {  	s23 =	sadd.s32 $0x6, s0;
	v4 =	vld [tilespmem:s25+$0xFFFFFF90];
	[tilespmem:v11+s11+$0x0] =	vst.idx.msk $0xffff, v3;
	v10 =	vadd.f32 v12, v10;
	s25 =	sadd.s32 $0x80, s25  }
0x178: {  	v9 =	vor.u32 s23, v0;
	s1 =	sadd.s32 $0x80, s1;
	v3 =	vld [tilespmem:s25+$0x0]  }
0x179: {  	v7 =	vor.u32 s0, v0;
	s0 =	smov.u32 s22;
	s22 =	sadd.s32 $0x8, s22;
	v8 =	vld [tilespmem:s1+$0x0];
	[tilespmem:v14+s11+$0x0] =	vst.idx.msk $0xffff, v10;
	v10 =	vadd.f32 v15, v13  }
0x17a: {  	v11 =	vld [tilespmem:s1+$0xFFFFFF90]  }
0x17b: {  	v12 =	vld [tilespmem:s25+$0xFFFFFFA0]  }
0x17c: {  	v13 =	vld [tilespmem:s1+$0xFFFFFFA0]  }
0x17d: {  	v14 =	vld [tilespmem:s25+$0xFFFFFFB0]  }
0x17e: {  	v15 =	vld [tilespmem:s1+$0xFFFFFFB0]  }
0x17f: {  	v16 =	vld [tilespmem:s25+$0xFFFFFFC0]  }
0x180: {  	v17 =	vld [tilespmem:s1+$0xFFFFFFC0]  }
0x181: {  	s22 =	sadd.s32 $0x7, s0;
	v18 =	vld [tilespmem:s25+$0xFFFFFFD0]  }
0x182: {  	s23 =	sadd.s32 $0x1, s0;
	v20 =	vld [tilespmem:s1+$0xFFFFFFD0];
	v19 =	vor.u32 s22, v0  }
0x183: {  	v21 =	vld [tilespmem:s25+$0xFFFFFFE0];
	v2 =	vadd.f32 v5, v2;
	v5 =	vor.u32 s23, v0;
	s23 =	sadd.s32 $0x2, s0  }
0x184: {  	[tilespmem:v6+s11+$0x0] =	vst.idx.msk $0xffff, v10;
	v6 =	vld [tilespmem:s1+$0xFFFFFFE0];
	v1 =	vadd.f32 v1, v4;
	v4 =	vor.u32 s23, v0;
	s23 =	sadd.s32 $0x3, s0  }
0x185: {  	[tilespmem:v9+s11+$0x0] =	vst.idx.msk $0xffff, v2;
	v9 =	vld [tilespmem:s1+$0xFFFFFFF0];
	v2 =	vadd.f32 v8, v3;
	v3 =	vor.u32 s23, v0;
	s23 =	sadd.s32 $0x4, s0  }
0x186: {  	v8 =	vld [tilespmem:s25+$0xFFFFFFF0];
	[tilespmem:v7+s11+$0x0] =	vst.idx.msk $0xffff, v1;
	v1 =	vadd.f32 v13, v12;
	v7 =	vor.u32 s23, v0;
	s23 =	sadd.s32 $0x5, s0  }
0x187: {  	v57 =	vld [tilespmem:s25+$0xFFFFFF90];
	s22 =	sadd.s32 $0x6, s0;
	[tilespmem:v19+s11+$0x0] =	vst.idx.msk $0xffff, v2;
	v2 =	vadd.f32 v15, v14;
	v10 =	vor.u32 s23, v0  }
0x188: {  	[tilespmem:v5+s11+$0x0] =	vst.idx.msk $0xffff, v1;
	v1 =	vadd.f32 v17, v16;
	v5 =	vor.u32 s22, v0  }
0x189: {  	[tilespmem:v4+s11+$0x0] =	vst.idx.msk $0xffff, v2;
	v2 =	vadd.f32 v20, v18;
	v4 =	vor.u32 s0, v0  }
0x18a: {  	[tilespmem:v3+s11+$0x0] =	vst.idx.msk $0xffff, v1;
	v1 =	vadd.f32 v6, v21  }
0x18b: {  	[tilespmem:v7+s11+$0x0] =	vst.idx.msk $0xffff, v2;
	v2 =	vadd.f32 v9, v8  }
0x18c: {  	s23 =	sadd.s32 s7, s15;
	[tilespmem:v10+s11+$0x0] =	vst.idx.msk $0xffff, v1;
	v1 =	vadd.f32 v11, v57  }
0x18d: {  	s0 =	sshll.u32 s23, $0x7;
	[tilespmem:v5+s11+$0x0] =	vst.idx.msk $0xffff, v2  }
0x18e: {  	s23 =	simm.s32 $0x0;
	s25 =	sadd.s32 s2, s0;
	[tilespmem:v4+s11+$0x0] =	vst.idx.msk $0xffff, v1  }
0x18f: {  	[hbm4b:s25+s23] =	stream.linear.scatter [tilespmem:s11], [sflag:$0x6], $0x400, $0x38;
	[tilespmem:$0x9600] =	vst v63  }
0x190: {  	s0 =	sadd.s32 s0, s14  }
0x191: {  	[hbm4b:s0+s23] =	stream.linear.scatter [tilespmem:s12], [sflag:$0x6], $0x400, $0x38;
	[tilespmem:$0x9600] =	vst v63  }
0x192: {  	s22 =	sadd.s32 $0x400, s28;
	s25 =	simm.s32 $0x5600  }
0x193: {  	[tilespmem:s25], [sflag:$0x3] =	stream.indirect.gather [hbm4b:s4+s29], $0x10, s22, s29, $0xb8;
	[tilespmem:$0x9600] =	vst v63  }
0x194: {  	s1 =	sadd.s32 $0x480, s28;
	s22 =	simm.s32 $0x6E00  }
0x195: {  	[tilespmem:s22], [sflag:$0x3] =	stream.indirect.gather [hbm4b:s6+s29], $0x10, s1, s29, $0xb8;
	[tilespmem:$0x9600] =	vst v63  }
0x196: {  	_ =	swait.ge [sflag:s13], $0x800  }
0x197: {  	[sflag:s13] =	ssyncset.done $0x0  }
0x198: {  	[sflag:s13] =	ssyncadd.s32 $0xFFFFF800  }
0x199: {  	_ =	swait.ge [sflag:s13], $0x800  }
0x19a: {  	[sflag:s13] =	ssyncset.done $0x0  }
0x19b: {  	[sflag:s13] =	ssyncadd.s32 $0xFFFFF800  }
0x19c: {  	_ =	swait.ge [sflag:s21], $0x400  }
0x19d: {  	[sflag:s21] =	ssyncset.done $0x0  }
0x19e: {  	[sflag:s21] =	ssyncadd.s32 $0xFFFFFC00  }
0x19f: {  	_ =	swait.ge [sflag:s21], $0x400  }
0x1a0: {  	[sflag:s21] =	ssyncset.done $0x0  }
0x1a1: {  	s0 =	simm.s32 $0x5E70;
	[sflag:s21] =	ssyncadd.s32 $0xFFFFFC00  }
0x1a2: {  	s1 =	simm.s32 $0x7670;
	v2 =	vld [tilespmem:s0+$0x0]  }
0x1a3: {  	v3 =	vld [tilespmem:s1+$0x0]  }
0x1a4: {  	v1 =	vld [tilespmem:s1+$0xFFFFFF90]  }
0x1a5: {  	v4 =	vld [tilespmem:s0+$0xFFFFFFA0]  }
0x1a6: {  	v5 =	vld [tilespmem:s1+$0xFFFFFFA0]  }
0x1a7: {  	v6 =	vld [tilespmem:s0+$0xFFFFFFB0]  }
0x1a8: {  	s25 =	simm.s32 $0x7;
	v7 =	vld [tilespmem:s1+$0xFFFFFFB0]  }
0x1a9: {  	v9 =	vor.u32 s25, v0;
	s25 =	simm.s32 $0x1;
	v8 =	vld [tilespmem:s0+$0xFFFFFFC0]  }
0x1aa: {  	v11 =	vor.u32 s25, v0;
	s25 =	simm.s32 $0x2;
	v10 =	vld [tilespmem:s1+$0xFFFFFFC0]  }
0x1ab: {  	v59 =	vor.u32 s25, v0;
	v58 =	vld [tilespmem:s0+$0xFFFFFFD0]  }
0x1ac: {  	s25 =	simm.s32 $0x3;
	v60 =	vld [tilespmem:s1+$0xFFFFFFD0]  }
0x1ad: {  	v61 =	vld [tilespmem:s0+$0xFFFFFFE0];
	v2 =	vadd.f32 v3, v2;
	v3 =	vor.u32 s25, v0;
	s25 =	simm.s32 $0x4  }
0x1ae: {  	v63 =	vld [tilespmem:s1+$0xFFFFFFE0];
	v6 =	vadd.f32 v7, v6;
	v62 =	vor.u32 s25, v0  }
0x1af: {  	s22 =	simm.s32 $0x5;
	v4 =	vadd.f32 v5, v4;
	v5 =	vld [tilespmem:s1+$0xFFFFFFF0];
	[tilespmem:v9+s17+$0x0] =	vst.idx.msk $0xffff, v2  }
0x1b0: {  	v7 =	vadd.f32 v10, v8;
	v2 =	vld [tilespmem:s0+$0xFFFFFFF0];
	[tilespmem:v59+s17+$0x0] =	vst.idx.msk $0xffff, v6;
	v6 =	vor.u32 s22, v0  }
0x1b1: {  	v10 =	vadd.f32 v60, v58;
	s1 =	simm.s32 $0x76F0;
	[tilespmem:v11+s17+$0x0] =	vst.idx.msk $0xffff, v4;
	v4 =	vld [tilespmem:s0+$0xFFFFFF90];
	s22 =	simm.s32 $0x6  }
0x1b2: {  	s25 =	simm.s32 $0x5EF0;
	v8 =	vld [tilespmem:s1+$0x0];
	v9 =	vor.u32 s22, v0;
	[tilespmem:v3+s17+$0x0] =	vst.idx.msk $0xffff, v7  }
0x1b3: {  	s0 =	simm.s32 $0x8;
	s22 =	simm.s32 $0x10;
	v3 =	vld [tilespmem:s25+$0x0];
	v7 =	vor.u32 s23, v0;
	[tilespmem:v62+s17+$0x0] =	vst.idx.msk $0xffff, v10;
	v10 =	vadd.f32 v63, v61  }
.LBB2_13:
0x1b4: {  	p1 =	slt.u32 s22, $0x78;
	v11 =	vld [tilespmem:s1+$0xFFFFFF90];
	s23 =	sadd.s32 $0x7, s0  }
0x1b5: {  	v12 =	vld [tilespmem:s25+$0xFFFFFFA0];
	v13 =	vor.u32 s23, v0;
	[tilespmem:v6+s17+$0x0] =	vst.idx.msk $0xffff, v10;
	v2 =	vadd.f32 v5, v2  }
0x1b6: {  	v5 =	vld [tilespmem:s1+$0xFFFFFFA0];
	v10 =	vadd.f32 v1, v4  }
0x1b7: {  	s23 =	sadd.s32 $0x1, s0;
	v4 =	vld [tilespmem:s25+$0xFFFFFFB0];
	[tilespmem:v9+s17+$0x0] =	vst.idx.msk $0xffff, v2  }
0x1b8: {  	v2 =	vor.u32 s23, v0;
	v6 =	vld [tilespmem:s1+$0xFFFFFFB0];
	v3 =	vadd.f32 v8, v3;
	[tilespmem:v7+s17+$0x0] =	vst.idx.msk $0xffff, v10  }
0x1b9: {  	s23 =	sadd.s32 $0x2, s0;
	v7 =	vld [tilespmem:s25+$0xFFFFFFC0];
	v1 =	vmov v11  }
0x1ba: {  	v8 =	vor.u32 s23, v0;
	v9 =	vld [tilespmem:s1+$0xFFFFFFC0];
	[tilespmem:v13+s17+$0x0] =	vst.idx.msk $0xffff, v3  }
0x1bb: {  	s23 =	sadd.s32 $0x3, s0;
	v3 =	vadd.f32 v5, v12;
	v10 =	vld [tilespmem:s25+$0xFFFFFFD0]  }
0x1bc: {  	v11 =	vor.u32 s23, v0;
	v12 =	vld [tilespmem:s1+$0xFFFFFFD0]  }
0x1bd: {  	s23 =	sadd.s32 $0x4, s0;
	[tilespmem:v2+s17+$0x0] =	vst.idx.msk $0xffff, v3;
	v2 =	vadd.f32 v6, v4;
	v13 =	vld [tilespmem:s25+$0xFFFFFFE0]  }
0x1be: {  	v14 =	vor.u32 s23, v0;
	v15 =	vld [tilespmem:s1+$0xFFFFFFE0]  }
.Ltmp7:
0x1bf: {  	s23 =	sadd.s32 $0x5, s0;
	[tilespmem:v8+s17+$0x0] =	vst.idx.msk $0xffff, v2;
	v3 =	vadd.f32 v9, v7;
	v2 =	vld [tilespmem:s25+$0xFFFFFFF0];
	(pc) =	sbr.rel @p1 .LBB2_13-.Ltmp7, $4  }
0x1c0: {  	v6 =	vor.u32 s23, v0;
	v5 =	vld [tilespmem:s1+$0xFFFFFFF0]  }
0x1c1: {  	s23 =	sadd.s32 $0x6, s0;
	v4 =	vld [tilespmem:s25+$0xFFFFFF90];
	[tilespmem:v11+s17+$0x0] =	vst.idx.msk $0xffff, v3;
	v10 =	vadd.f32 v12, v10;
	s25 =	sadd.s32 $0x80, s25  }
0x1c2: {  	v9 =	vor.u32 s23, v0;
	s1 =	sadd.s32 $0x80, s1;
	v3 =	vld [tilespmem:s25+$0x0]  }
0x1c3: {  	v7 =	vor.u32 s0, v0;
	s0 =	smov.u32 s22;
	s22 =	sadd.s32 $0x8, s22;
	v8 =	vld [tilespmem:s1+$0x0];
	[tilespmem:v14+s17+$0x0] =	vst.idx.msk $0xffff, v10;
	v10 =	vadd.f32 v15, v13  }
0x1c4: {  	v11 =	vld [tilespmem:s1+$0xFFFFFF90]  }
0x1c5: {  	v12 =	vld [tilespmem:s25+$0xFFFFFFA0]  }
0x1c6: {  	v13 =	vld [tilespmem:s1+$0xFFFFFFA0]  }
0x1c7: {  	v14 =	vld [tilespmem:s25+$0xFFFFFFB0]  }
0x1c8: {  	v15 =	vld [tilespmem:s1+$0xFFFFFFB0]  }
0x1c9: {  	v16 =	vld [tilespmem:s25+$0xFFFFFFC0]  }
0x1ca: {  	v17 =	vld [tilespmem:s1+$0xFFFFFFC0]  }
0x1cb: {  	s22 =	sadd.s32 $0x7, s0;
	v18 =	vld [tilespmem:s25+$0xFFFFFFD0]  }
0x1cc: {  	s23 =	sadd.s32 $0x1, s0;
	v20 =	vld [tilespmem:s1+$0xFFFFFFD0];
	v19 =	vor.u32 s22, v0  }
0x1cd: {  	v21 =	vld [tilespmem:s25+$0xFFFFFFE0];
	v2 =	vadd.f32 v5, v2;
	v54 =	vor.u32 s23, v0;
	s23 =	sadd.s32 $0x2, s0  }
0x1ce: {  	v56 =	vld [tilespmem:s1+$0xFFFFFFE0];
	[tilespmem:v6+s17+$0x0] =	vst.idx.msk $0xffff, v10;
	v1 =	vadd.f32 v1, v4;
	v55 =	vor.u32 s23, v0;
	s23 =	sadd.s32 $0x3, s0  }
0x1cf: {  	v57 =	vld [tilespmem:s25+$0xFFFFFFF0];
	[tilespmem:v9+s17+$0x0] =	vst.idx.msk $0xffff, v2;
	v2 =	vadd.f32 v8, v3;
	v3 =	vor.u32 s23, v0;
	s23 =	sadd.s32 $0x4, s0  }
0x1d0: {  	v59 =	vld [tilespmem:s1+$0xFFFFFFF0];
	[tilespmem:v7+s17+$0x0] =	vst.idx.msk $0xffff, v1;
	v1 =	vadd.f32 v13, v12;
	v58 =	vor.u32 s23, v0;
	s23 =	sadd.s32 $0x5, s0  }
0x1d1: {  	v61 =	vld [tilespmem:s25+$0xFFFFFF90];
	s25 =	sadd.s32 $0x6, s0;
	[tilespmem:v19+s17+$0x0] =	vst.idx.msk $0xffff, v2;
	v2 =	vadd.f32 v15, v14;
	v60 =	vor.u32 s23, v0  }
0x1d2: {  	v62 =	vor.u32 s25, v0;
	[tilespmem:v54+s17+$0x0] =	vst.idx.msk $0xffff, v1;
	v1 =	vadd.f32 v17, v16  }
0x1d3: {  	v63 =	vor.u32 s0, v0;
	[tilespmem:v55+s17+$0x0] =	vst.idx.msk $0xffff, v2;
	v2 =	vadd.f32 v20, v18  }
0x1d4: {  	[tilespmem:v3+s17+$0x0] =	vst.idx.msk $0xffff, v1;
	v1 =	vadd.f32 v56, v21  }
0x1d5: {  	[tilespmem:v58+s17+$0x0] =	vst.idx.msk $0xffff, v2;
	v2 =	vadd.f32 v59, v57  }
0x1d6: {  	s1 =	sadd.s32 s7, s16;
	[tilespmem:v60+s17+$0x0] =	vst.idx.msk $0xffff, v1;
	v1 =	vadd.f32 v11, v61  }
0x1d7: {  	s0 =	sshll.u32 s1, $0x7;
	[tilespmem:v62+s17+$0x0] =	vst.idx.msk $0xffff, v2  }
0x1d8: {  	s26 =	sadd.s32 $0x1, s26;
	s7 =	sadd.s32 s2, s0;
	[tilespmem:v63+s17+$0x0] =	vst.idx.msk $0xffff, v1  }
0x1d9: {  	[hbm4b:s7+s3] =	stream.linear.scatter [tilespmem:s17], [sflag:$0x7], $0x400, $0x38;
	[tilespmem:$0x9600] =	vst v63  }
0x1da: {  	p1 =	sne.s32 s26, $0x19;
	s0 =	sadd.s32 s0, s14  }
0x1db: {  	[hbm4b:s0+s3] =	stream.linear.scatter [tilespmem:s18], [sflag:$0x7], $0x400, $0x38;
	[tilespmem:$0x9600] =	vst v63  }
.Ltmp8:
0x1dc: {  	_ = 	snop;
	(pc) =	sbr.rel @p1 .LBB2_8-.Ltmp8, $4  }
0x1dd: {  	s22 =	sadd.s32 $0x500, s28;
	s23 =	simm.s32 $0x5E00  }
0x1de: {  	[tilespmem:s23], [sflag:$0x4] =	stream.indirect.gather [hbm4b:s4+s29], $0x10, s22, s29, $0xb8;
	[tilespmem:$0x9600] =	vst v63  }
0x1df: {  	s25 =	sadd.s32 $0x580, s28;
	s28 =	simm.s32 $0x7600  }
0x1e0: {  	[tilespmem:s28], [sflag:$0x4] =	stream.indirect.gather [hbm4b:s6+s29], $0x10, s25, s29, $0xb8;
	[tilespmem:$0x9600] =	vst v63  }
0x1e1: {  	_ =	swait.ge [sflag:s24], $0x800  }
0x1e2: {  	[sflag:s24] =	ssyncset.done $0x0  }
0x1e3: {  	[sflag:s24] =	ssyncadd.s32 $0xFFFFF800  }
0x1e4: {  	_ =	swait.ge [sflag:s24], $0x800  }
0x1e5: {  	[sflag:s24] =	ssyncset.done $0x0  }
0x1e6: {  	[sflag:s24] =	ssyncadd.s32 $0xFFFFF800  }
0x1e7: {  	_ =	swait.ge [sflag:s19], $0x400  }
0x1e8: {  	[sflag:s19] =	ssyncset.done $0x0  }
0x1e9: {  	[sflag:s19] =	ssyncadd.s32 $0xFFFFFC00  }
0x1ea: {  	_ =	swait.ge [sflag:s19], $0x400  }
0x1eb: {  	[sflag:s19] =	ssyncset.done $0x0  }
0x1ec: {  	s0 =	simm.s32 $0x4E40;
	[sflag:s19] =	ssyncadd.s32 $0xFFFFFC00  }
0x1ed: {  	s1 =	simm.s32 $0x6640;
	v2 =	vld [tilespmem:s0+$0x30]  }
0x1ee: {  	v3 =	vld [tilespmem:s1+$0x30]  }
0x1ef: {  	v1 =	vld [tilespmem:s1+$0xFFFFFFC0]  }
0x1f0: {  	v4 =	vld [tilespmem:s0+$0xFFFFFFD0]  }
0x1f1: {  	v5 =	vld [tilespmem:s1+$0xFFFFFFD0]  }
0x1f2: {  	v6 =	vld [tilespmem:s0+$0xFFFFFFE0]  }
0x1f3: {  	v7 =	vld [tilespmem:s1+$0xFFFFFFE0]  }
0x1f4: {  	s7 =	simm.s32 $0x7;
	v8 =	vld [tilespmem:s0+$0xFFFFFFF0]  }
0x1f5: {  	s22 =	simm.s32 $0x1;
	v9 =	vor.u32 s7, v0;
	v10 =	vld [tilespmem:s1+$0xFFFFFFF0]  }
0x1f6: {  	s23 =	simm.s32 $0x2;
	v11 =	vor.u32 s22, v0;
	v12 =	vld [tilespmem:s0+$0x0]  }
0x1f7: {  	s25 =	simm.s32 $0x3;
	v13 =	vor.u32 s23, v0;
	v14 =	vld [tilespmem:s1+$0x0]  }
0x1f8: {  	s26 =	simm.s32 $0x4;
	v15 =	vor.u32 s25, v0;
	v16 =	vld [tilespmem:s0+$0x10];
	v2 =	vadd.f32 v3, v2  }
0x1f9: {  	v17 =	vor.u32 s26, v0;
	v18 =	vld [tilespmem:s1+$0x10];
	v3 =	vadd.f32 v5, v4  }
0x1fa: {  	s28 =	simm.s32 $0x5;
	v4 =	vadd.f32 v7, v6;
	v5 =	vld [tilespmem:s1+$0x20];
	[tilespmem:v9+s8+$0x0] =	vst.idx.msk $0xffff, v2  }
0x1fb: {  	v7 =	vadd.f32 v10, v8;
	v6 =	vor.u32 s28, v0;
	v2 =	vld [tilespmem:s0+$0x20];
	[tilespmem:v11+s8+$0x0] =	vst.idx.msk $0xffff, v3  }
0x1fc: {  	s22 =	simm.s32 $0x6;
	v10 =	vadd.f32 v14, v12;
	s1 =	simm.s32 $0x66C0;
	[tilespmem:v13+s8+$0x0] =	vst.idx.msk $0xffff, v4;
	v3 =	vld [tilespmem:s0+$0xFFFFFFC0]  }
0x1fd: {  	s7 =	simm.s32 $0x4EC0;
	s23 =	simm.s32 $0x0;
	v8 =	vld [tilespmem:s1+$0x30];
	[tilespmem:v15+s8+$0x0] =	vst.idx.msk $0xffff, v7;
	v9 =	vor.u32 s22, v0  }
0x1fe: {  	v4 =	vld [tilespmem:s7+$0x30];
	s0 =	simm.s32 $0x8;
	s22 =	simm.s32 $0x10;
	v7 =	vor.u32 s23, v0;
	[tilespmem:v17+s8+$0x0] =	vst.idx.msk $0xffff, v10;
	v10 =	vadd.f32 v18, v16  }
.LBB2_16:
0x1ff: {  	p1 =	slt.u32 s22, $0x78;
	v11 =	vld [tilespmem:s1+$0xFFFFFFC0];
	s23 =	sadd.s32 $0x7, s0  }
0x200: {  	v12 =	vld [tilespmem:s7+$0xFFFFFFD0];
	v13 =	vor.u32 s23, v0;
	[tilespmem:v6+s8+$0x0] =	vst.idx.msk $0xffff, v10;
	v2 =	vadd.f32 v5, v2  }
0x201: {  	v5 =	vld [tilespmem:s1+$0xFFFFFFD0];
	v10 =	vadd.f32 v1, v3  }
0x202: {  	s23 =	sadd.s32 $0x1, s0;
	v3 =	vld [tilespmem:s7+$0xFFFFFFE0];
	[tilespmem:v9+s8+$0x0] =	vst.idx.msk $0xffff, v2  }
0x203: {  	v2 =	vor.u32 s23, v0;
	v6 =	vld [tilespmem:s1+$0xFFFFFFE0];
	v4 =	vadd.f32 v8, v4;
	[tilespmem:v7+s8+$0x0] =	vst.idx.msk $0xffff, v10  }
0x204: {  	s23 =	sadd.s32 $0x2, s0;
	v7 =	vld [tilespmem:s7+$0xFFFFFFF0];
	v1 =	vmov v11  }
0x205: {  	v8 =	vor.u32 s23, v0;
	v9 =	vld [tilespmem:s1+$0xFFFFFFF0];
	[tilespmem:v13+s8+$0x0] =	vst.idx.msk $0xffff, v4  }
0x206: {  	s23 =	sadd.s32 $0x3, s0;
	v4 =	vadd.f32 v5, v12;
	v10 =	vld [tilespmem:s7+$0x0]  }
0x207: {  	v11 =	vor.u32 s23, v0;
	v12 =	vld [tilespmem:s1+$0x0]  }
0x208: {  	s23 =	sadd.s32 $0x4, s0;
	[tilespmem:v2+s8+$0x0] =	vst.idx.msk $0xffff, v4;
	v2 =	vadd.f32 v6, v3;
	v13 =	vld [tilespmem:s7+$0x10]  }
0x209: {  	v14 =	vor.u32 s23, v0;
	v15 =	vld [tilespmem:s1+$0x10]  }
.Ltmp9:
0x20a: {  	s23 =	sadd.s32 $0x5, s0;
	[tilespmem:v8+s8+$0x0] =	vst.idx.msk $0xffff, v2;
	v4 =	vadd.f32 v9, v7;
	v2 =	vld [tilespmem:s7+$0x20];
	(pc) =	sbr.rel @p1 .LBB2_16-.Ltmp9, $4  }
0x20b: {  	v6 =	vor.u32 s23, v0;
	v5 =	vld [tilespmem:s1+$0x20]  }
0x20c: {  	s23 =	sadd.s32 $0x6, s0;
	v3 =	vld [tilespmem:s7+$0xFFFFFFC0];
	[tilespmem:v11+s8+$0x0] =	vst.idx.msk $0xffff, v4;
	v10 =	vadd.f32 v12, v10;
	s7 =	sadd.s32 $0x80, s7  }
0x20d: {  	v9 =	vor.u32 s23, v0;
	s1 =	sadd.s32 $0x80, s1;
	v4 =	vld [tilespmem:s7+$0x30]  }
0x20e: {  	v7 =	vor.u32 s0, v0;
	s0 =	smov.u32 s22;
	s22 =	sadd.s32 $0x8, s22;
	v8 =	vld [tilespmem:s1+$0x30];
	[tilespmem:v14+s8+$0x0] =	vst.idx.msk $0xffff, v10;
	v10 =	vadd.f32 v15, v13  }
0x20f: {  	v11 =	vld [tilespmem:s1+$0xFFFFFFC0]  }
0x210: {  	v12 =	vld [tilespmem:s7+$0xFFFFFFD0]  }
0x211: {  	v13 =	vld [tilespmem:s1+$0xFFFFFFD0]  }
0x212: {  	v14 =	vld [tilespmem:s7+$0xFFFFFFE0]  }
0x213: {  	v15 =	vld [tilespmem:s1+$0xFFFFFFE0]  }
0x214: {  	v16 =	vld [tilespmem:s7+$0xFFFFFFF0]  }
0x215: {  	v17 =	vld [tilespmem:s1+$0xFFFFFFF0]  }
0x216: {  	s22 =	sadd.s32 $0x7, s0;
	v18 =	vld [tilespmem:s7+$0x0]  }
0x217: {  	s26 =	sadd.s32 $0x1, s0;
	v20 =	vld [tilespmem:s1+$0x0];
	v19 =	vor.u32 s22, v0  }
0x218: {  	s28 =	sadd.s32 $0x2, s0;
	v21 =	vld [tilespmem:s7+$0x10];
	v2 =	vadd.f32 v5, v2;
	v5 =	vor.u32 s26, v0  }
0x219: {  	s23 =	sadd.s32 $0x3, s0;
	[tilespmem:v6+s8+$0x0] =	vst.idx.msk $0xffff, v10;
	v6 =	vld [tilespmem:s1+$0x10];
	v1 =	vadd.f32 v1, v3;
	v3 =	vor.u32 s28, v0  }
0x21a: {  	s25 =	sadd.s32 $0x4, s0;
	[tilespmem:v9+s8+$0x0] =	vst.idx.msk $0xffff, v2;
	v9 =	vld [tilespmem:s1+$0x20];
	v2 =	vadd.f32 v8, v4;
	v4 =	vor.u32 s23, v0  }
0x21b: {  	s26 =	sadd.s32 $0x5, s0;
	v8 =	vld [tilespmem:s7+$0x20];
	[tilespmem:v7+s8+$0x0] =	vst.idx.msk $0xffff, v1;
	v7 =	vor.u32 s25, v0;
	v1 =	vadd.f32 v13, v12  }
0x21c: {  	v57 =	vld [tilespmem:s7+$0xFFFFFFC0];
	v10 =	vor.u32 s26, v0;
	s28 =	sadd.s32 $0x6, s0;
	[tilespmem:v19+s8+$0x0] =	vst.idx.msk $0xffff, v2;
	v2 =	vadd.f32 v15, v14  }
0x21d: {  	[tilespmem:v5+s8+$0x0] =	vst.idx.msk $0xffff, v1;
	v1 =	vadd.f32 v17, v16;
	v5 =	vor.u32 s28, v0  }
0x21e: {  	[tilespmem:v3+s8+$0x0] =	vst.idx.msk $0xffff, v2;
	v2 =	vadd.f32 v20, v18;
	v3 =	vor.u32 s0, v0  }
0x21f: {  	[tilespmem:v4+s8+$0x0] =	vst.idx.msk $0xffff, v1;
	v1 =	vadd.f32 v6, v21  }
0x220: {  	[tilespmem:v7+s8+$0x0] =	vst.idx.msk $0xffff, v2;
	v2 =	vadd.f32 v9, v8  }
0x221: {  	[tilespmem:v10+s8+$0x0] =	vst.idx.msk $0xffff, v1;
	v1 =	vadd.f32 v11, v57  }
0x222: {  	[tilespmem:v5+s8+$0x0] =	vst.idx.msk $0xffff, v2  }
0x223: {  	[tilespmem:v3+s8+$0x0] =	vst.idx.msk $0xffff, v1  }
0x224: {  	s23 =	simm.s32 $0x0;
	s7 =	rddreg [dreg:$0xb]  }
0x225: {  	[hbm4b:s7+s23] =	stream.linear.scatter [tilespmem:s8], [sflag:$0x5], $0x400, $0x38;
	[tilespmem:$0x9600] =	vst v63  }
0x226: {  	s22 =	rddreg [dreg:$0xc]  }
0x227: {  	[hbm4b:s22+s23] =	stream.linear.scatter [tilespmem:s9], [sflag:$0x5], $0x400, $0x38;
	[tilespmem:$0x9600] =	vst v63  }
0x228: {  	_ =	swait.ge [sflag:s10], $0x800  }
0x229: {  	[sflag:s10] =	ssyncset.done $0x0  }
0x22a: {  	[sflag:s10] =	ssyncadd.s32 $0xFFFFF800  }
0x22b: {  	_ =	swait.ge [sflag:s10], $0x800  }
0x22c: {  	[sflag:s10] =	ssyncset.done $0x0  }
0x22d: {  	[sflag:s10] =	ssyncadd.s32 $0xFFFFF800  }
0x22e: {  	_ =	swait.ge [sflag:s20], $0x400  }
0x22f: {  	[sflag:s20] =	ssyncset.done $0x0  }
0x230: {  	[sflag:s20] =	ssyncadd.s32 $0xFFFFFC00  }
0x231: {  	_ =	swait.ge [sflag:s20], $0x400  }
0x232: {  	[sflag:s20] =	ssyncset.done $0x0  }
0x233: {  	s0 =	simm.s32 $0x5670;
	[sflag:s20] =	ssyncadd.s32 $0xFFFFFC00  }
0x234: {  	s1 =	simm.s32 $0x6E70;
	v2 =	vld [tilespmem:s0+$0x0]  }
0x235: {  	v3 =	vld [tilespmem:s1+$0x0]  }
0x236: {  	v4 =	vld [tilespmem:s0+$0xFFFFFFA0]  }
0x237: {  	v5 =	vld [tilespmem:s1+$0xFFFFFFA0]  }
0x238: {  	v6 =	vld [tilespmem:s0+$0xFFFFFFB0]  }
0x239: {  	v7 =	vld [tilespmem:s1+$0xFFFFFFB0]  }
0x23a: {  	v8 =	vld [tilespmem:s0+$0xFFFFFFC0]  }
0x23b: {  	s25 =	simm.s32 $0x7;
	v10 =	vld [tilespmem:s1+$0xFFFFFFC0]  }
0x23c: {  	s28 =	simm.s32 $0x2;
	v9 =	vor.u32 s25, v0;
	v58 =	vld [tilespmem:s0+$0xFFFFFFD0]  }
0x23d: {  	s26 =	simm.s32 $0x1;
	v59 =	vor.u32 s28, v0;
	v60 =	vld [tilespmem:s1+$0xFFFFFFD0]  }
0x23e: {  	s25 =	simm.s32 $0x4;
	v11 =	vor.u32 s26, v0;
	v1 =	vld [tilespmem:s1+$0xFFFFFF90]  }
0x23f: {  	v62 =	vor.u32 s25, v0;
	s22 =	simm.s32 $0x3;
	v61 =	vld [tilespmem:s0+$0xFFFFFFE0];
	v2 =	vadd.f32 v3, v2  }
0x240: {  	v63 =	vld [tilespmem:s1+$0xFFFFFFE0];
	v3 =	vor.u32 s22, v0;
	v6 =	vadd.f32 v7, v6  }
0x241: {  	s26 =	simm.s32 $0x5;
	v4 =	vadd.f32 v5, v4;
	v5 =	vld [tilespmem:s1+$0xFFFFFFF0];
	[tilespmem:v9+s11+$0x0] =	vst.idx.msk $0xffff, v2  }
0x242: {  	v7 =	vadd.f32 v10, v8;
	v10 =	vadd.f32 v60, v58;
	v2 =	vld [tilespmem:s0+$0xFFFFFFF0];
	[tilespmem:v59+s11+$0x0] =	vst.idx.msk $0xffff, v6;
	v6 =	vor.u32 s26, v0  }
0x243: {  	s28 =	simm.s32 $0x6;
	s1 =	simm.s32 $0x6EF0;
	[tilespmem:v11+s11+$0x0] =	vst.idx.msk $0xffff, v4;
	v4 =	vld [tilespmem:s0+$0xFFFFFF90]  }
0x244: {  	s7 =	simm.s32 $0x56F0;
	v8 =	vld [tilespmem:s1+$0x0];
	v9 =	vor.u32 s28, v0;
	[tilespmem:v62+s11+$0x0] =	vst.idx.msk $0xffff, v10  }
0x245: {  	s22 =	simm.s32 $0x10;
	s0 =	simm.s32 $0x8;
	v10 =	vadd.f32 v63, v61;
	[tilespmem:v3+s11+$0x0] =	vst.idx.msk $0xffff, v7;
	v3 =	vld [tilespmem:s7+$0x0];
	v7 =	vor.u32 s23, v0  }
.LBB2_18:
0x246: {  	p1 =	slt.u32 s22, $0x78;
	v11 =	vld [tilespmem:s1+$0xFFFFFF90];
	s23 =	sadd.s32 $0x7, s0  }
0x247: {  	v12 =	vld [tilespmem:s7+$0xFFFFFFA0];
	v13 =	vor.u32 s23, v0;
	[tilespmem:v6+s11+$0x0] =	vst.idx.msk $0xffff, v10;
	v2 =	vadd.f32 v5, v2  }
0x248: {  	v5 =	vld [tilespmem:s1+$0xFFFFFFA0];
	v10 =	vadd.f32 v1, v4  }
0x249: {  	s23 =	sadd.s32 $0x1, s0;
	v4 =	vld [tilespmem:s7+$0xFFFFFFB0];
	[tilespmem:v9+s11+$0x0] =	vst.idx.msk $0xffff, v2  }
0x24a: {  	v2 =	vor.u32 s23, v0;
	v6 =	vld [tilespmem:s1+$0xFFFFFFB0];
	v3 =	vadd.f32 v8, v3;
	[tilespmem:v7+s11+$0x0] =	vst.idx.msk $0xffff, v10  }
0x24b: {  	s23 =	sadd.s32 $0x2, s0;
	v7 =	vld [tilespmem:s7+$0xFFFFFFC0];
	v1 =	vmov v11  }
0x24c: {  	v8 =	vor.u32 s23, v0;
	v9 =	vld [tilespmem:s1+$0xFFFFFFC0];
	[tilespmem:v13+s11+$0x0] =	vst.idx.msk $0xffff, v3  }
0x24d: {  	s23 =	sadd.s32 $0x3, s0;
	v3 =	vadd.f32 v5, v12;
	v10 =	vld [tilespmem:s7+$0xFFFFFFD0]  }
0x24e: {  	v11 =	vor.u32 s23, v0;
	v12 =	vld [tilespmem:s1+$0xFFFFFFD0]  }
0x24f: {  	s23 =	sadd.s32 $0x4, s0;
	[tilespmem:v2+s11+$0x0] =	vst.idx.msk $0xffff, v3;
	v2 =	vadd.f32 v6, v4;
	v13 =	vld [tilespmem:s7+$0xFFFFFFE0]  }
0x250: {  	v14 =	vor.u32 s23, v0;
	v15 =	vld [tilespmem:s1+$0xFFFFFFE0]  }
.Ltmp10:
0x251: {  	s23 =	sadd.s32 $0x5, s0;
	[tilespmem:v8+s11+$0x0] =	vst.idx.msk $0xffff, v2;
	v3 =	vadd.f32 v9, v7;
	v2 =	vld [tilespmem:s7+$0xFFFFFFF0];
	(pc) =	sbr.rel @p1 .LBB2_18-.Ltmp10, $4  }
0x252: {  	v6 =	vor.u32 s23, v0;
	v5 =	vld [tilespmem:s1+$0xFFFFFFF0]  }
0x253: {  	s23 =	sadd.s32 $0x6, s0;
	v4 =	vld [tilespmem:s7+$0xFFFFFF90];
	[tilespmem:v11+s11+$0x0] =	vst.idx.msk $0xffff, v3;
	v10 =	vadd.f32 v12, v10;
	s7 =	sadd.s32 $0x80, s7  }
0x254: {  	v9 =	vor.u32 s23, v0;
	s1 =	sadd.s32 $0x80, s1;
	v3 =	vld [tilespmem:s7+$0x0]  }
0x255: {  	v7 =	vor.u32 s0, v0;
	s0 =	smov.u32 s22;
	s22 =	sadd.s32 $0x8, s22;
	v8 =	vld [tilespmem:s1+$0x0];
	[tilespmem:v14+s11+$0x0] =	vst.idx.msk $0xffff, v10;
	v10 =	vadd.f32 v15, v13  }
0x256: {  	v11 =	vld [tilespmem:s1+$0xFFFFFF90]  }
0x257: {  	v12 =	vld [tilespmem:s7+$0xFFFFFFA0]  }
0x258: {  	v13 =	vld [tilespmem:s1+$0xFFFFFFA0]  }
0x259: {  	v14 =	vld [tilespmem:s7+$0xFFFFFFB0]  }
0x25a: {  	v15 =	vld [tilespmem:s1+$0xFFFFFFB0]  }
0x25b: {  	v16 =	vld [tilespmem:s7+$0xFFFFFFC0]  }
0x25c: {  	v17 =	vld [tilespmem:s1+$0xFFFFFFC0]  }
0x25d: {  	s22 =	sadd.s32 $0x7, s0;
	v18 =	vld [tilespmem:s7+$0xFFFFFFD0]  }
0x25e: {  	s26 =	sadd.s32 $0x1, s0;
	v20 =	vld [tilespmem:s1+$0xFFFFFFD0];
	v19 =	vor.u32 s22, v0  }
0x25f: {  	s28 =	sadd.s32 $0x2, s0;
	v21 =	vld [tilespmem:s7+$0xFFFFFFE0];
	v2 =	vadd.f32 v5, v2;
	v5 =	vor.u32 s26, v0  }
0x260: {  	s23 =	sadd.s32 $0x3, s0;
	[tilespmem:v6+s11+$0x0] =	vst.idx.msk $0xffff, v10;
	v6 =	vld [tilespmem:s1+$0xFFFFFFE0];
	v1 =	vadd.f32 v1, v4;
	v4 =	vor.u32 s28, v0  }
0x261: {  	s25 =	sadd.s32 $0x4, s0;
	[tilespmem:v9+s11+$0x0] =	vst.idx.msk $0xffff, v2;
	v9 =	vld [tilespmem:s1+$0xFFFFFFF0];
	v2 =	vadd.f32 v8, v3;
	v3 =	vor.u32 s23, v0  }
0x262: {  	s26 =	sadd.s32 $0x5, s0;
	v8 =	vld [tilespmem:s7+$0xFFFFFFF0];
	[tilespmem:v7+s11+$0x0] =	vst.idx.msk $0xffff, v1;
	v7 =	vor.u32 s25, v0;
	v1 =	vadd.f32 v13, v12  }
0x263: {  	v57 =	vld [tilespmem:s7+$0xFFFFFF90];
	v10 =	vor.u32 s26, v0;
	s28 =	sadd.s32 $0x6, s0;
	[tilespmem:v19+s11+$0x0] =	vst.idx.msk $0xffff, v2;
	v2 =	vadd.f32 v15, v14  }
0x264: {  	[tilespmem:v5+s11+$0x0] =	vst.idx.msk $0xffff, v1;
	v1 =	vadd.f32 v17, v16;
	v5 =	vor.u32 s28, v0  }
0x265: {  	[tilespmem:v4+s11+$0x0] =	vst.idx.msk $0xffff, v2;
	v2 =	vadd.f32 v20, v18;
	v4 =	vor.u32 s0, v0  }
0x266: {  	[tilespmem:v3+s11+$0x0] =	vst.idx.msk $0xffff, v1;
	v1 =	vadd.f32 v6, v21  }
0x267: {  	[tilespmem:v7+s11+$0x0] =	vst.idx.msk $0xffff, v2;
	v2 =	vadd.f32 v9, v8  }
0x268: {  	[tilespmem:v10+s11+$0x0] =	vst.idx.msk $0xffff, v1;
	v1 =	vadd.f32 v11, v57  }
0x269: {  	[tilespmem:v5+s11+$0x0] =	vst.idx.msk $0xffff, v2  }
0x26a: {  	[tilespmem:v4+s11+$0x0] =	vst.idx.msk $0xffff, v1  }
0x26b: {  	s23 =	simm.s32 $0x0;
	s7 =	rddreg [dreg:$0xd]  }
0x26c: {  	[hbm4b:s7+s23] =	stream.linear.scatter [tilespmem:s11], [sflag:$0x6], $0x400, $0x38;
	[tilespmem:$0x9600] =	vst v63  }
0x26d: {  	s22 =	rddreg [dreg:$0xe]  }
0x26e: {  	[hbm4b:s22+s23] =	stream.linear.scatter [tilespmem:s12], [sflag:$0x6], $0x400, $0x38;
	[tilespmem:$0x9600] =	vst v63  }
0x26f: {  	_ =	swait.ge [sflag:s13], $0x800  }
0x270: {  	[sflag:s13] =	ssyncset.done $0x0  }
0x271: {  	[sflag:s13] =	ssyncadd.s32 $0xFFFFF800  }
0x272: {  	_ =	swait.ge [sflag:s13], $0x800  }
0x273: {  	[sflag:s13] =	ssyncset.done $0x0  }
0x274: {  	[sflag:s13] =	ssyncadd.s32 $0xFFFFF800  }
0x275: {  	_ =	swait.ge [sflag:s21], $0x400  }
0x276: {  	[sflag:s21] =	ssyncset.done $0x0  }
0x277: {  	[sflag:s21] =	ssyncadd.s32 $0xFFFFFC00  }
0x278: {  	_ =	swait.ge [sflag:s21], $0x400  }
0x279: {  	[sflag:s21] =	ssyncset.done $0x0  }
0x27a: {  	s0 =	simm.s32 $0x5E70;
	[sflag:s21] =	ssyncadd.s32 $0xFFFFFC00  }
0x27b: {  	s1 =	simm.s32 $0x7670;
	v2 =	vld [tilespmem:s0+$0x0]  }
0x27c: {  	v3 =	vld [tilespmem:s1+$0x0]  }
0x27d: {  	v4 =	vld [tilespmem:s0+$0xFFFFFFA0]  }
0x27e: {  	v5 =	vld [tilespmem:s1+$0xFFFFFFA0]  }
0x27f: {  	v6 =	vld [tilespmem:s0+$0xFFFFFFB0]  }
0x280: {  	v7 =	vld [tilespmem:s1+$0xFFFFFFB0]  }
0x281: {  	v8 =	vld [tilespmem:s0+$0xFFFFFFC0]  }
0x282: {  	s25 =	simm.s32 $0x7;
	v10 =	vld [tilespmem:s1+$0xFFFFFFC0]  }
0x283: {  	s28 =	simm.s32 $0x2;
	v9 =	vor.u32 s25, v0;
	v58 =	vld [tilespmem:s0+$0xFFFFFFD0]  }
0x284: {  	s26 =	simm.s32 $0x1;
	v59 =	vor.u32 s28, v0;
	v60 =	vld [tilespmem:s1+$0xFFFFFFD0]  }
0x285: {  	s25 =	simm.s32 $0x4;
	v11 =	vor.u32 s26, v0;
	v1 =	vld [tilespmem:s1+$0xFFFFFF90]  }
0x286: {  	v62 =	vor.u32 s25, v0;
	s22 =	simm.s32 $0x3;
	v61 =	vld [tilespmem:s0+$0xFFFFFFE0];
	v2 =	vadd.f32 v3, v2  }
0x287: {  	v63 =	vld [tilespmem:s1+$0xFFFFFFE0];
	v3 =	vor.u32 s22, v0;
	v6 =	vadd.f32 v7, v6  }
0x288: {  	s26 =	simm.s32 $0x5;
	v4 =	vadd.f32 v5, v4;
	v5 =	vld [tilespmem:s1+$0xFFFFFFF0];
	[tilespmem:v9+s17+$0x0] =	vst.idx.msk $0xffff, v2  }
0x289: {  	v7 =	vadd.f32 v10, v8;
	v10 =	vadd.f32 v60, v58;
	v2 =	vld [tilespmem:s0+$0xFFFFFFF0];
	[tilespmem:v59+s17+$0x0] =	vst.idx.msk $0xffff, v6;
	v6 =	vor.u32 s26, v0  }
0x28a: {  	s28 =	simm.s32 $0x6;
	s1 =	simm.s32 $0x76F0;
	[tilespmem:v11+s17+$0x0] =	vst.idx.msk $0xffff, v4;
	v4 =	vld [tilespmem:s0+$0xFFFFFF90]  }
0x28b: {  	s7 =	simm.s32 $0x5EF0;
	v8 =	vld [tilespmem:s1+$0x0];
	v9 =	vor.u32 s28, v0;
	[tilespmem:v62+s17+$0x0] =	vst.idx.msk $0xffff, v10  }
0x28c: {  	s22 =	simm.s32 $0x10;
	s0 =	simm.s32 $0x8;
	v10 =	vadd.f32 v63, v61;
	[tilespmem:v3+s17+$0x0] =	vst.idx.msk $0xffff, v7;
	v3 =	vld [tilespmem:s7+$0x0];
	v7 =	vor.u32 s23, v0  }
.LBB2_20:
0x28d: {  	p1 =	slt.u32 s22, $0x78;
	v11 =	vld [tilespmem:s1+$0xFFFFFF90];
	s23 =	sadd.s32 $0x7, s0  }
0x28e: {  	v12 =	vld [tilespmem:s7+$0xFFFFFFA0];
	v13 =	vor.u32 s23, v0;
	[tilespmem:v6+s17+$0x0] =	vst.idx.msk $0xffff, v10;
	v2 =	vadd.f32 v5, v2  }
0x28f: {  	v5 =	vld [tilespmem:s1+$0xFFFFFFA0];
	v10 =	vadd.f32 v1, v4  }
0x290: {  	s23 =	sadd.s32 $0x1, s0;
	v4 =	vld [tilespmem:s7+$0xFFFFFFB0];
	[tilespmem:v9+s17+$0x0] =	vst.idx.msk $0xffff, v2  }
0x291: {  	v2 =	vor.u32 s23, v0;
	v6 =	vld [tilespmem:s1+$0xFFFFFFB0];
	v3 =	vadd.f32 v8, v3;
	[tilespmem:v7+s17+$0x0] =	vst.idx.msk $0xffff, v10  }
0x292: {  	s23 =	sadd.s32 $0x2, s0;
	v7 =	vld [tilespmem:s7+$0xFFFFFFC0];
	v1 =	vmov v11  }
0x293: {  	v8 =	vor.u32 s23, v0;
	v9 =	vld [tilespmem:s1+$0xFFFFFFC0];
	[tilespmem:v13+s17+$0x0] =	vst.idx.msk $0xffff, v3  }
0x294: {  	s23 =	sadd.s32 $0x3, s0;
	v3 =	vadd.f32 v5, v12;
	v10 =	vld [tilespmem:s7+$0xFFFFFFD0]  }
0x295: {  	v11 =	vor.u32 s23, v0;
	v12 =	vld [tilespmem:s1+$0xFFFFFFD0]  }
0x296: {  	s23 =	sadd.s32 $0x4, s0;
	[tilespmem:v2+s17+$0x0] =	vst.idx.msk $0xffff, v3;
	v2 =	vadd.f32 v6, v4;
	v13 =	vld [tilespmem:s7+$0xFFFFFFE0]  }
0x297: {  	v14 =	vor.u32 s23, v0;
	v15 =	vld [tilespmem:s1+$0xFFFFFFE0]  }
.Ltmp11:
0x298: {  	s23 =	sadd.s32 $0x5, s0;
	[tilespmem:v8+s17+$0x0] =	vst.idx.msk $0xffff, v2;
	v3 =	vadd.f32 v9, v7;
	v2 =	vld [tilespmem:s7+$0xFFFFFFF0];
	(pc) =	sbr.rel @p1 .LBB2_20-.Ltmp11, $4  }
0x299: {  	v6 =	vor.u32 s23, v0;
	v5 =	vld [tilespmem:s1+$0xFFFFFFF0]  }
0x29a: {  	s23 =	sadd.s32 $0x6, s0;
	v4 =	vld [tilespmem:s7+$0xFFFFFF90];
	[tilespmem:v11+s17+$0x0] =	vst.idx.msk $0xffff, v3;
	v10 =	vadd.f32 v12, v10;
	s7 =	sadd.s32 $0x80, s7  }
0x29b: {  	v9 =	vor.u32 s23, v0;
	s1 =	sadd.s32 $0x80, s1;
	v3 =	vld [tilespmem:s7+$0x0]  }
0x29c: {  	v7 =	vor.u32 s0, v0;
	s0 =	smov.u32 s22;
	s22 =	sadd.s32 $0x8, s22;
	v8 =	vld [tilespmem:s1+$0x0];
	[tilespmem:v14+s17+$0x0] =	vst.idx.msk $0xffff, v10;
	v10 =	vadd.f32 v15, v13  }
0x29d: {  	v11 =	vld [tilespmem:s1+$0xFFFFFF90]  }
0x29e: {  	v12 =	vld [tilespmem:s7+$0xFFFFFFA0]  }
0x29f: {  	v13 =	vld [tilespmem:s1+$0xFFFFFFA0]  }
0x2a0: {  	v14 =	vld [tilespmem:s7+$0xFFFFFFB0]  }
0x2a1: {  	v15 =	vld [tilespmem:s1+$0xFFFFFFB0]  }
0x2a2: {  	v16 =	vld [tilespmem:s7+$0xFFFFFFC0]  }
0x2a3: {  	v17 =	vld [tilespmem:s1+$0xFFFFFFC0]  }
0x2a4: {  	s22 =	sadd.s32 $0x7, s0;
	v18 =	vld [tilespmem:s7+$0xFFFFFFD0]  }
0x2a5: {  	s23 =	sadd.s32 $0x1, s0;
	v20 =	vld [tilespmem:s1+$0xFFFFFFD0];
	v19 =	vor.u32 s22, v0  }
0x2a6: {  	s25 =	sadd.s32 $0x2, s0;
	v21 =	vld [tilespmem:s7+$0xFFFFFFE0];
	v2 =	vadd.f32 v5, v2;
	v54 =	vor.u32 s23, v0  }
0x2a7: {  	s26 =	sadd.s32 $0x3, s0;
	v56 =	vld [tilespmem:s1+$0xFFFFFFE0];
	[tilespmem:v6+s17+$0x0] =	vst.idx.msk $0xffff, v10;
	v55 =	vor.u32 s25, v0;
	v1 =	vadd.f32 v1, v4  }
0x2a8: {  	s28 =	sadd.s32 $0x4, s0;
	v57 =	vld [tilespmem:s7+$0xFFFFFFF0];
	[tilespmem:v9+s17+$0x0] =	vst.idx.msk $0xffff, v2;
	v2 =	vadd.f32 v8, v3;
	v3 =	vor.u32 s26, v0  }
0x2a9: {  	v59 =	vld [tilespmem:s1+$0xFFFFFFF0];
	v58 =	vor.u32 s28, v0;
	s23 =	sadd.s32 $0x5, s0;
	[tilespmem:v7+s17+$0x0] =	vst.idx.msk $0xffff, v1;
	v1 =	vadd.f32 v13, v12  }
0x2aa: {  	v61 =	vld [tilespmem:s7+$0xFFFFFF90];
	s25 =	sadd.s32 $0x6, s0;
	v60 =	vor.u32 s23, v0;
	[tilespmem:v19+s17+$0x0] =	vst.idx.msk $0xffff, v2;
	v2 =	vadd.f32 v15, v14  }
0x2ab: {  	v62 =	vor.u32 s25, v0;
	[tilespmem:v54+s17+$0x0] =	vst.idx.msk $0xffff, v1;
	v1 =	vadd.f32 v17, v16  }
0x2ac: {  	v63 =	vor.u32 s0, v0;
	[tilespmem:v55+s17+$0x0] =	vst.idx.msk $0xffff, v2;
	v2 =	vadd.f32 v20, v18  }
0x2ad: {  	[tilespmem:v3+s17+$0x0] =	vst.idx.msk $0xffff, v1;
	v1 =	vadd.f32 v56, v21  }
0x2ae: {  	[tilespmem:v58+s17+$0x0] =	vst.idx.msk $0xffff, v2;
	v2 =	vadd.f32 v59, v57  }
0x2af: {  	[tilespmem:v60+s17+$0x0] =	vst.idx.msk $0xffff, v1;
	v1 =	vadd.f32 v11, v61  }
0x2b0: {  	[tilespmem:v62+s17+$0x0] =	vst.idx.msk $0xffff, v2  }
0x2b1: {  	[tilespmem:v63+s17+$0x0] =	vst.idx.msk $0xffff, v1  }
0x2b2: {  	s26 =	rddreg [dreg:$0xf]  }
0x2b3: {  	[hbm4b:s26+s3] =	stream.linear.scatter [tilespmem:s17], [sflag:$0x7], $0x400, $0x38;
	[tilespmem:$0x9600] =	vst v63  }
0x2b4: {  	s28 =	rddreg [dreg:$0x14]  }
0x2b5: {  	[hbm4b:s28+s3] =	stream.linear.scatter [tilespmem:s18], [sflag:$0x7], $0x400, $0x38;
	[tilespmem:$0x9600] =	vst v63  }
0x2b6: {  	_ =	swait.ge [sflag:s19], $0x400  }
0x2b7: {  	[sflag:s19] =	ssyncset.done $0x0  }
0x2b8: {  	[sflag:s19] =	ssyncadd.s32 $0xFFFFFC00  }
0x2b9: {  	_ =	swait.ge [sflag:s19], $0x400  }
0x2ba: {  	[sflag:s19] =	ssyncset.done $0x0  }
0x2bb: {  	[sflag:s19] =	ssyncadd.s32 $0xFFFFFC00  }
0x2bc: {  	_ =	swait.ge [sflag:s20], $0x400  }
0x2bd: {  	[sflag:s20] =	ssyncset.done $0x0  }
0x2be: {  	[sflag:s20] =	ssyncadd.s32 $0xFFFFFC00  }
0x2bf: {  	_ =	swait.ge [sflag:s20], $0x400  }
0x2c0: {  	[sflag:s20] =	ssyncset.done $0x0  }
0x2c1: {  	[sflag:s20] =	ssyncadd.s32 $0xFFFFFC00  }
0x2c2: {  	_ =	swait.ge [sflag:s21], $0x400  }
.Ltmp12:
0x2c3: {  	[sflag:s21] =	ssyncset.done $0x0;
	(pc) =	sbr.rel @p0 .LBB2_25-.Ltmp12, $4  }
0x2c4: {  	[sflag:s21] =	ssyncadd.s32 $0xFFFFFC00  }
0x2c5: {  	_ =	swait.ge [sflag:s21], $0x400  }
0x2c6: {  	[sflag:s21] =	ssyncset.done $0x0  }
0x2c7: {  	s1 =	rddreg [dreg:$0x15];
	[sflag:s21] =	ssyncadd.s32 $0xFFFFFC00  }
0x2c8: {  	s23 =	simm.s32 $0x0;
	s0 =	rddreg [dreg:$0x10];
	s26 =	simm.s32 $0x8  }
0x2c9: {  	[tilespmem:s23], [sflag:$0x8] =	stream.linear.gather [hbm4b:s0+s23], $0x100, $0x38;
	[tilespmem:$0x9600] =	vst v63  }
0x2ca: {  	_ =	swait.ge [sflag:s26], $0x100  }
0x2cb: {  	[sflag:s26] =	ssyncset.done $0x0  }
0x2cc: {  	[sflag:s26] =	ssyncadd.s32 $0xFFFFFF00  }
0x2cd: {  	[tilespmem:s30], [sflag:$0x2] =	stream.indirect.gather [hbm4b:s4+s29], $0x10, s23, s29, $0xb8;
	[tilespmem:$0x9600] =	vst v63  }
0x2ce: {  	_ = 	snop  }
0x2cf: {  	[tilespmem:s31], [sflag:$0x2] =	stream.indirect.gather [hbm4b:s6+s29], $0x10, s29, s29, $0xb8;
	[tilespmem:$0x9600] =	vst v63  }
0x2d0: {  	_ =	swait.ge [sflag:s24], $0x800  }
0x2d1: {  	[sflag:s24] =	ssyncset.done $0x0  }
0x2d2: {  	[sflag:s24] =	ssyncadd.s32 $0xFFFFF800  }
0x2d3: {  	_ =	swait.ge [sflag:s24], $0x800  }
0x2d4: {  	[sflag:s24] =	ssyncset.done $0x0  }
0x2d5: {  	s0 =	simm.s32 $0x4E40;
	[sflag:s24] =	ssyncadd.s32 $0xFFFFF800  }
0x2d6: {  	s1 =	simm.s32 $0x6640;
	v2 =	vld [tilespmem:s0+$0x30]  }
0x2d7: {  	v3 =	vld [tilespmem:s1+$0x30]  }
0x2d8: {  	v4 =	vld [tilespmem:s0+$0xFFFFFFD0]  }
0x2d9: {  	v5 =	vld [tilespmem:s1+$0xFFFFFFD0]  }
0x2da: {  	v6 =	vld [tilespmem:s0+$0xFFFFFFE0]  }
0x2db: {  	v7 =	vld [tilespmem:s1+$0xFFFFFFE0]  }
0x2dc: {  	v8 =	vld [tilespmem:s0+$0xFFFFFFF0]  }
0x2dd: {  	s7 =	simm.s32 $0x7;
	v10 =	vld [tilespmem:s1+$0xFFFFFFF0]  }
0x2de: {  	s22 =	simm.s32 $0x2;
	v9 =	vor.u32 s7, v0;
	v12 =	vld [tilespmem:s0+$0x0]  }
0x2df: {  	s28 =	simm.s32 $0x1;
	v13 =	vor.u32 s22, v0;
	v14 =	vld [tilespmem:s1+$0x0]  }
0x2e0: {  	v11 =	vor.u32 s28, v0;
	s26 =	simm.s32 $0x4;
	v1 =	vld [tilespmem:s1+$0xFFFFFFC0]  }
0x2e1: {  	s25 =	simm.s32 $0x3;
	v16 =	vor.u32 s26, v0;
	v15 =	vld [tilespmem:s0+$0x10];
	v2 =	vadd.f32 v3, v2  }
0x2e2: {  	v17 =	vld [tilespmem:s1+$0x10];
	v3 =	vor.u32 s25, v0;
	v6 =	vadd.f32 v7, v6  }
0x2e3: {  	s28 =	simm.s32 $0x5;
	v4 =	vadd.f32 v5, v4;
	v5 =	vld [tilespmem:s1+$0x20];
	[tilespmem:v9+s8+$0x0] =	vst.idx.msk $0xffff, v2  }
0x2e4: {  	v7 =	vadd.f32 v10, v8;
	v10 =	vadd.f32 v14, v12;
	v2 =	vld [tilespmem:s0+$0x20];
	[tilespmem:v13+s8+$0x0] =	vst.idx.msk $0xffff, v6;
	v6 =	vor.u32 s28, v0  }
0x2e5: {  	s22 =	simm.s32 $0x6;
	s1 =	simm.s32 $0x66C0;
	[tilespmem:v11+s8+$0x0] =	vst.idx.msk $0xffff, v4;
	v4 =	vld [tilespmem:s0+$0xFFFFFFC0]  }
0x2e6: {  	s7 =	simm.s32 $0x4EC0;
	v8 =	vld [tilespmem:s1+$0x30];
	v9 =	vor.u32 s22, v0;
	[tilespmem:v16+s8+$0x0] =	vst.idx.msk $0xffff, v10  }
0x2e7: {  	s0 =	simm.s32 $0x8;
	s22 =	simm.s32 $0x10;
	v10 =	vadd.f32 v17, v15;
	[tilespmem:v3+s8+$0x0] =	vst.idx.msk $0xffff, v7;
	v3 =	vld [tilespmem:s7+$0x30];
	v7 =	vor.u32 s23, v0  }
.LBB2_23:
0x2e8: {  	p1 =	slt.u32 s22, $0x78;
	v11 =	vld [tilespmem:s1+$0xFFFFFFC0];
	s23 =	sadd.s32 $0x7, s0  }
0x2e9: {  	v12 =	vld [tilespmem:s7+$0xFFFFFFD0];
	v13 =	vor.u32 s23, v0;
	[tilespmem:v6+s8+$0x0] =	vst.idx.msk $0xffff, v10;
	v2 =	vadd.f32 v5, v2  }
0x2ea: {  	v5 =	vld [tilespmem:s1+$0xFFFFFFD0];
	v10 =	vadd.f32 v1, v4  }
0x2eb: {  	s23 =	sadd.s32 $0x1, s0;
	v4 =	vld [tilespmem:s7+$0xFFFFFFE0];
	[tilespmem:v9+s8+$0x0] =	vst.idx.msk $0xffff, v2  }
0x2ec: {  	v2 =	vor.u32 s23, v0;
	v6 =	vld [tilespmem:s1+$0xFFFFFFE0];
	v3 =	vadd.f32 v8, v3;
	[tilespmem:v7+s8+$0x0] =	vst.idx.msk $0xffff, v10  }
0x2ed: {  	s23 =	sadd.s32 $0x2, s0;
	v7 =	vld [tilespmem:s7+$0xFFFFFFF0];
	v1 =	vmov v11  }
0x2ee: {  	v8 =	vor.u32 s23, v0;
	v9 =	vld [tilespmem:s1+$0xFFFFFFF0];
	[tilespmem:v13+s8+$0x0] =	vst.idx.msk $0xffff, v3  }
0x2ef: {  	s23 =	sadd.s32 $0x3, s0;
	v3 =	vadd.f32 v5, v12;
	v10 =	vld [tilespmem:s7+$0x0]  }
0x2f0: {  	v11 =	vor.u32 s23, v0;
	v12 =	vld [tilespmem:s1+$0x0]  }
0x2f1: {  	s23 =	sadd.s32 $0x4, s0;
	[tilespmem:v2+s8+$0x0] =	vst.idx.msk $0xffff, v3;
	v2 =	vadd.f32 v6, v4;
	v13 =	vld [tilespmem:s7+$0x10]  }
0x2f2: {  	v14 =	vor.u32 s23, v0;
	v15 =	vld [tilespmem:s1+$0x10]  }
.Ltmp13:
0x2f3: {  	s23 =	sadd.s32 $0x5, s0;
	[tilespmem:v8+s8+$0x0] =	vst.idx.msk $0xffff, v2;
	v3 =	vadd.f32 v9, v7;
	v2 =	vld [tilespmem:s7+$0x20];
	(pc) =	sbr.rel @p1 .LBB2_23-.Ltmp13, $4  }
0x2f4: {  	v6 =	vor.u32 s23, v0;
	v5 =	vld [tilespmem:s1+$0x20]  }
0x2f5: {  	s23 =	sadd.s32 $0x6, s0;
	v4 =	vld [tilespmem:s7+$0xFFFFFFC0];
	[tilespmem:v11+s8+$0x0] =	vst.idx.msk $0xffff, v3;
	v10 =	vadd.f32 v12, v10;
	s7 =	sadd.s32 $0x80, s7  }
0x2f6: {  	v9 =	vor.u32 s23, v0;
	s1 =	sadd.s32 $0x80, s1;
	v3 =	vld [tilespmem:s7+$0x30]  }
0x2f7: {  	v7 =	vor.u32 s0, v0;
	s0 =	smov.u32 s22;
	s22 =	sadd.s32 $0x8, s22;
	v8 =	vld [tilespmem:s1+$0x30];
	[tilespmem:v14+s8+$0x0] =	vst.idx.msk $0xffff, v10;
	v10 =	vadd.f32 v15, v13  }
0x2f8: {  	v11 =	vld [tilespmem:s1+$0xFFFFFFC0]  }
0x2f9: {  	v12 =	vld [tilespmem:s7+$0xFFFFFFD0]  }
0x2fa: {  	v13 =	vld [tilespmem:s1+$0xFFFFFFD0]  }
0x2fb: {  	v14 =	vld [tilespmem:s7+$0xFFFFFFE0]  }
0x2fc: {  	v15 =	vld [tilespmem:s1+$0xFFFFFFE0]  }
0x2fd: {  	v16 =	vld [tilespmem:s7+$0xFFFFFFF0]  }
0x2fe: {  	v17 =	vld [tilespmem:s1+$0xFFFFFFF0]  }
0x2ff: {  	s22 =	sadd.s32 $0x7, s0;
	v18 =	vld [tilespmem:s7+$0x0]  }
0x300: {  	s23 =	sadd.s32 $0x1, s0;
	v20 =	vld [tilespmem:s1+$0x0];
	v19 =	vor.u32 s22, v0  }
0x301: {  	s25 =	sadd.s32 $0x2, s0;
	v21 =	vld [tilespmem:s7+$0x10];
	v2 =	vadd.f32 v5, v2;
	v54 =	vor.u32 s23, v0  }
0x302: {  	s26 =	sadd.s32 $0x3, s0;
	v56 =	vld [tilespmem:s1+$0x10];
	[tilespmem:v6+s8+$0x0] =	vst.idx.msk $0xffff, v10;
	v55 =	vor.u32 s25, v0;
	v1 =	vadd.f32 v1, v4  }
0x303: {  	s28 =	sadd.s32 $0x4, s0;
	v57 =	vld [tilespmem:s7+$0x20];
	[tilespmem:v9+s8+$0x0] =	vst.idx.msk $0xffff, v2;
	v2 =	vadd.f32 v8, v3;
	v3 =	vor.u32 s26, v0  }
0x304: {  	v59 =	vld [tilespmem:s1+$0x20];
	v58 =	vor.u32 s28, v0;
	s23 =	sadd.s32 $0x5, s0;
	[tilespmem:v7+s8+$0x0] =	vst.idx.msk $0xffff, v1;
	v1 =	vadd.f32 v13, v12  }
0x305: {  	v61 =	vld [tilespmem:s7+$0xFFFFFFC0];
	s25 =	sadd.s32 $0x6, s0;
	v60 =	vor.u32 s23, v0;
	[tilespmem:v19+s8+$0x0] =	vst.idx.msk $0xffff, v2;
	v2 =	vadd.f32 v15, v14  }
0x306: {  	v62 =	vor.u32 s25, v0;
	[tilespmem:v54+s8+$0x0] =	vst.idx.msk $0xffff, v1;
	v1 =	vadd.f32 v17, v16  }
0x307: {  	v63 =	vor.u32 s0, v0;
	[tilespmem:v55+s8+$0x0] =	vst.idx.msk $0xffff, v2;
	v2 =	vadd.f32 v20, v18  }
0x308: {  	[tilespmem:v3+s8+$0x0] =	vst.idx.msk $0xffff, v1;
	v1 =	vadd.f32 v56, v21  }
0x309: {  	[tilespmem:v58+s8+$0x0] =	vst.idx.msk $0xffff, v2;
	v2 =	vadd.f32 v59, v57  }
0x30a: {  	[tilespmem:v60+s8+$0x0] =	vst.idx.msk $0xffff, v1;
	v1 =	vadd.f32 v11, v61  }
0x30b: {  	[tilespmem:v62+s8+$0x0] =	vst.idx.msk $0xffff, v2  }
0x30c: {  	[tilespmem:v63+s8+$0x0] =	vst.idx.msk $0xffff, v1  }
0x30d: {  	s26 =	rddreg [dreg:$0x11]  }
0x30e: {  	[hbm4b:s26+s3] =	stream.linear.scatter [tilespmem:s8], [sflag:$0x5], $0x400, $0x38;
	[tilespmem:$0x9600] =	vst v63  }
0x30f: {  	s28 =	rddreg [dreg:$0x12]  }
0x310: {  	[hbm4b:s28+s3] =	stream.linear.scatter [tilespmem:s9], [sflag:$0x5], $0x400, $0x38;
	[tilespmem:$0x9600] =	vst v63  }
0x311: {  	_ =	swait.ge [sflag:s19], $0x400  }
.Ltmp14:
0x312: {  	[sflag:s19] =	ssyncset.done $0x0;
	(pc) =	sbr.rel .LBB2_25-.Ltmp14, $4  }
0x313: {  	[sflag:s19] =	ssyncadd.s32 $0xFFFFFC00  }
0x314: {  	_ =	swait.ge [sflag:s19], $0x400  }
0x315: {  	[sflag:s19] =	ssyncset.done $0x0  }
0x316: {  	s1 =	rddreg [dreg:$0x15];
	[sflag:s19] =	ssyncadd.s32 $0xFFFFFC00  }
.LBB2_26:
0x317: {  	_ =	sfence.sel $0x180000  }
0x318: {  	[bflag:$0x0] =	sbarrier.arrive $0xFFFF  }
0x319: {  	_ =	strace $0x90000047  }
0x31a: {  	s0 =	stileid.u32;
	[bflag:$0x2] =	sbarrier.arrive $0xFFFF  }
0x31b: {  	p0 =	sne.s32 s0, $0x0;
	s0 =	rddreg [dreg:$0x3]  }
0x31c: {  	s0 =	sadd.s32 @!p0 $0x100000, s0  }
0x31d: {  	[sflag:s0] =	ssyncadd.tile.s32 @!p0 $0x1;
	_ =	shalt  }
.Lfunc_end2:
_tile_overlayer_lowered:
.L_overlay_start_2:
0x31e: {  	(tag) =	ssettag $0x2  }
0x31f: {  	s0 =	rddreg [dreg:$0x0];
	s2 =	stileid.u32  }
0x320: {  	s1 =	rddreg [dreg:$0x1];
	p0 =	sne.s32 s2, $0x0  }
0x321: {  	s3 =	rddreg [dreg:$0x2];
	[bflag:$0x3] =	sbarrier.arrive $0xFFFF;
	s2 =	simm.s32 @!p0 $0x1C08  }
0x322: {  	[timem:s3], [sflag:s2] =	dma.local @!p0 [hbm:s0], s1  }
0x323: {  	s0 =	simm.s32 @!p0 $0x8  }
0x324: {  	_ =	swait.ge @!p0 [sflag:s0], s1  }
0x325: {  	s1 =	ssub.s32 @!p0 $0x0, s1;
	[sflag:s0] =	ssyncset.done @!p0 $0x0  }
0x326: {  	[sflag:s0] =	ssyncadd.s32 @!p0 s1  }
0x327: {  	[bflag:$0x3] =	sbarrier.arrive $0xFFFF  }
0x328: {  	_ =	shalt  }

</sc_bundles>
